<compile_context>
chip_gen: v7x
topology: tpu7x:2x2x1
jax: 0.10.2.dev20260603
libtpu: 0.0.44.dev20260713+nightly
codegen_flags: <defaults>
</compile_context>

<pallas_src>
import jax
import jax.numpy as jnp
from jax import lax
from jax.experimental import pallas as pl
from jax.experimental.pallas import tpu as pltpu
from jax.experimental.pallas import tpu_sc as plsc

K_TOP_N = 8
SEQ = 8192
CH = 64
NC, NS, LANES = 2, 16, 16
NW = NC * NS
CGS = CH // LANES
CHUNK = 256
NCHUNK = SEQ // CHUNK
GRP = 8
NGRP = CHUNK // GRP
OUT_W = CH * K_TOP_N
B_SC = 96

SORT8 = ((0, 1), (2, 3), (4, 5), (6, 7),
         (0, 2), (1, 3), (4, 6), (5, 7),
         (1, 2), (5, 6),
         (0, 4), (1, 5), (2, 6), (3, 7),
         (2, 4), (3, 5),
         (1, 2), (3, 4), (5, 6))
BITONIC8 = ((0, 4), (1, 5), (2, 6), (3, 7),
            (0, 2), (1, 3), (4, 6), (5, 7),
            (0, 1), (2, 3), (4, 5), (6, 7))


def _net(v, pairs):
    for (i, j) in pairs:
        hi = jnp.maximum(v[i], v[j])
        lo = jnp.minimum(v[i], v[j])
        v[i], v[j] = hi, lo
    return v


def _sc_body(x_hbm, out_hbm, buf0, buf1, stage, sem0, sem1):
    wid = lax.axis_index("s") * NC + lax.axis_index("c")
    bpw = B_SC // NW
    neg_inf = jnp.full((LANES,), -jnp.inf, jnp.float32)

    def process(buf, T32):
        def grp_body(g, Tflat):
            s = g * GRP
            out = []
            for cg in range(CGS):
                T = list(Tflat[cg * K_TOP_N:(cg + 1) * K_TOP_N])
                v = [buf[s + j, pl.ds(cg * LANES, LANES)] for j in range(GRP)]
                v = _net(v, SORT8)
                m = [jnp.maximum(T[i], v[K_TOP_N - 1 - i])
                     for i in range(K_TOP_N)]
                out += _net(m, BITONIC8)
            return tuple(out)

        return lax.fori_loop(0, NGRP, grp_body, tuple(T32))

    def chunk_src(b, ci):
        return x_hbm.at[b, pl.ds(ci * CHUNK, CHUNK), :]

    def batch_body(i, _carry):
        b = wid * bpw + i

        pltpu.make_async_copy(chunk_src(b, 0), buf0, sem0).start()

        def pair_body(pi, T32):
            ci = pi * 2
            pltpu.make_async_copy(chunk_src(b, ci), buf0, sem0).wait()
            pltpu.make_async_copy(chunk_src(b, ci + 1), buf1, sem1).start()
            T32 = process(buf0, T32)

            @pl.when(pi < NCHUNK // 2 - 1)
            def _():
                pltpu.make_async_copy(chunk_src(b, ci + 2), buf0, sem0).start()

            pltpu.make_async_copy(chunk_src(b, ci + 1), buf1, sem1).wait()
            T32 = process(buf1, T32)
            return T32

        T32 = lax.fori_loop(0, NCHUNK // 2, pair_body,
                            (neg_inf,) * (CGS * K_TOP_N))
        lane = lax.iota(jnp.int32, LANES)
        for cg in range(CGS):
            for j in range(K_TOP_N):
                idx = lane * K_TOP_N + (cg * LANES * K_TOP_N + j)
                plsc.store_scatter(stage, [idx], T32[cg * K_TOP_N + j])
        pltpu.sync_copy(stage, out_hbm.at[pl.ds(b * OUT_W, OUT_W)])
        return 0

    lax.fori_loop(0, bpw, batch_body, 0)


def _tc_body(x_ref, out_ref):
    a = x_ref[0].reshape(K_TOP_N, SEQ // K_TOP_N, CH)
    v = _net([a[i] for i in range(K_TOP_N)], SORT8)
    n = SEQ // K_TOP_N
    while n > 1:
        h = n // 2
        m = [jnp.maximum(v[i][:h], v[K_TOP_N - 1 - i][h:])
             for i in range(K_TOP_N)]
        v = _net(m, BITONIC8)
        n = h
    for i in range(K_TOP_N):
        out_ref[0, :, i] = v[i][0]


def kernel(inputs):
    x = inputs
    b = x.shape[0]
    b_tc = b - B_SC

    out_tc3 = pl.pallas_call(
        _tc_body,
        grid=(b_tc,),
        in_specs=[pl.BlockSpec((1, SEQ, CH), lambda i: (i + B_SC, 0, 0))],
        out_specs=pl.BlockSpec((1, CH, K_TOP_N), lambda i: (i, 0, 0)),
        out_shape=jax.ShapeDtypeStruct((b_tc, CH, K_TOP_N), jnp.float32),
    )(x)
    out_tc = out_tc3.reshape(b_tc, OUT_W)

    mesh = plsc.VectorSubcoreMesh(core_axis_name="c", subcore_axis_name="s")
    sc_fn = pl.kernel(
        _sc_body,
        out_type=jax.ShapeDtypeStruct((B_SC * OUT_W,), jnp.float32),
        mesh=mesh,
        scratch_types=[
            pltpu.VMEM((CHUNK, CH), jnp.float32),
            pltpu.VMEM((CHUNK, CH), jnp.float32),
            pltpu.VMEM((OUT_W,), jnp.float32),
            pltpu.SemaphoreType.DMA,
            pltpu.SemaphoreType.DMA,
        ],
        compiler_params=pltpu.CompilerParams(
            needs_layout_passes=False, has_side_effects=True),
    )
    out_sc = sc_fn(x).reshape(B_SC, OUT_W)

    return jnp.concatenate([out_sc, out_tc], axis=0)

# --- scband reference (transcript-rebuilt; emitter-appended) ---
"""Pipeline reference for scband-kmax-pooling-26036091748775 (READ-ONLY COPY).

The authoritative reference and input builder live on the scoring server;
editing this copy changes nothing except your own understanding.
"""

import jax, jax.numpy as jnp
import numpy as np

K_TOP = 8

def setup_inputs(seed: int = 0) -> dict:
    key = jax.random.key(seed)
    x = jax.random.normal(key, (128, 8192, 64), dtype=jnp.float32)
    return {"inputs": x}

def reference(inputs):
    # transpose [B, S, C] -> [B, C, S]
    shifted = jnp.transpose(inputs, (0, 2, 1))
    # top-k along last (sequence) axis, sorted descending
    top_k_vals, _ = jax.lax.top_k(shifted, K_TOP)
    # flatten to [B, C*k]
    out = top_k_vals.reshape(top_k_vals.shape[0], -1)
    return out

if __name__ == "__main__":
    import jax
    _d = setup_inputs()
    print(jax.jit(kernel)(*tuple(_d.values())))

</pallas_src>

<mosaic_0001>
#map = affine_map<(d0, d1) -> (0, 0, 0)>
#map1 = affine_map<(d0, d1) -> (0)>
module attributes {stable_mosaic.version = 14 : i64} {
  func.func @_sc_body(%arg0: i32, %arg1: i32, %arg2: memref<128x8192x64xf32, #tpu.memory_space<hbm>>, %arg3: memref<49152xf32, #tpu.memory_space<hbm>>, %arg4: memref<256x64xf32, #tpu.memory_space<vmem>>, %arg5: memref<256x64xf32, #tpu.memory_space<vmem>>, %arg6: memref<512xf32, #tpu.memory_space<vmem>>, %arg7: memref<!tpu.dma_semaphore, #tpu.memory_space<semaphore_mem>>, %arg8: memref<!tpu.dma_semaphore, #tpu.memory_space<semaphore_mem>>) attributes {dimension_semantics = [#tpu.dimension_semantics<core_parallel>, #tpu.dimension_semantics<subcore_parallel>], iteration_bounds = array<i64: 2, 16>, scalar_prefetch = 0 : i64, scratch_operands = 5 : i64, tpu.core_type = #tpu.core_type<sc_vector_subcore>, window_params = [{transform_indices = #map}, {transform_indices = #map1}]} {
    %mul3A = arith.constant 2 : i32
    %mul3A_0 = arith.muli %arg1, %mul3A : i32
    %add3A = arith.addi %mul3A_0, %arg0 : i32
    %broadcast_in_dim3A = arith.constant 0xFF800000 : f32
    %broadcast_in_dim3A_1 = vector.broadcast %broadcast_in_dim3A : f32 to vector<16xf32>
    %scan3A = arith.constant 0 : i32
    %scan3A_2 = arith.constant 0 : i32
    %scan3A_3 = arith.constant 3 : i32
    %scan3A_4 = arith.addi %scan3A_2, %scan3A_3 : i32
    %scan3A_5 = arith.constant 1 : i32
    %scan3A_6 = scf.for %scan3A_8 = %scan3A_2 to %scan3A_4 step %scan3A_5 iter_args(%scan3A_9 = %scan3A) -> (i32)  : i32 {
      %mul3A_10 = arith.constant 3 : i32
      %mul3A_11 = arith.muli %add3A, %mul3A_10 : i32
      %add3A_12 = arith.addi %mul3A_11, %scan3A_8 : i32
      %dma_start3A = arith.constant 0 : i32
      %dma_start3A_13 = arith.constant 0 : i32
      %dma_start3A_14 = tpu.memref_slice %arg2[%add3A_12, %dma_start3A, %dma_start3A_13] : memref<128x8192x64xf32, #tpu.memory_space<hbm>> -> memref<1x256x64xf32, #tpu.memory_space<hbm>>
      %dma_start3A_15 = tpu.memref_squeeze %dma_start3A_14 : memref<1x256x64xf32, #tpu.memory_space<hbm>> -> memref<256x64xf32, #tpu.memory_space<hbm>>
      %dma_start3A_16 = arith.constant 0 : i32
      %dma_start3A_17 = arith.constant 0 : i32
      %dma_start3A_18 = tpu.memref_slice %arg2[%add3A_12, %dma_start3A_16, %dma_start3A_17] : memref<128x8192x64xf32, #tpu.memory_space<hbm>> -> memref<1x256x64xf32, #tpu.memory_space<hbm>>
      %dma_start3A_19 = tpu.memref_squeeze %dma_start3A_18 : memref<1x256x64xf32, #tpu.memory_space<hbm>> -> memref<256x64xf32, #tpu.memory_space<hbm>>
      tpu.enqueue_dma source(%dma_start3A_19 : memref<256x64xf32, #tpu.memory_space<hbm>>) target(%arg4 : memref<256x64xf32, #tpu.memory_space<vmem>>) target_semaphore(%arg7 : memref<!tpu.dma_semaphore, #tpu.memory_space<semaphore_mem>>)
      %scan3A_20 = arith.constant 0 : i32
      %scan3A_21 = arith.constant 16 : i32
      %scan3A_22 = arith.addi %scan3A_20, %scan3A_21 : i32
      %scan3A_23 = arith.constant 1 : i32
      %scan3A_24:32 = scf.for %scan3A_221 = %scan3A_20 to %scan3A_22 step %scan3A_23 iter_args(%scan3A_222 = %broadcast_in_dim3A_1, %scan3A_223 = %broadcast_in_dim3A_1, %scan3A_224 = %broadcast_in_dim3A_1, %scan3A_225 = %broadcast_in_dim3A_1, %scan3A_226 = %broadcast_in_dim3A_1, %scan3A_227 = %broadcast_in_dim3A_1, %scan3A_228 = %broadcast_in_dim3A_1, %scan3A_229 = %broadcast_in_dim3A_1, %scan3A_230 = %broadcast_in_dim3A_1, %scan3A_231 = %broadcast_in_dim3A_1, %scan3A_232 = %broadcast_in_dim3A_1, %scan3A_233 = %broadcast_in_dim3A_1, %scan3A_234 = %broadcast_in_dim3A_1, %scan3A_235 = %broadcast_in_dim3A_1, %scan3A_236 = %broadcast_in_dim3A_1, %scan3A_237 = %broadcast_in_dim3A_1, %scan3A_238 = %broadcast_in_dim3A_1, %scan3A_239 = %broadcast_in_dim3A_1, %scan3A_240 = %broadcast_in_dim3A_1, %scan3A_241 = %broadcast_in_dim3A_1, %scan3A_242 = %broadcast_in_dim3A_1, %scan3A_243 = %broadcast_in_dim3A_1, %scan3A_244 = %broadcast_in_dim3A_1, %scan3A_245 = %broadcast_in_dim3A_1, %scan3A_246 = %broadcast_in_dim3A_1, %scan3A_247 = %broadcast_in_dim3A_1, %scan3A_248 = %broadcast_in_dim3A_1, %scan3A_249 = %broadcast_in_dim3A_1, %scan3A_250 = %broadcast_in_dim3A_1, %scan3A_251 = %broadcast_in_dim3A_1, %scan3A_252 = %broadcast_in_dim3A_1, %scan3A_253 = %broadcast_in_dim3A_1) -> (vector<16xf32>, vector<16xf32>, vector<16xf32>, vector<16xf32>, vector<16xf32>, vector<16xf32>, vector<16xf32>, vector<16xf32>, vector<16xf32>, vector<16xf32>, vector<16xf32>, vector<16xf32>, vector<16xf32>, vector<16xf32>, vector<16xf32>, vector<16xf32>, vector<16xf32>, vector<16xf32>, vector<16xf32>, vector<16xf32>, vector<16xf32>, vector<16xf32>, vector<16xf32>, vector<16xf32>, vector<16xf32>, vector<16xf32>, vector<16xf32>, vector<16xf32>, vector<16xf32>, vector<16xf32>, vector<16xf32>, vector<16xf32>)  : i32 {
        %mul3A_254 = arith.constant 2 : i32
        %mul3A_255 = arith.muli %scan3A_221, %mul3A_254 : i32
        %mul3A_256 = arith.constant 256 : i32
        %mul3A_257 = arith.muli %mul3A_255, %mul3A_256 : i32
        %dma_wait3A = arith.constant 0 : i32
        %dma_wait3A_258 = tpu.memref_slice %arg2[%add3A_12, %mul3A_257, %dma_wait3A] : memref<128x8192x64xf32, #tpu.memory_space<hbm>> -> memref<1x256x64xf32, #tpu.memory_space<hbm>>
        %dma_wait3A_259 = tpu.memref_squeeze %dma_wait3A_258 : memref<1x256x64xf32, #tpu.memory_space<hbm>> -> memref<256x64xf32, #tpu.memory_space<hbm>>
        %dma_wait3A_260 = arith.constant 0 : i32
        %dma_wait3A_261 = tpu.memref_slice %arg2[%add3A_12, %mul3A_257, %dma_wait3A_260] : memref<128x8192x64xf32, #tpu.memory_space<hbm>> -> memref<1x256x64xf32, #tpu.memory_space<hbm>>
        %dma_wait3A_262 = tpu.memref_squeeze %dma_wait3A_261 : memref<1x256x64xf32, #tpu.memory_space<hbm>> -> memref<256x64xf32, #tpu.memory_space<hbm>>
        tpu.wait_dma2 semaphore(%arg7 : memref<!tpu.dma_semaphore, #tpu.memory_space<semaphore_mem>>) src(%dma_wait3A_262 : memref<256x64xf32, #tpu.memory_space<hbm>>) dst(%arg4 : memref<256x64xf32, #tpu.memory_space<vmem>>)
        %add3A_263 = arith.constant 1 : i32
        %add3A_264 = arith.addi %mul3A_255, %add3A_263 : i32
        %mul3A_265 = arith.constant 256 : i32
        %mul3A_266 = arith.muli %add3A_264, %mul3A_265 : i32
        %dma_start3A_267 = arith.constant 0 : i32
        %dma_start3A_268 = tpu.memref_slice %arg2[%add3A_12, %mul3A_266, %dma_start3A_267] : memref<128x8192x64xf32, #tpu.memory_space<hbm>> -> memref<1x256x64xf32, #tpu.memory_space<hbm>>
        %dma_start3A_269 = tpu.memref_squeeze %dma_start3A_268 : memref<1x256x64xf32, #tpu.memory_space<hbm>> -> memref<256x64xf32, #tpu.memory_space<hbm>>
        %dma_start3A_270 = arith.constant 0 : i32
        %dma_start3A_271 = tpu.memref_slice %arg2[%add3A_12, %mul3A_266, %dma_start3A_270] : memref<128x8192x64xf32, #tpu.memory_space<hbm>> -> memref<1x256x64xf32, #tpu.memory_space<hbm>>
        %dma_start3A_272 = tpu.memref_squeeze %dma_start3A_271 : memref<1x256x64xf32, #tpu.memory_space<hbm>> -> memref<256x64xf32, #tpu.memory_space<hbm>>
        tpu.enqueue_dma source(%dma_start3A_272 : memref<256x64xf32, #tpu.memory_space<hbm>>) target(%arg5 : memref<256x64xf32, #tpu.memory_space<vmem>>) target_semaphore(%arg8 : memref<!tpu.dma_semaphore, #tpu.memory_space<semaphore_mem>>)
        %scan3A_273 = arith.constant 0 : i32
        %scan3A_274 = arith.constant 32 : i32
        %scan3A_275 = arith.addi %scan3A_273, %scan3A_274 : i32
        %scan3A_276 = arith.constant 1 : i32
        %scan3A_277:32 = scf.for %scan3A_297 = %scan3A_273 to %scan3A_275 step %scan3A_276 iter_args(%scan3A_298 = %scan3A_222, %scan3A_299 = %scan3A_223, %scan3A_300 = %scan3A_224, %scan3A_301 = %scan3A_225, %scan3A_302 = %scan3A_226, %scan3A_303 = %scan3A_227, %scan3A_304 = %scan3A_228, %scan3A_305 = %scan3A_229, %scan3A_306 = %scan3A_230, %scan3A_307 = %scan3A_231, %scan3A_308 = %scan3A_232, %scan3A_309 = %scan3A_233, %scan3A_310 = %scan3A_234, %scan3A_311 = %scan3A_235, %scan3A_312 = %scan3A_236, %scan3A_313 = %scan3A_237, %scan3A_314 = %scan3A_238, %scan3A_315 = %scan3A_239, %scan3A_316 = %scan3A_240, %scan3A_317 = %scan3A_241, %scan3A_318 = %scan3A_242, %scan3A_319 = %scan3A_243, %scan3A_320 = %scan3A_244, %scan3A_321 = %scan3A_245, %scan3A_322 = %scan3A_246, %scan3A_323 = %scan3A_247, %scan3A_324 = %scan3A_248, %scan3A_325 = %scan3A_249, %scan3A_326 = %scan3A_250, %scan3A_327 = %scan3A_251, %scan3A_328 = %scan3A_252, %scan3A_329 = %scan3A_253) -> (vector<16xf32>, vector<16xf32>, vector<16xf32>, vector<16xf32>, vector<16xf32>, vector<16xf32>, vector<16xf32>, vector<16xf32>, vector<16xf32>, vector<16xf32>, vector<16xf32>, vector<16xf32>, vector<16xf32>, vector<16xf32>, vector<16xf32>, vector<16xf32>, vector<16xf32>, vector<16xf32>, vector<16xf32>, vector<16xf32>, vector<16xf32>, vector<16xf32>, vector<16xf32>, vector<16xf32>, vector<16xf32>, vector<16xf32>, vector<16xf32>, vector<16xf32>, vector<16xf32>, vector<16xf32>, vector<16xf32>, vector<16xf32>)  : i32 {
          %mul3A_330 = arith.constant 8 : i32
          %mul3A_331 = arith.muli %scan3A_297, %mul3A_330 : i32
          %add3A_332 = arith.constant 0 : i32
          %add3A_333 = arith.addi %mul3A_331, %add3A_332 : i32
          %get3A = arith.index_cast %add3A_333 : i32 to index
          %get3A_334 = arith.constant 0 : index
          %get3A_335 = tpu.vector_load %arg4[%get3A, %get3A_334] {strides = array<i32>} : memref<256x64xf32, #tpu.memory_space<vmem>>, vector<16xf32>,
          %add3A_336 = arith.constant 1 : i32
          %add3A_337 = arith.addi %mul3A_331, %add3A_336 : i32
          %get3A_338 = arith.index_cast %add3A_337 : i32 to index
          %get3A_339 = arith.constant 0 : index
          %get3A_340 = tpu.vector_load %arg4[%get3A_338, %get3A_339] {strides = array<i32>} : memref<256x64xf32, #tpu.memory_space<vmem>>, vector<16xf32>,
          %add3A_341 = arith.constant 2 : i32
          %add3A_342 = arith.addi %mul3A_331, %add3A_341 : i32
          %get3A_343 = arith.index_cast %add3A_342 : i32 to index
          %get3A_344 = arith.constant 0 : index
          %get3A_345 = tpu.vector_load %arg4[%get3A_343, %get3A_344] {strides = array<i32>} : memref<256x64xf32, #tpu.memory_space<vmem>>, vector<16xf32>,
          %add3A_346 = arith.constant 3 : i32
          %add3A_347 = arith.addi %mul3A_331, %add3A_346 : i32
          %get3A_348 = arith.index_cast %add3A_347 : i32 to index
          %get3A_349 = arith.constant 0 : index
          %get3A_350 = tpu.vector_load %arg4[%get3A_348, %get3A_349] {strides = array<i32>} : memref<256x64xf32, #tpu.memory_space<vmem>>, vector<16xf32>,
          %add3A_351 = arith.constant 4 : i32
          %add3A_352 = arith.addi %mul3A_331, %add3A_351 : i32
          %get3A_353 = arith.index_cast %add3A_352 : i32 to index
          %get3A_354 = arith.constant 0 : index
          %get3A_355 = tpu.vector_load %arg4[%get3A_353, %get3A_354] {strides = array<i32>} : memref<256x64xf32, #tpu.memory_space<vmem>>, vector<16xf32>,
          %add3A_356 = arith.constant 5 : i32
          %add3A_357 = arith.addi %mul3A_331, %add3A_356 : i32
          %get3A_358 = arith.index_cast %add3A_357 : i32 to index
          %get3A_359 = arith.constant 0 : index
          %get3A_360 = tpu.vector_load %arg4[%get3A_358, %get3A_359] {strides = array<i32>} : memref<256x64xf32, #tpu.memory_space<vmem>>, vector<16xf32>,
          %add3A_361 = arith.constant 6 : i32
          %add3A_362 = arith.addi %mul3A_331, %add3A_361 : i32
          %get3A_363 = arith.index_cast %add3A_362 : i32 to index
          %get3A_364 = arith.constant 0 : index
          %get3A_365 = tpu.vector_load %arg4[%get3A_363, %get3A_364] {strides = array<i32>} : memref<256x64xf32, #tpu.memory_space<vmem>>, vector<16xf32>,
          %add3A_366 = arith.constant 7 : i32
          %add3A_367 = arith.addi %mul3A_331, %add3A_366 : i32
          %get3A_368 = arith.index_cast %add3A_367 : i32 to index
          %get3A_369 = arith.constant 0 : index
          %get3A_370 = tpu.vector_load %arg4[%get3A_368, %get3A_369] {strides = array<i32>} : memref<256x64xf32, #tpu.memory_space<vmem>>, vector<16xf32>,
          %max3A = arith.maximumf %get3A_335, %get3A_340 : vector<16xf32>
          %min3A = arith.minimumf %get3A_335, %get3A_340 : vector<16xf32>
          %max3A_371 = arith.maximumf %get3A_345, %get3A_350 : vector<16xf32>
          %min3A_372 = arith.minimumf %get3A_345, %get3A_350 : vector<16xf32>
          %max3A_373 = arith.maximumf %get3A_355, %get3A_360 : vector<16xf32>
          %min3A_374 = arith.minimumf %get3A_355, %get3A_360 : vector<16xf32>
          %max3A_375 = arith.maximumf %get3A_365, %get3A_370 : vector<16xf32>
          %min3A_376 = arith.minimumf %get3A_365, %get3A_370 : vector<16xf32>
          %max3A_377 = arith.maximumf %max3A, %max3A_371 : vector<16xf32>
          %min3A_378 = arith.minimumf %max3A, %max3A_371 : vector<16xf32>
          %max3A_379 = arith.maximumf %min3A, %min3A_372 : vector<16xf32>
          %min3A_380 = arith.minimumf %min3A, %min3A_372 : vector<16xf32>
          %max3A_381 = arith.maximumf %max3A_373, %max3A_375 : vector<16xf32>
          %min3A_382 = arith.minimumf %max3A_373, %max3A_375 : vector<16xf32>
          %max3A_383 = arith.maximumf %min3A_374, %min3A_376 : vector<16xf32>
          %min3A_384 = arith.minimumf %min3A_374, %min3A_376 : vector<16xf32>
          %max3A_385 = arith.maximumf %max3A_379, %min3A_378 : vector<16xf32>
          %min3A_386 = arith.minimumf %max3A_379, %min3A_378 : vector<16xf32>
          %max3A_387 = arith.maximumf %max3A_383, %min3A_382 : vector<16xf32>
          %min3A_388 = arith.minimumf %max3A_383, %min3A_382 : vector<16xf32>
          %max3A_389 = arith.maximumf %max3A_377, %max3A_381 : vector<16xf32>
          %min3A_390 = arith.minimumf %max3A_377, %max3A_381 : vector<16xf32>
          %max3A_391 = arith.maximumf %max3A_385, %max3A_387 : vector<16xf32>
          %min3A_392 = arith.minimumf %max3A_385, %max3A_387 : vector<16xf32>
          %max3A_393 = arith.maximumf %min3A_386, %min3A_388 : vector<16xf32>
          %min3A_394 = arith.minimumf %min3A_386, %min3A_388 : vector<16xf32>
          %max3A_395 = arith.maximumf %min3A_380, %min3A_384 : vector<16xf32>
          %min3A_396 = arith.minimumf %min3A_380, %min3A_384 : vector<16xf32>
          %max3A_397 = arith.maximumf %max3A_393, %min3A_390 : vector<16xf32>
          %min3A_398 = arith.minimumf %max3A_393, %min3A_390 : vector<16xf32>
          %max3A_399 = arith.maximumf %max3A_395, %min3A_392 : vector<16xf32>
          %min3A_400 = arith.minimumf %max3A_395, %min3A_392 : vector<16xf32>
          %max3A_401 = arith.maximumf %max3A_391, %max3A_397 : vector<16xf32>
          %min3A_402 = arith.minimumf %max3A_391, %max3A_397 : vector<16xf32>
          %max3A_403 = arith.maximumf %max3A_399, %min3A_398 : vector<16xf32>
          %min3A_404 = arith.minimumf %max3A_399, %min3A_398 : vector<16xf32>
          %max3A_405 = arith.maximumf %min3A_400, %min3A_394 : vector<16xf32>
          %min3A_406 = arith.minimumf %min3A_400, %min3A_394 : vector<16xf32>
          %max3A_407 = arith.maximumf %scan3A_298, %min3A_396 : vector<16xf32>
          %max3A_408 = arith.maximumf %scan3A_299, %min3A_406 : vector<16xf32>
          %max3A_409 = arith.maximumf %scan3A_300, %max3A_405 : vector<16xf32>
          %max3A_410 = arith.maximumf %scan3A_301, %min3A_404 : vector<16xf32>
          %max3A_411 = arith.maximumf %scan3A_302, %max3A_403 : vector<16xf32>
          %max3A_412 = arith.maximumf %scan3A_303, %min3A_402 : vector<16xf32>
          %max3A_413 = arith.maximumf %scan3A_304, %max3A_401 : vector<16xf32>
          %max3A_414 = arith.maximumf %scan3A_305, %max3A_389 : vector<16xf32>
          %max3A_415 = arith.maximumf %max3A_407, %max3A_411 : vector<16xf32>
          %min3A_416 = arith.minimumf %max3A_407, %max3A_411 : vector<16xf32>
          %max3A_417 = arith.maximumf %max3A_408, %max3A_412 : vector<16xf32>
          %min3A_418 = arith.minimumf %max3A_408, %max3A_412 : vector<16xf32>
          %max3A_419 = arith.maximumf %max3A_409, %max3A_413 : vector<16xf32>
          %min3A_420 = arith.minimumf %max3A_409, %max3A_413 : vector<16xf32>
          %max3A_421 = arith.maximumf %max3A_410, %max3A_414 : vector<16xf32>
          %min3A_422 = arith.minimumf %max3A_410, %max3A_414 : vector<16xf32>
          %max3A_423 = arith.maximumf %max3A_415, %max3A_419 : vector<16xf32>
          %min3A_424 = arith.minimumf %max3A_415, %max3A_419 : vector<16xf32>
          %max3A_425 = arith.maximumf %max3A_417, %max3A_421 : vector<16xf32>
          %min3A_426 = arith.minimumf %max3A_417, %max3A_421 : vector<16xf32>
          %max3A_427 = arith.maximumf %min3A_416, %min3A_420 : vector<16xf32>
          %min3A_428 = arith.minimumf %min3A_416, %min3A_420 : vector<16xf32>
          %max3A_429 = arith.maximumf %min3A_418, %min3A_422 : vector<16xf32>
          %min3A_430 = arith.minimumf %min3A_418, %min3A_422 : vector<16xf32>
          %max3A_431 = arith.maximumf %max3A_423, %max3A_425 : vector<16xf32>
          %min3A_432 = arith.minimumf %max3A_423, %max3A_425 : vector<16xf32>
          %max3A_433 = arith.maximumf %min3A_424, %min3A_426 : vector<16xf32>
          %min3A_434 = arith.minimumf %min3A_424, %min3A_426 : vector<16xf32>
          %max3A_435 = arith.maximumf %max3A_427, %max3A_429 : vector<16xf32>
          %min3A_436 = arith.minimumf %max3A_427, %max3A_429 : vector<16xf32>
          %max3A_437 = arith.maximumf %min3A_428, %min3A_430 : vector<16xf32>
          %min3A_438 = arith.minimumf %min3A_428, %min3A_430 : vector<16xf32>
          %add3A_439 = arith.constant 0 : i32
          %add3A_440 = arith.addi %mul3A_331, %add3A_439 : i32
          %get3A_441 = arith.index_cast %add3A_440 : i32 to index
          %get3A_442 = arith.constant 16 : index
          %get3A_443 = tpu.vector_load %arg4[%get3A_441, %get3A_442] {strides = array<i32>} : memref<256x64xf32, #tpu.memory_space<vmem>>, vector<16xf32>,
          %add3A_444 = arith.constant 1 : i32
          %add3A_445 = arith.addi %mul3A_331, %add3A_444 : i32
          %get3A_446 = arith.index_cast %add3A_445 : i32 to index
          %get3A_447 = arith.constant 16 : index
          %get3A_448 = tpu.vector_load %arg4[%get3A_446, %get3A_447] {strides = array<i32>} : memref<256x64xf32, #tpu.memory_space<vmem>>, vector<16xf32>,
          %add3A_449 = arith.constant 2 : i32
          %add3A_450 = arith.addi %mul3A_331, %add3A_449 : i32
          %get3A_451 = arith.index_cast %add3A_450 : i32 to index
          %get3A_452 = arith.constant 16 : index
          %get3A_453 = tpu.vector_load %arg4[%get3A_451, %get3A_452] {strides = array<i32>} : memref<256x64xf32, #tpu.memory_space<vmem>>, vector<16xf32>,
          %add3A_454 = arith.constant 3 : i32
          %add3A_455 = arith.addi %mul3A_331, %add3A_454 : i32
          %get3A_456 = arith.index_cast %add3A_455 : i32 to index
          %get3A_457 = arith.constant 16 : index
          %get3A_458 = tpu.vector_load %arg4[%get3A_456, %get3A_457] {strides = array<i32>} : memref<256x64xf32, #tpu.memory_space<vmem>>, vector<16xf32>,
          %add3A_459 = arith.constant 4 : i32
          %add3A_460 = arith.addi %mul3A_331, %add3A_459 : i32
          %get3A_461 = arith.index_cast %add3A_460 : i32 to index
          %get3A_462 = arith.constant 16 : index
          %get3A_463 = tpu.vector_load %arg4[%get3A_461, %get3A_462] {strides = array<i32>} : memref<256x64xf32, #tpu.memory_space<vmem>>, vector<16xf32>,
          %add3A_464 = arith.constant 5 : i32
          %add3A_465 = arith.addi %mul3A_331, %add3A_464 : i32
          %get3A_466 = arith.index_cast %add3A_465 : i32 to index
          %get3A_467 = arith.constant 16 : index
          %get3A_468 = tpu.vector_load %arg4[%get3A_466, %get3A_467] {strides = array<i32>} : memref<256x64xf32, #tpu.memory_space<vmem>>, vector<16xf32>,
          %add3A_469 = arith.constant 6 : i32
          %add3A_470 = arith.addi %mul3A_331, %add3A_469 : i32
          %get3A_471 = arith.index_cast %add3A_470 : i32 to index
          %get3A_472 = arith.constant 16 : index
          %get3A_473 = tpu.vector_load %arg4[%get3A_471, %get3A_472] {strides = array<i32>} : memref<256x64xf32, #tpu.memory_space<vmem>>, vector<16xf32>,
          %add3A_474 = arith.constant 7 : i32
          %add3A_475 = arith.addi %mul3A_331, %add3A_474 : i32
          %get3A_476 = arith.index_cast %add3A_475 : i32 to index
          %get3A_477 = arith.constant 16 : index
          %get3A_478 = tpu.vector_load %arg4[%get3A_476, %get3A_477] {strides = array<i32>} : memref<256x64xf32, #tpu.memory_space<vmem>>, vector<16xf32>,
          %max3A_479 = arith.maximumf %get3A_443, %get3A_448 : vector<16xf32>
          %min3A_480 = arith.minimumf %get3A_443, %get3A_448 : vector<16xf32>
          %max3A_481 = arith.maximumf %get3A_453, %get3A_458 : vector<16xf32>
          %min3A_482 = arith.minimumf %get3A_453, %get3A_458 : vector<16xf32>
          %max3A_483 = arith.maximumf %get3A_463, %get3A_468 : vector<16xf32>
          %min3A_484 = arith.minimumf %get3A_463, %get3A_468 : vector<16xf32>
          %max3A_485 = arith.maximumf %get3A_473, %get3A_478 : vector<16xf32>
          %min3A_486 = arith.minimumf %get3A_473, %get3A_478 : vector<16xf32>
          %max3A_487 = arith.maximumf %max3A_479, %max3A_481 : vector<16xf32>
          %min3A_488 = arith.minimumf %max3A_479, %max3A_481 : vector<16xf32>
          %max3A_489 = arith.maximumf %min3A_480, %min3A_482 : vector<16xf32>
          %min3A_490 = arith.minimumf %min3A_480, %min3A_482 : vector<16xf32>
          %max3A_491 = arith.maximumf %max3A_483, %max3A_485 : vector<16xf32>
          %min3A_492 = arith.minimumf %max3A_483, %max3A_485 : vector<16xf32>
          %max3A_493 = arith.maximumf %min3A_484, %min3A_486 : vector<16xf32>
          %min3A_494 = arith.minimumf %min3A_484, %min3A_486 : vector<16xf32>
          %max3A_495 = arith.maximumf %max3A_489, %min3A_488 : vector<16xf32>
          %min3A_496 = arith.minimumf %max3A_489, %min3A_488 : vector<16xf32>
          %max3A_497 = arith.maximumf %max3A_493, %min3A_492 : vector<16xf32>
          %min3A_498 = arith.minimumf %max3A_493, %min3A_492 : vector<16xf32>
          %max3A_499 = arith.maximumf %max3A_487, %max3A_491 : vector<16xf32>
          %min3A_500 = arith.minimumf %max3A_487, %max3A_491 : vector<16xf32>
          %max3A_501 = arith.maximumf %max3A_495, %max3A_497 : vector<16xf32>
          %min3A_502 = arith.minimumf %max3A_495, %max3A_497 : vector<16xf32>
          %max3A_503 = arith.maximumf %min3A_496, %min3A_498 : vector<16xf32>
          %min3A_504 = arith.minimumf %min3A_496, %min3A_498 : vector<16xf32>
          %max3A_505 = arith.maximumf %min3A_490, %min3A_494 : vector<16xf32>
          %min3A_506 = arith.minimumf %min3A_490, %min3A_494 : vector<16xf32>
          %max3A_507 = arith.maximumf %max3A_503, %min3A_500 : vector<16xf32>
          %min3A_508 = arith.minimumf %max3A_503, %min3A_500 : vector<16xf32>
          %max3A_509 = arith.maximumf %max3A_505, %min3A_502 : vector<16xf32>
          %min3A_510 = arith.minimumf %max3A_505, %min3A_502 : vector<16xf32>
          %max3A_511 = arith.maximumf %max3A_501, %max3A_507 : vector<16xf32>
          %min3A_512 = arith.minimumf %max3A_501, %max3A_507 : vector<16xf32>
          %max3A_513 = arith.maximumf %max3A_509, %min3A_508 : vector<16xf32>
          %min3A_514 = arith.minimumf %max3A_509, %min3A_508 : vector<16xf32>
          %max3A_515 = arith.maximumf %min3A_510, %min3A_504 : vector<16xf32>
          %min3A_516 = arith.minimumf %min3A_510, %min3A_504 : vector<16xf32>
          %max3A_517 = arith.maximumf %scan3A_306, %min3A_506 : vector<16xf32>
          %max3A_518 = arith.maximumf %scan3A_307, %min3A_516 : vector<16xf32>
          %max3A_519 = arith.maximumf %scan3A_308, %max3A_515 : vector<16xf32>
          %max3A_520 = arith.maximumf %scan3A_309, %min3A_514 : vector<16xf32>
          %max3A_521 = arith.maximumf %scan3A_310, %max3A_513 : vector<16xf32>
          %max3A_522 = arith.maximumf %scan3A_311, %min3A_512 : vector<16xf32>
          %max3A_523 = arith.maximumf %scan3A_312, %max3A_511 : vector<16xf32>
          %max3A_524 = arith.maximumf %scan3A_313, %max3A_499 : vector<16xf32>
          %max3A_525 = arith.maximumf %max3A_517, %max3A_521 : vector<16xf32>
          %min3A_526 = arith.minimumf %max3A_517, %max3A_521 : vector<16xf32>
          %max3A_527 = arith.maximumf %max3A_518, %max3A_522 : vector<16xf32>
          %min3A_528 = arith.minimumf %max3A_518, %max3A_522 : vector<16xf32>
          %max3A_529 = arith.maximumf %max3A_519, %max3A_523 : vector<16xf32>
          %min3A_530 = arith.minimumf %max3A_519, %max3A_523 : vector<16xf32>
          %max3A_531 = arith.maximumf %max3A_520, %max3A_524 : vector<16xf32>
          %min3A_532 = arith.minimumf %max3A_520, %max3A_524 : vector<16xf32>
          %max3A_533 = arith.maximumf %max3A_525, %max3A_529 : vector<16xf32>
          %min3A_534 = arith.minimumf %max3A_525, %max3A_529 : vector<16xf32>
          %max3A_535 = arith.maximumf %max3A_527, %max3A_531 : vector<16xf32>
          %min3A_536 = arith.minimumf %max3A_527, %max3A_531 : vector<16xf32>
          %max3A_537 = arith.maximumf %min3A_526, %min3A_530 : vector<16xf32>
          %min3A_538 = arith.minimumf %min3A_526, %min3A_530 : vector<16xf32>
          %max3A_539 = arith.maximumf %min3A_528, %min3A_532 : vector<16xf32>
          %min3A_540 = arith.minimumf %min3A_528, %min3A_532 : vector<16xf32>
          %max3A_541 = arith.maximumf %max3A_533, %max3A_535 : vector<16xf32>
          %min3A_542 = arith.minimumf %max3A_533, %max3A_535 : vector<16xf32>
          %max3A_543 = arith.maximumf %min3A_534, %min3A_536 : vector<16xf32>
          %min3A_544 = arith.minimumf %min3A_534, %min3A_536 : vector<16xf32>
          %max3A_545 = arith.maximumf %max3A_537, %max3A_539 : vector<16xf32>
          %min3A_546 = arith.minimumf %max3A_537, %max3A_539 : vector<16xf32>
          %max3A_547 = arith.maximumf %min3A_538, %min3A_540 : vector<16xf32>
          %min3A_548 = arith.minimumf %min3A_538, %min3A_540 : vector<16xf32>
          %add3A_549 = arith.constant 0 : i32
          %add3A_550 = arith.addi %mul3A_331, %add3A_549 : i32
          %get3A_551 = arith.index_cast %add3A_550 : i32 to index
          %get3A_552 = arith.constant 32 : index
          %get3A_553 = tpu.vector_load %arg4[%get3A_551, %get3A_552] {strides = array<i32>} : memref<256x64xf32, #tpu.memory_space<vmem>>, vector<16xf32>,
          %add3A_554 = arith.constant 1 : i32
          %add3A_555 = arith.addi %mul3A_331, %add3A_554 : i32
          %get3A_556 = arith.index_cast %add3A_555 : i32 to index
          %get3A_557 = arith.constant 32 : index
          %get3A_558 = tpu.vector_load %arg4[%get3A_556, %get3A_557] {strides = array<i32>} : memref<256x64xf32, #tpu.memory_space<vmem>>, vector<16xf32>,
          %add3A_559 = arith.constant 2 : i32
          %add3A_560 = arith.addi %mul3A_331, %add3A_559 : i32
          %get3A_561 = arith.index_cast %add3A_560 : i32 to index
          %get3A_562 = arith.constant 32 : index
          %get3A_563 = tpu.vector_load %arg4[%get3A_561, %get3A_562] {strides = array<i32>} : memref<256x64xf32, #tpu.memory_space<vmem>>, vector<16xf32>,
          %add3A_564 = arith.constant 3 : i32
          %add3A_565 = arith.addi %mul3A_331, %add3A_564 : i32
          %get3A_566 = arith.index_cast %add3A_565 : i32 to index
          %get3A_567 = arith.constant 32 : index
          %get3A_568 = tpu.vector_load %arg4[%get3A_566, %get3A_567] {strides = array<i32>} : memref<256x64xf32, #tpu.memory_space<vmem>>, vector<16xf32>,
          %add3A_569 = arith.constant 4 : i32
          %add3A_570 = arith.addi %mul3A_331, %add3A_569 : i32
          %get3A_571 = arith.index_cast %add3A_570 : i32 to index
          %get3A_572 = arith.constant 32 : index
          %get3A_573 = tpu.vector_load %arg4[%get3A_571, %get3A_572] {strides = array<i32>} : memref<256x64xf32, #tpu.memory_space<vmem>>, vector<16xf32>,
          %add3A_574 = arith.constant 5 : i32
          %add3A_575 = arith.addi %mul3A_331, %add3A_574 : i32
          %get3A_576 = arith.index_cast %add3A_575 : i32 to index
          %get3A_577 = arith.constant 32 : index
          %get3A_578 = tpu.vector_load %arg4[%get3A_576, %get3A_577] {strides = array<i32>} : memref<256x64xf32, #tpu.memory_space<vmem>>, vector<16xf32>,
          %add3A_579 = arith.constant 6 : i32
          %add3A_580 = arith.addi %mul3A_331, %add3A_579 : i32
          %get3A_581 = arith.index_cast %add3A_580 : i32 to index
          %get3A_582 = arith.constant 32 : index
          %get3A_583 = tpu.vector_load %arg4[%get3A_581, %get3A_582] {strides = array<i32>} : memref<256x64xf32, #tpu.memory_space<vmem>>, vector<16xf32>,
          %add3A_584 = arith.constant 7 : i32
          %add3A_585 = arith.addi %mul3A_331, %add3A_584 : i32
          %get3A_586 = arith.index_cast %add3A_585 : i32 to index
          %get3A_587 = arith.constant 32 : index
          %get3A_588 = tpu.vector_load %arg4[%get3A_586, %get3A_587] {strides = array<i32>} : memref<256x64xf32, #tpu.memory_space<vmem>>, vector<16xf32>,
          %max3A_589 = arith.maximumf %get3A_553, %get3A_558 : vector<16xf32>
          %min3A_590 = arith.minimumf %get3A_553, %get3A_558 : vector<16xf32>
          %max3A_591 = arith.maximumf %get3A_563, %get3A_568 : vector<16xf32>
          %min3A_592 = arith.minimumf %get3A_563, %get3A_568 : vector<16xf32>
          %max3A_593 = arith.maximumf %get3A_573, %get3A_578 : vector<16xf32>
          %min3A_594 = arith.minimumf %get3A_573, %get3A_578 : vector<16xf32>
          %max3A_595 = arith.maximumf %get3A_583, %get3A_588 : vector<16xf32>
          %min3A_596 = arith.minimumf %get3A_583, %get3A_588 : vector<16xf32>
          %max3A_597 = arith.maximumf %max3A_589, %max3A_591 : vector<16xf32>
          %min3A_598 = arith.minimumf %max3A_589, %max3A_591 : vector<16xf32>
          %max3A_599 = arith.maximumf %min3A_590, %min3A_592 : vector<16xf32>
          %min3A_600 = arith.minimumf %min3A_590, %min3A_592 : vector<16xf32>
          %max3A_601 = arith.maximumf %max3A_593, %max3A_595 : vector<16xf32>
          %min3A_602 = arith.minimumf %max3A_593, %max3A_595 : vector<16xf32>
          %max3A_603 = arith.maximumf %min3A_594, %min3A_596 : vector<16xf32>
          %min3A_604 = arith.minimumf %min3A_594, %min3A_596 : vector<16xf32>
          %max3A_605 = arith.maximumf %max3A_599, %min3A_598 : vector<16xf32>
          %min3A_606 = arith.minimumf %max3A_599, %min3A_598 : vector<16xf32>
          %max3A_607 = arith.maximumf %max3A_603, %min3A_602 : vector<16xf32>
          %min3A_608 = arith.minimumf %max3A_603, %min3A_602 : vector<16xf32>
          %max3A_609 = arith.maximumf %max3A_597, %max3A_601 : vector<16xf32>
          %min3A_610 = arith.minimumf %max3A_597, %max3A_601 : vector<16xf32>
          %max3A_611 = arith.maximumf %max3A_605, %max3A_607 : vector<16xf32>
          %min3A_612 = arith.minimumf %max3A_605, %max3A_607 : vector<16xf32>
          %max3A_613 = arith.maximumf %min3A_606, %min3A_608 : vector<16xf32>
          %min3A_614 = arith.minimumf %min3A_606, %min3A_608 : vector<16xf32>
          %max3A_615 = arith.maximumf %min3A_600, %min3A_604 : vector<16xf32>
          %min3A_616 = arith.minimumf %min3A_600, %min3A_604 : vector<16xf32>
          %max3A_617 = arith.maximumf %max3A_613, %min3A_610 : vector<16xf32>
          %min3A_618 = arith.minimumf %max3A_613, %min3A_610 : vector<16xf32>
          %max3A_619 = arith.maximumf %max3A_615, %min3A_612 : vector<16xf32>
          %min3A_620 = arith.minimumf %max3A_615, %min3A_612 : vector<16xf32>
          %max3A_621 = arith.maximumf %max3A_611, %max3A_617 : vector<16xf32>
          %min3A_622 = arith.minimumf %max3A_611, %max3A_617 : vector<16xf32>
          %max3A_623 = arith.maximumf %max3A_619, %min3A_618 : vector<16xf32>
          %min3A_624 = arith.minimumf %max3A_619, %min3A_618 : vector<16xf32>
          %max3A_625 = arith.maximumf %min3A_620, %min3A_614 : vector<16xf32>
          %min3A_626 = arith.minimumf %min3A_620, %min3A_614 : vector<16xf32>
          %max3A_627 = arith.maximumf %scan3A_314, %min3A_616 : vector<16xf32>
          %max3A_628 = arith.maximumf %scan3A_315, %min3A_626 : vector<16xf32>
          %max3A_629 = arith.maximumf %scan3A_316, %max3A_625 : vector<16xf32>
          %max3A_630 = arith.maximumf %scan3A_317, %min3A_624 : vector<16xf32>
          %max3A_631 = arith.maximumf %scan3A_318, %max3A_623 : vector<16xf32>
          %max3A_632 = arith.maximumf %scan3A_319, %min3A_622 : vector<16xf32>
          %max3A_633 = arith.maximumf %scan3A_320, %max3A_621 : vector<16xf32>
          %max3A_634 = arith.maximumf %scan3A_321, %max3A_609 : vector<16xf32>
          %max3A_635 = arith.maximumf %max3A_627, %max3A_631 : vector<16xf32>
          %min3A_636 = arith.minimumf %max3A_627, %max3A_631 : vector<16xf32>
          %max3A_637 = arith.maximumf %max3A_628, %max3A_632 : vector<16xf32>
          %min3A_638 = arith.minimumf %max3A_628, %max3A_632 : vector<16xf32>
          %max3A_639 = arith.maximumf %max3A_629, %max3A_633 : vector<16xf32>
          %min3A_640 = arith.minimumf %max3A_629, %max3A_633 : vector<16xf32>
          %max3A_641 = arith.maximumf %max3A_630, %max3A_634 : vector<16xf32>
          %min3A_642 = arith.minimumf %max3A_630, %max3A_634 : vector<16xf32>
          %max3A_643 = arith.maximumf %max3A_635, %max3A_639 : vector<16xf32>
          %min3A_644 = arith.minimumf %max3A_635, %max3A_639 : vector<16xf32>
          %max3A_645 = arith.maximumf %max3A_637, %max3A_641 : vector<16xf32>
          %min3A_646 = arith.minimumf %max3A_637, %max3A_641 : vector<16xf32>
          %max3A_647 = arith.maximumf %min3A_636, %min3A_640 : vector<16xf32>
          %min3A_648 = arith.minimumf %min3A_636, %min3A_640 : vector<16xf32>
          %max3A_649 = arith.maximumf %min3A_638, %min3A_642 : vector<16xf32>
          %min3A_650 = arith.minimumf %min3A_638, %min3A_642 : vector<16xf32>
          %max3A_651 = arith.maximumf %max3A_643, %max3A_645 : vector<16xf32>
          %min3A_652 = arith.minimumf %max3A_643, %max3A_645 : vector<16xf32>
          %max3A_653 = arith.maximumf %min3A_644, %min3A_646 : vector<16xf32>
          %min3A_654 = arith.minimumf %min3A_644, %min3A_646 : vector<16xf32>
          %max3A_655 = arith.maximumf %max3A_647, %max3A_649 : vector<16xf32>
          %min3A_656 = arith.minimumf %max3A_647, %max3A_649 : vector<16xf32>
          %max3A_657 = arith.maximumf %min3A_648, %min3A_650 : vector<16xf32>
          %min3A_658 = arith.minimumf %min3A_648, %min3A_650 : vector<16xf32>
          %add3A_659 = arith.constant 0 : i32
          %add3A_660 = arith.addi %mul3A_331, %add3A_659 : i32
          %get3A_661 = arith.index_cast %add3A_660 : i32 to index
          %get3A_662 = arith.constant 48 : index
          %get3A_663 = tpu.vector_load %arg4[%get3A_661, %get3A_662] {strides = array<i32>} : memref<256x64xf32, #tpu.memory_space<vmem>>, vector<16xf32>,
          %add3A_664 = arith.constant 1 : i32
          %add3A_665 = arith.addi %mul3A_331, %add3A_664 : i32
          %get3A_666 = arith.index_cast %add3A_665 : i32 to index
          %get3A_667 = arith.constant 48 : index
          %get3A_668 = tpu.vector_load %arg4[%get3A_666, %get3A_667] {strides = array<i32>} : memref<256x64xf32, #tpu.memory_space<vmem>>, vector<16xf32>,
          %add3A_669 = arith.constant 2 : i32
          %add3A_670 = arith.addi %mul3A_331, %add3A_669 : i32
          %get3A_671 = arith.index_cast %add3A_670 : i32 to index
          %get3A_672 = arith.constant 48 : index
          %get3A_673 = tpu.vector_load %arg4[%get3A_671, %get3A_672] {strides = array<i32>} : memref<256x64xf32, #tpu.memory_space<vmem>>, vector<16xf32>,
          %add3A_674 = arith.constant 3 : i32
          %add3A_675 = arith.addi %mul3A_331, %add3A_674 : i32
          %get3A_676 = arith.index_cast %add3A_675 : i32 to index
          %get3A_677 = arith.constant 48 : index
          %get3A_678 = tpu.vector_load %arg4[%get3A_676, %get3A_677] {strides = array<i32>} : memref<256x64xf32, #tpu.memory_space<vmem>>, vector<16xf32>,
          %add3A_679 = arith.constant 4 : i32
          %add3A_680 = arith.addi %mul3A_331, %add3A_679 : i32
          %get3A_681 = arith.index_cast %add3A_680 : i32 to index
          %get3A_682 = arith.constant 48 : index
          %get3A_683 = tpu.vector_load %arg4[%get3A_681, %get3A_682] {strides = array<i32>} : memref<256x64xf32, #tpu.memory_space<vmem>>, vector<16xf32>,
          %add3A_684 = arith.constant 5 : i32
          %add3A_685 = arith.addi %mul3A_331, %add3A_684 : i32
          %get3A_686 = arith.index_cast %add3A_685 : i32 to index
          %get3A_687 = arith.constant 48 : index
          %get3A_688 = tpu.vector_load %arg4[%get3A_686, %get3A_687] {strides = array<i32>} : memref<256x64xf32, #tpu.memory_space<vmem>>, vector<16xf32>,
          %add3A_689 = arith.constant 6 : i32
          %add3A_690 = arith.addi %mul3A_331, %add3A_689 : i32
          %get3A_691 = arith.index_cast %add3A_690 : i32 to index
          %get3A_692 = arith.constant 48 : index
          %get3A_693 = tpu.vector_load %arg4[%get3A_691, %get3A_692] {strides = array<i32>} : memref<256x64xf32, #tpu.memory_space<vmem>>, vector<16xf32>,
          %add3A_694 = arith.constant 7 : i32
          %add3A_695 = arith.addi %mul3A_331, %add3A_694 : i32
          %get3A_696 = arith.index_cast %add3A_695 : i32 to index
          %get3A_697 = arith.constant 48 : index
          %get3A_698 = tpu.vector_load %arg4[%get3A_696, %get3A_697] {strides = array<i32>} : memref<256x64xf32, #tpu.memory_space<vmem>>, vector<16xf32>,
          %max3A_699 = arith.maximumf %get3A_663, %get3A_668 : vector<16xf32>
          %min3A_700 = arith.minimumf %get3A_663, %get3A_668 : vector<16xf32>
          %max3A_701 = arith.maximumf %get3A_673, %get3A_678 : vector<16xf32>
          %min3A_702 = arith.minimumf %get3A_673, %get3A_678 : vector<16xf32>
          %max3A_703 = arith.maximumf %get3A_683, %get3A_688 : vector<16xf32>
          %min3A_704 = arith.minimumf %get3A_683, %get3A_688 : vector<16xf32>
          %max3A_705 = arith.maximumf %get3A_693, %get3A_698 : vector<16xf32>
          %min3A_706 = arith.minimumf %get3A_693, %get3A_698 : vector<16xf32>
          %max3A_707 = arith.maximumf %max3A_699, %max3A_701 : vector<16xf32>
          %min3A_708 = arith.minimumf %max3A_699, %max3A_701 : vector<16xf32>
          %max3A_709 = arith.maximumf %min3A_700, %min3A_702 : vector<16xf32>
          %min3A_710 = arith.minimumf %min3A_700, %min3A_702 : vector<16xf32>
          %max3A_711 = arith.maximumf %max3A_703, %max3A_705 : vector<16xf32>
          %min3A_712 = arith.minimumf %max3A_703, %max3A_705 : vector<16xf32>
          %max3A_713 = arith.maximumf %min3A_704, %min3A_706 : vector<16xf32>
          %min3A_714 = arith.minimumf %min3A_704, %min3A_706 : vector<16xf32>
          %max3A_715 = arith.maximumf %max3A_709, %min3A_708 : vector<16xf32>
          %min3A_716 = arith.minimumf %max3A_709, %min3A_708 : vector<16xf32>
          %max3A_717 = arith.maximumf %max3A_713, %min3A_712 : vector<16xf32>
          %min3A_718 = arith.minimumf %max3A_713, %min3A_712 : vector<16xf32>
          %max3A_719 = arith.maximumf %max3A_707, %max3A_711 : vector<16xf32>
          %min3A_720 = arith.minimumf %max3A_707, %max3A_711 : vector<16xf32>
          %max3A_721 = arith.maximumf %max3A_715, %max3A_717 : vector<16xf32>
          %min3A_722 = arith.minimumf %max3A_715, %max3A_717 : vector<16xf32>
          %max3A_723 = arith.maximumf %min3A_716, %min3A_718 : vector<16xf32>
          %min3A_724 = arith.minimumf %min3A_716, %min3A_718 : vector<16xf32>
          %max3A_725 = arith.maximumf %min3A_710, %min3A_714 : vector<16xf32>
          %min3A_726 = arith.minimumf %min3A_710, %min3A_714 : vector<16xf32>
          %max3A_727 = arith.maximumf %max3A_723, %min3A_720 : vector<16xf32>
          %min3A_728 = arith.minimumf %max3A_723, %min3A_720 : vector<16xf32>
          %max3A_729 = arith.maximumf %max3A_725, %min3A_722 : vector<16xf32>
          %min3A_730 = arith.minimumf %max3A_725, %min3A_722 : vector<16xf32>
          %max3A_731 = arith.maximumf %max3A_721, %max3A_727 : vector<16xf32>
          %min3A_732 = arith.minimumf %max3A_721, %max3A_727 : vector<16xf32>
          %max3A_733 = arith.maximumf %max3A_729, %min3A_728 : vector<16xf32>
          %min3A_734 = arith.minimumf %max3A_729, %min3A_728 : vector<16xf32>
          %max3A_735 = arith.maximumf %min3A_730, %min3A_724 : vector<16xf32>
          %min3A_736 = arith.minimumf %min3A_730, %min3A_724 : vector<16xf32>
          %max3A_737 = arith.maximumf %scan3A_322, %min3A_726 : vector<16xf32>
          %max3A_738 = arith.maximumf %scan3A_323, %min3A_736 : vector<16xf32>
          %max3A_739 = arith.maximumf %scan3A_324, %max3A_735 : vector<16xf32>
          %max3A_740 = arith.maximumf %scan3A_325, %min3A_734 : vector<16xf32>
          %max3A_741 = arith.maximumf %scan3A_326, %max3A_733 : vector<16xf32>
          %max3A_742 = arith.maximumf %scan3A_327, %min3A_732 : vector<16xf32>
          %max3A_743 = arith.maximumf %scan3A_328, %max3A_731 : vector<16xf32>
          %max3A_744 = arith.maximumf %scan3A_329, %max3A_719 : vector<16xf32>
          %max3A_745 = arith.maximumf %max3A_737, %max3A_741 : vector<16xf32>
          %min3A_746 = arith.minimumf %max3A_737, %max3A_741 : vector<16xf32>
          %max3A_747 = arith.maximumf %max3A_738, %max3A_742 : vector<16xf32>
          %min3A_748 = arith.minimumf %max3A_738, %max3A_742 : vector<16xf32>
          %max3A_749 = arith.maximumf %max3A_739, %max3A_743 : vector<16xf32>
          %min3A_750 = arith.minimumf %max3A_739, %max3A_743 : vector<16xf32>
          %max3A_751 = arith.maximumf %max3A_740, %max3A_744 : vector<16xf32>
          %min3A_752 = arith.minimumf %max3A_740, %max3A_744 : vector<16xf32>
          %max3A_753 = arith.maximumf %max3A_745, %max3A_749 : vector<16xf32>
          %min3A_754 = arith.minimumf %max3A_745, %max3A_749 : vector<16xf32>
          %max3A_755 = arith.maximumf %max3A_747, %max3A_751 : vector<16xf32>
          %min3A_756 = arith.minimumf %max3A_747, %max3A_751 : vector<16xf32>
          %max3A_757 = arith.maximumf %min3A_746, %min3A_750 : vector<16xf32>
          %min3A_758 = arith.minimumf %min3A_746, %min3A_750 : vector<16xf32>
          %max3A_759 = arith.maximumf %min3A_748, %min3A_752 : vector<16xf32>
          %min3A_760 = arith.minimumf %min3A_748, %min3A_752 : vector<16xf32>
          %max3A_761 = arith.maximumf %max3A_753, %max3A_755 : vector<16xf32>
          %min3A_762 = arith.minimumf %max3A_753, %max3A_755 : vector<16xf32>
          %max3A_763 = arith.maximumf %min3A_754, %min3A_756 : vector<16xf32>
          %min3A_764 = arith.minimumf %min3A_754, %min3A_756 : vector<16xf32>
          %max3A_765 = arith.maximumf %max3A_757, %max3A_759 : vector<16xf32>
          %min3A_766 = arith.minimumf %max3A_757, %max3A_759 : vector<16xf32>
          %max3A_767 = arith.maximumf %min3A_758, %min3A_760 : vector<16xf32>
          %min3A_768 = arith.minimumf %min3A_758, %min3A_760 : vector<16xf32>
          scf.yield %max3A_431, %min3A_432, %max3A_433, %min3A_434, %max3A_435, %min3A_436, %max3A_437, %min3A_438, %max3A_541, %min3A_542, %max3A_543, %min3A_544, %max3A_545, %min3A_546, %max3A_547, %min3A_548, %max3A_651, %min3A_652, %max3A_653, %min3A_654, %max3A_655, %min3A_656, %max3A_657, %min3A_658, %max3A_761, %min3A_762, %max3A_763, %min3A_764, %max3A_765, %min3A_766, %max3A_767, %min3A_768 : vector<16xf32>, vector<16xf32>, vector<16xf32>, vector<16xf32>, vector<16xf32>, vector<16xf32>, vector<16xf32>, vector<16xf32>, vector<16xf32>, vector<16xf32>, vector<16xf32>, vector<16xf32>, vector<16xf32>, vector<16xf32>, vector<16xf32>, vector<16xf32>, vector<16xf32>, vector<16xf32>, vector<16xf32>, vector<16xf32>, vector<16xf32>, vector<16xf32>, vector<16xf32>, vector<16xf32>, vector<16xf32>, vector<16xf32>, vector<16xf32>, vector<16xf32>, vector<16xf32>, vector<16xf32>, vector<16xf32>, vector<16xf32>
        }
        %scan3A_278 = arith.constant 32 : i32
        %lt3A = arith.constant 15 : i32
        %lt3A_279 = arith.cmpi slt, %scan3A_221, %lt3A : i32
        %convert_element_type3A = arith.extui %lt3A_279 : i1 to i32
        %cond3A = arith.constant 0 : i32
        %cond3A_280 = arith.cmpi ne, %convert_element_type3A, %cond3A : i32
        scf.if %cond3A_280 {
          %add3A_297 = arith.constant 2 : i32
          %add3A_298 = arith.addi %mul3A_255, %add3A_297 : i32
          %mul3A_299 = arith.constant 256 : i32
          %mul3A_300 = arith.muli %add3A_298, %mul3A_299 : i32
          %dma_start3A_301 = arith.constant 0 : i32
          %dma_start3A_302 = tpu.memref_slice %arg2[%add3A_12, %mul3A_300, %dma_start3A_301] : memref<128x8192x64xf32, #tpu.memory_space<hbm>> -> memref<1x256x64xf32, #tpu.memory_space<hbm>>
          %dma_start3A_303 = tpu.memref_squeeze %dma_start3A_302 : memref<1x256x64xf32, #tpu.memory_space<hbm>> -> memref<256x64xf32, #tpu.memory_space<hbm>>
          %dma_start3A_304 = arith.constant 0 : i32
          %dma_start3A_305 = tpu.memref_slice %arg2[%add3A_12, %mul3A_300, %dma_start3A_304] : memref<128x8192x64xf32, #tpu.memory_space<hbm>> -> memref<1x256x64xf32, #tpu.memory_space<hbm>>
          %dma_start3A_306 = tpu.memref_squeeze %dma_start3A_305 : memref<1x256x64xf32, #tpu.memory_space<hbm>> -> memref<256x64xf32, #tpu.memory_space<hbm>>
          tpu.enqueue_dma source(%dma_start3A_306 : memref<256x64xf32, #tpu.memory_space<hbm>>) target(%arg4 : memref<256x64xf32, #tpu.memory_space<vmem>>) target_semaphore(%arg7 : memref<!tpu.dma_semaphore, #tpu.memory_space<semaphore_mem>>)
        } else {
        }
        %add3A_281 = arith.constant 1 : i32
        %add3A_282 = arith.addi %mul3A_255, %add3A_281 : i32
        %mul3A_283 = arith.constant 256 : i32
        %mul3A_284 = arith.muli %add3A_282, %mul3A_283 : i32
        %dma_wait3A_285 = arith.constant 0 : i32
        %dma_wait3A_286 = tpu.memref_slice %arg2[%add3A_12, %mul3A_284, %dma_wait3A_285] : memref<128x8192x64xf32, #tpu.memory_space<hbm>> -> memref<1x256x64xf32, #tpu.memory_space<hbm>>
        %dma_wait3A_287 = tpu.memref_squeeze %dma_wait3A_286 : memref<1x256x64xf32, #tpu.memory_space<hbm>> -> memref<256x64xf32, #tpu.memory_space<hbm>>
        %dma_wait3A_288 = arith.constant 0 : i32
        %dma_wait3A_289 = tpu.memref_slice %arg2[%add3A_12, %mul3A_284, %dma_wait3A_288] : memref<128x8192x64xf32, #tpu.memory_space<hbm>> -> memref<1x256x64xf32, #tpu.memory_space<hbm>>
        %dma_wait3A_290 = tpu.memref_squeeze %dma_wait3A_289 : memref<1x256x64xf32, #tpu.memory_space<hbm>> -> memref<256x64xf32, #tpu.memory_space<hbm>>
        tpu.wait_dma2 semaphore(%arg8 : memref<!tpu.dma_semaphore, #tpu.memory_space<semaphore_mem>>) src(%dma_wait3A_290 : memref<256x64xf32, #tpu.memory_space<hbm>>) dst(%arg5 : memref<256x64xf32, #tpu.memory_space<vmem>>)
        %scan3A_291 = arith.constant 0 : i32
        %scan3A_292 = arith.constant 32 : i32
        %scan3A_293 = arith.addi %scan3A_291, %scan3A_292 : i32
        %scan3A_294 = arith.constant 1 : i32
        %scan3A_295:32 = scf.for %scan3A_297 = %scan3A_291 to %scan3A_293 step %scan3A_294 iter_args(%scan3A_298 = %scan3A_277#0, %scan3A_299 = %scan3A_277#1, %scan3A_300 = %scan3A_277#2, %scan3A_301 = %scan3A_277#3, %scan3A_302 = %scan3A_277#4, %scan3A_303 = %scan3A_277#5, %scan3A_304 = %scan3A_277#6, %scan3A_305 = %scan3A_277#7, %scan3A_306 = %scan3A_277#8, %scan3A_307 = %scan3A_277#9, %scan3A_308 = %scan3A_277#10, %scan3A_309 = %scan3A_277#11, %scan3A_310 = %scan3A_277#12, %scan3A_311 = %scan3A_277#13, %scan3A_312 = %scan3A_277#14, %scan3A_313 = %scan3A_277#15, %scan3A_314 = %scan3A_277#16, %scan3A_315 = %scan3A_277#17, %scan3A_316 = %scan3A_277#18, %scan3A_317 = %scan3A_277#19, %scan3A_318 = %scan3A_277#20, %scan3A_319 = %scan3A_277#21, %scan3A_320 = %scan3A_277#22, %scan3A_321 = %scan3A_277#23, %scan3A_322 = %scan3A_277#24, %scan3A_323 = %scan3A_277#25, %scan3A_324 = %scan3A_277#26, %scan3A_325 = %scan3A_277#27, %scan3A_326 = %scan3A_277#28, %scan3A_327 = %scan3A_277#29, %scan3A_328 = %scan3A_277#30, %scan3A_329 = %scan3A_277#31) -> (vector<16xf32>, vector<16xf32>, vector<16xf32>, vector<16xf32>, vector<16xf32>, vector<16xf32>, vector<16xf32>, vector<16xf32>, vector<16xf32>, vector<16xf32>, vector<16xf32>, vector<16xf32>, vector<16xf32>, vector<16xf32>, vector<16xf32>, vector<16xf32>, vector<16xf32>, vector<16xf32>, vector<16xf32>, vector<16xf32>, vector<16xf32>, vector<16xf32>, vector<16xf32>, vector<16xf32>, vector<16xf32>, vector<16xf32>, vector<16xf32>, vector<16xf32>, vector<16xf32>, vector<16xf32>, vector<16xf32>, vector<16xf32>)  : i32 {
          %mul3A_330 = arith.constant 8 : i32
          %mul3A_331 = arith.muli %scan3A_297, %mul3A_330 : i32
          %add3A_332 = arith.constant 0 : i32
          %add3A_333 = arith.addi %mul3A_331, %add3A_332 : i32
          %get3A = arith.index_cast %add3A_333 : i32 to index
          %get3A_334 = arith.constant 0 : index
          %get3A_335 = tpu.vector_load %arg5[%get3A, %get3A_334] {strides = array<i32>} : memref<256x64xf32, #tpu.memory_space<vmem>>, vector<16xf32>,
          %add3A_336 = arith.constant 1 : i32
          %add3A_337 = arith.addi %mul3A_331, %add3A_336 : i32
          %get3A_338 = arith.index_cast %add3A_337 : i32 to index
          %get3A_339 = arith.constant 0 : index
          %get3A_340 = tpu.vector_load %arg5[%get3A_338, %get3A_339] {strides = array<i32>} : memref<256x64xf32, #tpu.memory_space<vmem>>, vector<16xf32>,
          %add3A_341 = arith.constant 2 : i32
          %add3A_342 = arith.addi %mul3A_331, %add3A_341 : i32
          %get3A_343 = arith.index_cast %add3A_342 : i32 to index
          %get3A_344 = arith.constant 0 : index
          %get3A_345 = tpu.vector_load %arg5[%get3A_343, %get3A_344] {strides = array<i32>} : memref<256x64xf32, #tpu.memory_space<vmem>>, vector<16xf32>,
          %add3A_346 = arith.constant 3 : i32
          %add3A_347 = arith.addi %mul3A_331, %add3A_346 : i32
          %get3A_348 = arith.index_cast %add3A_347 : i32 to index
          %get3A_349 = arith.constant 0 : index
          %get3A_350 = tpu.vector_load %arg5[%get3A_348, %get3A_349] {strides = array<i32>} : memref<256x64xf32, #tpu.memory_space<vmem>>, vector<16xf32>,
          %add3A_351 = arith.constant 4 : i32
          %add3A_352 = arith.addi %mul3A_331, %add3A_351 : i32
          %get3A_353 = arith.index_cast %add3A_352 : i32 to index
          %get3A_354 = arith.constant 0 : index
          %get3A_355 = tpu.vector_load %arg5[%get3A_353, %get3A_354] {strides = array<i32>} : memref<256x64xf32, #tpu.memory_space<vmem>>, vector<16xf32>,
          %add3A_356 = arith.constant 5 : i32
          %add3A_357 = arith.addi %mul3A_331, %add3A_356 : i32
          %get3A_358 = arith.index_cast %add3A_357 : i32 to index
          %get3A_359 = arith.constant 0 : index
          %get3A_360 = tpu.vector_load %arg5[%get3A_358, %get3A_359] {strides = array<i32>} : memref<256x64xf32, #tpu.memory_space<vmem>>, vector<16xf32>,
          %add3A_361 = arith.constant 6 : i32
          %add3A_362 = arith.addi %mul3A_331, %add3A_361 : i32
          %get3A_363 = arith.index_cast %add3A_362 : i32 to index
          %get3A_364 = arith.constant 0 : index
          %get3A_365 = tpu.vector_load %arg5[%get3A_363, %get3A_364] {strides = array<i32>} : memref<256x64xf32, #tpu.memory_space<vmem>>, vector<16xf32>,
          %add3A_366 = arith.constant 7 : i32
          %add3A_367 = arith.addi %mul3A_331, %add3A_366 : i32
          %get3A_368 = arith.index_cast %add3A_367 : i32 to index
          %get3A_369 = arith.constant 0 : index
          %get3A_370 = tpu.vector_load %arg5[%get3A_368, %get3A_369] {strides = array<i32>} : memref<256x64xf32, #tpu.memory_space<vmem>>, vector<16xf32>,
          %max3A = arith.maximumf %get3A_335, %get3A_340 : vector<16xf32>
          %min3A = arith.minimumf %get3A_335, %get3A_340 : vector<16xf32>
          %max3A_371 = arith.maximumf %get3A_345, %get3A_350 : vector<16xf32>
          %min3A_372 = arith.minimumf %get3A_345, %get3A_350 : vector<16xf32>
          %max3A_373 = arith.maximumf %get3A_355, %get3A_360 : vector<16xf32>
          %min3A_374 = arith.minimumf %get3A_355, %get3A_360 : vector<16xf32>
          %max3A_375 = arith.maximumf %get3A_365, %get3A_370 : vector<16xf32>
          %min3A_376 = arith.minimumf %get3A_365, %get3A_370 : vector<16xf32>
          %max3A_377 = arith.maximumf %max3A, %max3A_371 : vector<16xf32>
          %min3A_378 = arith.minimumf %max3A, %max3A_371 : vector<16xf32>
          %max3A_379 = arith.maximumf %min3A, %min3A_372 : vector<16xf32>
          %min3A_380 = arith.minimumf %min3A, %min3A_372 : vector<16xf32>
          %max3A_381 = arith.maximumf %max3A_373, %max3A_375 : vector<16xf32>
          %min3A_382 = arith.minimumf %max3A_373, %max3A_375 : vector<16xf32>
          %max3A_383 = arith.maximumf %min3A_374, %min3A_376 : vector<16xf32>
          %min3A_384 = arith.minimumf %min3A_374, %min3A_376 : vector<16xf32>
          %max3A_385 = arith.maximumf %max3A_379, %min3A_378 : vector<16xf32>
          %min3A_386 = arith.minimumf %max3A_379, %min3A_378 : vector<16xf32>
          %max3A_387 = arith.maximumf %max3A_383, %min3A_382 : vector<16xf32>
          %min3A_388 = arith.minimumf %max3A_383, %min3A_382 : vector<16xf32>
          %max3A_389 = arith.maximumf %max3A_377, %max3A_381 : vector<16xf32>
          %min3A_390 = arith.minimumf %max3A_377, %max3A_381 : vector<16xf32>
          %max3A_391 = arith.maximumf %max3A_385, %max3A_387 : vector<16xf32>
          %min3A_392 = arith.minimumf %max3A_385, %max3A_387 : vector<16xf32>
          %max3A_393 = arith.maximumf %min3A_386, %min3A_388 : vector<16xf32>
          %min3A_394 = arith.minimumf %min3A_386, %min3A_388 : vector<16xf32>
          %max3A_395 = arith.maximumf %min3A_380, %min3A_384 : vector<16xf32>
          %min3A_396 = arith.minimumf %min3A_380, %min3A_384 : vector<16xf32>
          %max3A_397 = arith.maximumf %max3A_393, %min3A_390 : vector<16xf32>
          %min3A_398 = arith.minimumf %max3A_393, %min3A_390 : vector<16xf32>
          %max3A_399 = arith.maximumf %max3A_395, %min3A_392 : vector<16xf32>
          %min3A_400 = arith.minimumf %max3A_395, %min3A_392 : vector<16xf32>
          %max3A_401 = arith.maximumf %max3A_391, %max3A_397 : vector<16xf32>
          %min3A_402 = arith.minimumf %max3A_391, %max3A_397 : vector<16xf32>
          %max3A_403 = arith.maximumf %max3A_399, %min3A_398 : vector<16xf32>
          %min3A_404 = arith.minimumf %max3A_399, %min3A_398 : vector<16xf32>
          %max3A_405 = arith.maximumf %min3A_400, %min3A_394 : vector<16xf32>
          %min3A_406 = arith.minimumf %min3A_400, %min3A_394 : vector<16xf32>
          %max3A_407 = arith.maximumf %scan3A_298, %min3A_396 : vector<16xf32>
          %max3A_408 = arith.maximumf %scan3A_299, %min3A_406 : vector<16xf32>
          %max3A_409 = arith.maximumf %scan3A_300, %max3A_405 : vector<16xf32>
          %max3A_410 = arith.maximumf %scan3A_301, %min3A_404 : vector<16xf32>
          %max3A_411 = arith.maximumf %scan3A_302, %max3A_403 : vector<16xf32>
          %max3A_412 = arith.maximumf %scan3A_303, %min3A_402 : vector<16xf32>
          %max3A_413 = arith.maximumf %scan3A_304, %max3A_401 : vector<16xf32>
          %max3A_414 = arith.maximumf %scan3A_305, %max3A_389 : vector<16xf32>
          %max3A_415 = arith.maximumf %max3A_407, %max3A_411 : vector<16xf32>
          %min3A_416 = arith.minimumf %max3A_407, %max3A_411 : vector<16xf32>
          %max3A_417 = arith.maximumf %max3A_408, %max3A_412 : vector<16xf32>
          %min3A_418 = arith.minimumf %max3A_408, %max3A_412 : vector<16xf32>
          %max3A_419 = arith.maximumf %max3A_409, %max3A_413 : vector<16xf32>
          %min3A_420 = arith.minimumf %max3A_409, %max3A_413 : vector<16xf32>
          %max3A_421 = arith.maximumf %max3A_410, %max3A_414 : vector<16xf32>
          %min3A_422 = arith.minimumf %max3A_410, %max3A_414 : vector<16xf32>
          %max3A_423 = arith.maximumf %max3A_415, %max3A_419 : vector<16xf32>
          %min3A_424 = arith.minimumf %max3A_415, %max3A_419 : vector<16xf32>
          %max3A_425 = arith.maximumf %max3A_417, %max3A_421 : vector<16xf32>
          %min3A_426 = arith.minimumf %max3A_417, %max3A_421 : vector<16xf32>
          %max3A_427 = arith.maximumf %min3A_416, %min3A_420 : vector<16xf32>
          %min3A_428 = arith.minimumf %min3A_416, %min3A_420 : vector<16xf32>
          %max3A_429 = arith.maximumf %min3A_418, %min3A_422 : vector<16xf32>
          %min3A_430 = arith.minimumf %min3A_418, %min3A_422 : vector<16xf32>
          %max3A_431 = arith.maximumf %max3A_423, %max3A_425 : vector<16xf32>
          %min3A_432 = arith.minimumf %max3A_423, %max3A_425 : vector<16xf32>
          %max3A_433 = arith.maximumf %min3A_424, %min3A_426 : vector<16xf32>
          %min3A_434 = arith.minimumf %min3A_424, %min3A_426 : vector<16xf32>
          %max3A_435 = arith.maximumf %max3A_427, %max3A_429 : vector<16xf32>
          %min3A_436 = arith.minimumf %max3A_427, %max3A_429 : vector<16xf32>
          %max3A_437 = arith.maximumf %min3A_428, %min3A_430 : vector<16xf32>
          %min3A_438 = arith.minimumf %min3A_428, %min3A_430 : vector<16xf32>
          %add3A_439 = arith.constant 0 : i32
          %add3A_440 = arith.addi %mul3A_331, %add3A_439 : i32
          %get3A_441 = arith.index_cast %add3A_440 : i32 to index
          %get3A_442 = arith.constant 16 : index
          %get3A_443 = tpu.vector_load %arg5[%get3A_441, %get3A_442] {strides = array<i32>} : memref<256x64xf32, #tpu.memory_space<vmem>>, vector<16xf32>,
          %add3A_444 = arith.constant 1 : i32
          %add3A_445 = arith.addi %mul3A_331, %add3A_444 : i32
          %get3A_446 = arith.index_cast %add3A_445 : i32 to index
          %get3A_447 = arith.constant 16 : index
          %get3A_448 = tpu.vector_load %arg5[%get3A_446, %get3A_447] {strides = array<i32>} : memref<256x64xf32, #tpu.memory_space<vmem>>, vector<16xf32>,
          %add3A_449 = arith.constant 2 : i32
          %add3A_450 = arith.addi %mul3A_331, %add3A_449 : i32
          %get3A_451 = arith.index_cast %add3A_450 : i32 to index
          %get3A_452 = arith.constant 16 : index
          %get3A_453 = tpu.vector_load %arg5[%get3A_451, %get3A_452] {strides = array<i32>} : memref<256x64xf32, #tpu.memory_space<vmem>>, vector<16xf32>,
          %add3A_454 = arith.constant 3 : i32
          %add3A_455 = arith.addi %mul3A_331, %add3A_454 : i32
          %get3A_456 = arith.index_cast %add3A_455 : i32 to index
          %get3A_457 = arith.constant 16 : index
          %get3A_458 = tpu.vector_load %arg5[%get3A_456, %get3A_457] {strides = array<i32>} : memref<256x64xf32, #tpu.memory_space<vmem>>, vector<16xf32>,
          %add3A_459 = arith.constant 4 : i32
          %add3A_460 = arith.addi %mul3A_331, %add3A_459 : i32
          %get3A_461 = arith.index_cast %add3A_460 : i32 to index
          %get3A_462 = arith.constant 16 : index
          %get3A_463 = tpu.vector_load %arg5[%get3A_461, %get3A_462] {strides = array<i32>} : memref<256x64xf32, #tpu.memory_space<vmem>>, vector<16xf32>,
          %add3A_464 = arith.constant 5 : i32
          %add3A_465 = arith.addi %mul3A_331, %add3A_464 : i32
          %get3A_466 = arith.index_cast %add3A_465 : i32 to index
          %get3A_467 = arith.constant 16 : index
          %get3A_468 = tpu.vector_load %arg5[%get3A_466, %get3A_467] {strides = array<i32>} : memref<256x64xf32, #tpu.memory_space<vmem>>, vector<16xf32>,
          %add3A_469 = arith.constant 6 : i32
          %add3A_470 = arith.addi %mul3A_331, %add3A_469 : i32
          %get3A_471 = arith.index_cast %add3A_470 : i32 to index
          %get3A_472 = arith.constant 16 : index
          %get3A_473 = tpu.vector_load %arg5[%get3A_471, %get3A_472] {strides = array<i32>} : memref<256x64xf32, #tpu.memory_space<vmem>>, vector<16xf32>,
          %add3A_474 = arith.constant 7 : i32
          %add3A_475 = arith.addi %mul3A_331, %add3A_474 : i32
          %get3A_476 = arith.index_cast %add3A_475 : i32 to index
          %get3A_477 = arith.constant 16 : index
          %get3A_478 = tpu.vector_load %arg5[%get3A_476, %get3A_477] {strides = array<i32>} : memref<256x64xf32, #tpu.memory_space<vmem>>, vector<16xf32>,
          %max3A_479 = arith.maximumf %get3A_443, %get3A_448 : vector<16xf32>
          %min3A_480 = arith.minimumf %get3A_443, %get3A_448 : vector<16xf32>
          %max3A_481 = arith.maximumf %get3A_453, %get3A_458 : vector<16xf32>
          %min3A_482 = arith.minimumf %get3A_453, %get3A_458 : vector<16xf32>
          %max3A_483 = arith.maximumf %get3A_463, %get3A_468 : vector<16xf32>
          %min3A_484 = arith.minimumf %get3A_463, %get3A_468 : vector<16xf32>
          %max3A_485 = arith.maximumf %get3A_473, %get3A_478 : vector<16xf32>
          %min3A_486 = arith.minimumf %get3A_473, %get3A_478 : vector<16xf32>
          %max3A_487 = arith.maximumf %max3A_479, %max3A_481 : vector<16xf32>
          %min3A_488 = arith.minimumf %max3A_479, %max3A_481 : vector<16xf32>
          %max3A_489 = arith.maximumf %min3A_480, %min3A_482 : vector<16xf32>
          %min3A_490 = arith.minimumf %min3A_480, %min3A_482 : vector<16xf32>
          %max3A_491 = arith.maximumf %max3A_483, %max3A_485 : vector<16xf32>
          %min3A_492 = arith.minimumf %max3A_483, %max3A_485 : vector<16xf32>
          %max3A_493 = arith.maximumf %min3A_484, %min3A_486 : vector<16xf32>
          %min3A_494 = arith.minimumf %min3A_484, %min3A_486 : vector<16xf32>
          %max3A_495 = arith.maximumf %max3A_489, %min3A_488 : vector<16xf32>
          %min3A_496 = arith.minimumf %max3A_489, %min3A_488 : vector<16xf32>
          %max3A_497 = arith.maximumf %max3A_493, %min3A_492 : vector<16xf32>
          %min3A_498 = arith.minimumf %max3A_493, %min3A_492 : vector<16xf32>
          %max3A_499 = arith.maximumf %max3A_487, %max3A_491 : vector<16xf32>
          %min3A_500 = arith.minimumf %max3A_487, %max3A_491 : vector<16xf32>
          %max3A_501 = arith.maximumf %max3A_495, %max3A_497 : vector<16xf32>
          %min3A_502 = arith.minimumf %max3A_495, %max3A_497 : vector<16xf32>
          %max3A_503 = arith.maximumf %min3A_496, %min3A_498 : vector<16xf32>
          %min3A_504 = arith.minimumf %min3A_496, %min3A_498 : vector<16xf32>
          %max3A_505 = arith.maximumf %min3A_490, %min3A_494 : vector<16xf32>
          %min3A_506 = arith.minimumf %min3A_490, %min3A_494 : vector<16xf32>
          %max3A_507 = arith.maximumf %max3A_503, %min3A_500 : vector<16xf32>
          %min3A_508 = arith.minimumf %max3A_503, %min3A_500 : vector<16xf32>
          %max3A_509 = arith.maximumf %max3A_505, %min3A_502 : vector<16xf32>
          %min3A_510 = arith.minimumf %max3A_505, %min3A_502 : vector<16xf32>
          %max3A_511 = arith.maximumf %max3A_501, %max3A_507 : vector<16xf32>
          %min3A_512 = arith.minimumf %max3A_501, %max3A_507 : vector<16xf32>
          %max3A_513 = arith.maximumf %max3A_509, %min3A_508 : vector<16xf32>
          %min3A_514 = arith.minimumf %max3A_509, %min3A_508 : vector<16xf32>
          %max3A_515 = arith.maximumf %min3A_510, %min3A_504 : vector<16xf32>
          %min3A_516 = arith.minimumf %min3A_510, %min3A_504 : vector<16xf32>
          %max3A_517 = arith.maximumf %scan3A_306, %min3A_506 : vector<16xf32>
          %max3A_518 = arith.maximumf %scan3A_307, %min3A_516 : vector<16xf32>
          %max3A_519 = arith.maximumf %scan3A_308, %max3A_515 : vector<16xf32>
          %max3A_520 = arith.maximumf %scan3A_309, %min3A_514 : vector<16xf32>
          %max3A_521 = arith.maximumf %scan3A_310, %max3A_513 : vector<16xf32>
          %max3A_522 = arith.maximumf %scan3A_311, %min3A_512 : vector<16xf32>
          %max3A_523 = arith.maximumf %scan3A_312, %max3A_511 : vector<16xf32>
          %max3A_524 = arith.maximumf %scan3A_313, %max3A_499 : vector<16xf32>
          %max3A_525 = arith.maximumf %max3A_517, %max3A_521 : vector<16xf32>
          %min3A_526 = arith.minimumf %max3A_517, %max3A_521 : vector<16xf32>
          %max3A_527 = arith.maximumf %max3A_518, %max3A_522 : vector<16xf32>
          %min3A_528 = arith.minimumf %max3A_518, %max3A_522 : vector<16xf32>
          %max3A_529 = arith.maximumf %max3A_519, %max3A_523 : vector<16xf32>
          %min3A_530 = arith.minimumf %max3A_519, %max3A_523 : vector<16xf32>
          %max3A_531 = arith.maximumf %max3A_520, %max3A_524 : vector<16xf32>
          %min3A_532 = arith.minimumf %max3A_520, %max3A_524 : vector<16xf32>
          %max3A_533 = arith.maximumf %max3A_525, %max3A_529 : vector<16xf32>
          %min3A_534 = arith.minimumf %max3A_525, %max3A_529 : vector<16xf32>
          %max3A_535 = arith.maximumf %max3A_527, %max3A_531 : vector<16xf32>
          %min3A_536 = arith.minimumf %max3A_527, %max3A_531 : vector<16xf32>
          %max3A_537 = arith.maximumf %min3A_526, %min3A_530 : vector<16xf32>
          %min3A_538 = arith.minimumf %min3A_526, %min3A_530 : vector<16xf32>
          %max3A_539 = arith.maximumf %min3A_528, %min3A_532 : vector<16xf32>
          %min3A_540 = arith.minimumf %min3A_528, %min3A_532 : vector<16xf32>
          %max3A_541 = arith.maximumf %max3A_533, %max3A_535 : vector<16xf32>
          %min3A_542 = arith.minimumf %max3A_533, %max3A_535 : vector<16xf32>
          %max3A_543 = arith.maximumf %min3A_534, %min3A_536 : vector<16xf32>
          %min3A_544 = arith.minimumf %min3A_534, %min3A_536 : vector<16xf32>
          %max3A_545 = arith.maximumf %max3A_537, %max3A_539 : vector<16xf32>
          %min3A_546 = arith.minimumf %max3A_537, %max3A_539 : vector<16xf32>
          %max3A_547 = arith.maximumf %min3A_538, %min3A_540 : vector<16xf32>
          %min3A_548 = arith.minimumf %min3A_538, %min3A_540 : vector<16xf32>
          %add3A_549 = arith.constant 0 : i32
          %add3A_550 = arith.addi %mul3A_331, %add3A_549 : i32
          %get3A_551 = arith.index_cast %add3A_550 : i32 to index
          %get3A_552 = arith.constant 32 : index
          %get3A_553 = tpu.vector_load %arg5[%get3A_551, %get3A_552] {strides = array<i32>} : memref<256x64xf32, #tpu.memory_space<vmem>>, vector<16xf32>,
          %add3A_554 = arith.constant 1 : i32
          %add3A_555 = arith.addi %mul3A_331, %add3A_554 : i32
          %get3A_556 = arith.index_cast %add3A_555 : i32 to index
          %get3A_557 = arith.constant 32 : index
          %get3A_558 = tpu.vector_load %arg5[%get3A_556, %get3A_557] {strides = array<i32>} : memref<256x64xf32, #tpu.memory_space<vmem>>, vector<16xf32>,
          %add3A_559 = arith.constant 2 : i32
          %add3A_560 = arith.addi %mul3A_331, %add3A_559 : i32
          %get3A_561 = arith.index_cast %add3A_560 : i32 to index
          %get3A_562 = arith.constant 32 : index
          %get3A_563 = tpu.vector_load %arg5[%get3A_561, %get3A_562] {strides = array<i32>} : memref<256x64xf32, #tpu.memory_space<vmem>>, vector<16xf32>,
          %add3A_564 = arith.constant 3 : i32
          %add3A_565 = arith.addi %mul3A_331, %add3A_564 : i32
          %get3A_566 = arith.index_cast %add3A_565 : i32 to index
          %get3A_567 = arith.constant 32 : index
          %get3A_568 = tpu.vector_load %arg5[%get3A_566, %get3A_567] {strides = array<i32>} : memref<256x64xf32, #tpu.memory_space<vmem>>, vector<16xf32>,
          %add3A_569 = arith.constant 4 : i32
          %add3A_570 = arith.addi %mul3A_331, %add3A_569 : i32
          %get3A_571 = arith.index_cast %add3A_570 : i32 to index
          %get3A_572 = arith.constant 32 : index
          %get3A_573 = tpu.vector_load %arg5[%get3A_571, %get3A_572] {strides = array<i32>} : memref<256x64xf32, #tpu.memory_space<vmem>>, vector<16xf32>,
          %add3A_574 = arith.constant 5 : i32
          %add3A_575 = arith.addi %mul3A_331, %add3A_574 : i32
          %get3A_576 = arith.index_cast %add3A_575 : i32 to index
          %get3A_577 = arith.constant 32 : index
          %get3A_578 = tpu.vector_load %arg5[%get3A_576, %get3A_577] {strides = array<i32>} : memref<256x64xf32, #tpu.memory_space<vmem>>, vector<16xf32>,
          %add3A_579 = arith.constant 6 : i32
          %add3A_580 = arith.addi %mul3A_331, %add3A_579 : i32
          %get3A_581 = arith.index_cast %add3A_580 : i32 to index
          %get3A_582 = arith.constant 32 : index
          %get3A_583 = tpu.vector_load %arg5[%get3A_581, %get3A_582] {strides = array<i32>} : memref<256x64xf32, #tpu.memory_space<vmem>>, vector<16xf32>,
          %add3A_584 = arith.constant 7 : i32
          %add3A_585 = arith.addi %mul3A_331, %add3A_584 : i32
          %get3A_586 = arith.index_cast %add3A_585 : i32 to index
          %get3A_587 = arith.constant 32 : index
          %get3A_588 = tpu.vector_load %arg5[%get3A_586, %get3A_587] {strides = array<i32>} : memref<256x64xf32, #tpu.memory_space<vmem>>, vector<16xf32>,
          %max3A_589 = arith.maximumf %get3A_553, %get3A_558 : vector<16xf32>
          %min3A_590 = arith.minimumf %get3A_553, %get3A_558 : vector<16xf32>
          %max3A_591 = arith.maximumf %get3A_563, %get3A_568 : vector<16xf32>
          %min3A_592 = arith.minimumf %get3A_563, %get3A_568 : vector<16xf32>
          %max3A_593 = arith.maximumf %get3A_573, %get3A_578 : vector<16xf32>
          %min3A_594 = arith.minimumf %get3A_573, %get3A_578 : vector<16xf32>
          %max3A_595 = arith.maximumf %get3A_583, %get3A_588 : vector<16xf32>
          %min3A_596 = arith.minimumf %get3A_583, %get3A_588 : vector<16xf32>
          %max3A_597 = arith.maximumf %max3A_589, %max3A_591 : vector<16xf32>
          %min3A_598 = arith.minimumf %max3A_589, %max3A_591 : vector<16xf32>
          %max3A_599 = arith.maximumf %min3A_590, %min3A_592 : vector<16xf32>
          %min3A_600 = arith.minimumf %min3A_590, %min3A_592 : vector<16xf32>
          %max3A_601 = arith.maximumf %max3A_593, %max3A_595 : vector<16xf32>
          %min3A_602 = arith.minimumf %max3A_593, %max3A_595 : vector<16xf32>
          %max3A_603 = arith.maximumf %min3A_594, %min3A_596 : vector<16xf32>
          %min3A_604 = arith.minimumf %min3A_594, %min3A_596 : vector<16xf32>
          %max3A_605 = arith.maximumf %max3A_599, %min3A_598 : vector<16xf32>
          %min3A_606 = arith.minimumf %max3A_599, %min3A_598 : vector<16xf32>
          %max3A_607 = arith.maximumf %max3A_603, %min3A_602 : vector<16xf32>
          %min3A_608 = arith.minimumf %max3A_603, %min3A_602 : vector<16xf32>
          %max3A_609 = arith.maximumf %max3A_597, %max3A_601 : vector<16xf32>
          %min3A_610 = arith.minimumf %max3A_597, %max3A_601 : vector<16xf32>
          %max3A_611 = arith.maximumf %max3A_605, %max3A_607 : vector<16xf32>
          %min3A_612 = arith.minimumf %max3A_605, %max3A_607 : vector<16xf32>
          %max3A_613 = arith.maximumf %min3A_606, %min3A_608 : vector<16xf32>
          %min3A_614 = arith.minimumf %min3A_606, %min3A_608 : vector<16xf32>
          %max3A_615 = arith.maximumf %min3A_600, %min3A_604 : vector<16xf32>
          %min3A_616 = arith.minimumf %min3A_600, %min3A_604 : vector<16xf32>
          %max3A_617 = arith.maximumf %max3A_613, %min3A_610 : vector<16xf32>
          %min3A_618 = arith.minimumf %max3A_613, %min3A_610 : vector<16xf32>
          %max3A_619 = arith.maximumf %max3A_615, %min3A_612 : vector<16xf32>
          %min3A_620 = arith.minimumf %max3A_615, %min3A_612 : vector<16xf32>
          %max3A_621 = arith.maximumf %max3A_611, %max3A_617 : vector<16xf32>
          %min3A_622 = arith.minimumf %max3A_611, %max3A_617 : vector<16xf32>
          %max3A_623 = arith.maximumf %max3A_619, %min3A_618 : vector<16xf32>
          %min3A_624 = arith.minimumf %max3A_619, %min3A_618 : vector<16xf32>
          %max3A_625 = arith.maximumf %min3A_620, %min3A_614 : vector<16xf32>
          %min3A_626 = arith.minimumf %min3A_620, %min3A_614 : vector<16xf32>
          %max3A_627 = arith.maximumf %scan3A_314, %min3A_616 : vector<16xf32>
          %max3A_628 = arith.maximumf %scan3A_315, %min3A_626 : vector<16xf32>
          %max3A_629 = arith.maximumf %scan3A_316, %max3A_625 : vector<16xf32>
          %max3A_630 = arith.maximumf %scan3A_317, %min3A_624 : vector<16xf32>
          %max3A_631 = arith.maximumf %scan3A_318, %max3A_623 : vector<16xf32>
          %max3A_632 = arith.maximumf %scan3A_319, %min3A_622 : vector<16xf32>
          %max3A_633 = arith.maximumf %scan3A_320, %max3A_621 : vector<16xf32>
          %max3A_634 = arith.maximumf %scan3A_321, %max3A_609 : vector<16xf32>
          %max3A_635 = arith.maximumf %max3A_627, %max3A_631 : vector<16xf32>
          %min3A_636 = arith.minimumf %max3A_627, %max3A_631 : vector<16xf32>
          %max3A_637 = arith.maximumf %max3A_628, %max3A_632 : vector<16xf32>
          %min3A_638 = arith.minimumf %max3A_628, %max3A_632 : vector<16xf32>
          %max3A_639 = arith.maximumf %max3A_629, %max3A_633 : vector<16xf32>
          %min3A_640 = arith.minimumf %max3A_629, %max3A_633 : vector<16xf32>
          %max3A_641 = arith.maximumf %max3A_630, %max3A_634 : vector<16xf32>
          %min3A_642 = arith.minimumf %max3A_630, %max3A_634 : vector<16xf32>
          %max3A_643 = arith.maximumf %max3A_635, %max3A_639 : vector<16xf32>
          %min3A_644 = arith.minimumf %max3A_635, %max3A_639 : vector<16xf32>
          %max3A_645 = arith.maximumf %max3A_637, %max3A_641 : vector<16xf32>
          %min3A_646 = arith.minimumf %max3A_637, %max3A_641 : vector<16xf32>
          %max3A_647 = arith.maximumf %min3A_636, %min3A_640 : vector<16xf32>
          %min3A_648 = arith.minimumf %min3A_636, %min3A_640 : vector<16xf32>
          %max3A_649 = arith.maximumf %min3A_638, %min3A_642 : vector<16xf32>
          %min3A_650 = arith.minimumf %min3A_638, %min3A_642 : vector<16xf32>
          %max3A_651 = arith.maximumf %max3A_643, %max3A_645 : vector<16xf32>
          %min3A_652 = arith.minimumf %max3A_643, %max3A_645 : vector<16xf32>
          %max3A_653 = arith.maximumf %min3A_644, %min3A_646 : vector<16xf32>
          %min3A_654 = arith.minimumf %min3A_644, %min3A_646 : vector<16xf32>
          %max3A_655 = arith.maximumf %max3A_647, %max3A_649 : vector<16xf32>
          %min3A_656 = arith.minimumf %max3A_647, %max3A_649 : vector<16xf32>
          %max3A_657 = arith.maximumf %min3A_648, %min3A_650 : vector<16xf32>
          %min3A_658 = arith.minimumf %min3A_648, %min3A_650 : vector<16xf32>
          %add3A_659 = arith.constant 0 : i32
          %add3A_660 = arith.addi %mul3A_331, %add3A_659 : i32
          %get3A_661 = arith.index_cast %add3A_660 : i32 to index
          %get3A_662 = arith.constant 48 : index
          %get3A_663 = tpu.vector_load %arg5[%get3A_661, %get3A_662] {strides = array<i32>} : memref<256x64xf32, #tpu.memory_space<vmem>>, vector<16xf32>,
          %add3A_664 = arith.constant 1 : i32
          %add3A_665 = arith.addi %mul3A_331, %add3A_664 : i32
          %get3A_666 = arith.index_cast %add3A_665 : i32 to index
          %get3A_667 = arith.constant 48 : index
          %get3A_668 = tpu.vector_load %arg5[%get3A_666, %get3A_667] {strides = array<i32>} : memref<256x64xf32, #tpu.memory_space<vmem>>, vector<16xf32>,
          %add3A_669 = arith.constant 2 : i32
          %add3A_670 = arith.addi %mul3A_331, %add3A_669 : i32
          %get3A_671 = arith.index_cast %add3A_670 : i32 to index
          %get3A_672 = arith.constant 48 : index
          %get3A_673 = tpu.vector_load %arg5[%get3A_671, %get3A_672] {strides = array<i32>} : memref<256x64xf32, #tpu.memory_space<vmem>>, vector<16xf32>,
          %add3A_674 = arith.constant 3 : i32
          %add3A_675 = arith.addi %mul3A_331, %add3A_674 : i32
          %get3A_676 = arith.index_cast %add3A_675 : i32 to index
          %get3A_677 = arith.constant 48 : index
          %get3A_678 = tpu.vector_load %arg5[%get3A_676, %get3A_677] {strides = array<i32>} : memref<256x64xf32, #tpu.memory_space<vmem>>, vector<16xf32>,
          %add3A_679 = arith.constant 4 : i32
          %add3A_680 = arith.addi %mul3A_331, %add3A_679 : i32
          %get3A_681 = arith.index_cast %add3A_680 : i32 to index
          %get3A_682 = arith.constant 48 : index
          %get3A_683 = tpu.vector_load %arg5[%get3A_681, %get3A_682] {strides = array<i32>} : memref<256x64xf32, #tpu.memory_space<vmem>>, vector<16xf32>,
          %add3A_684 = arith.constant 5 : i32
          %add3A_685 = arith.addi %mul3A_331, %add3A_684 : i32
          %get3A_686 = arith.index_cast %add3A_685 : i32 to index
          %get3A_687 = arith.constant 48 : index
          %get3A_688 = tpu.vector_load %arg5[%get3A_686, %get3A_687] {strides = array<i32>} : memref<256x64xf32, #tpu.memory_space<vmem>>, vector<16xf32>,
          %add3A_689 = arith.constant 6 : i32
          %add3A_690 = arith.addi %mul3A_331, %add3A_689 : i32
          %get3A_691 = arith.index_cast %add3A_690 : i32 to index
          %get3A_692 = arith.constant 48 : index
          %get3A_693 = tpu.vector_load %arg5[%get3A_691, %get3A_692] {strides = array<i32>} : memref<256x64xf32, #tpu.memory_space<vmem>>, vector<16xf32>,
          %add3A_694 = arith.constant 7 : i32
          %add3A_695 = arith.addi %mul3A_331, %add3A_694 : i32
          %get3A_696 = arith.index_cast %add3A_695 : i32 to index
          %get3A_697 = arith.constant 48 : index
          %get3A_698 = tpu.vector_load %arg5[%get3A_696, %get3A_697] {strides = array<i32>} : memref<256x64xf32, #tpu.memory_space<vmem>>, vector<16xf32>,
          %max3A_699 = arith.maximumf %get3A_663, %get3A_668 : vector<16xf32>
          %min3A_700 = arith.minimumf %get3A_663, %get3A_668 : vector<16xf32>
          %max3A_701 = arith.maximumf %get3A_673, %get3A_678 : vector<16xf32>
          %min3A_702 = arith.minimumf %get3A_673, %get3A_678 : vector<16xf32>
          %max3A_703 = arith.maximumf %get3A_683, %get3A_688 : vector<16xf32>
          %min3A_704 = arith.minimumf %get3A_683, %get3A_688 : vector<16xf32>
          %max3A_705 = arith.maximumf %get3A_693, %get3A_698 : vector<16xf32>
          %min3A_706 = arith.minimumf %get3A_693, %get3A_698 : vector<16xf32>
          %max3A_707 = arith.maximumf %max3A_699, %max3A_701 : vector<16xf32>
          %min3A_708 = arith.minimumf %max3A_699, %max3A_701 : vector<16xf32>
          %max3A_709 = arith.maximumf %min3A_700, %min3A_702 : vector<16xf32>
          %min3A_710 = arith.minimumf %min3A_700, %min3A_702 : vector<16xf32>
          %max3A_711 = arith.maximumf %max3A_703, %max3A_705 : vector<16xf32>
          %min3A_712 = arith.minimumf %max3A_703, %max3A_705 : vector<16xf32>
          %max3A_713 = arith.maximumf %min3A_704, %min3A_706 : vector<16xf32>
          %min3A_714 = arith.minimumf %min3A_704, %min3A_706 : vector<16xf32>
          %max3A_715 = arith.maximumf %max3A_709, %min3A_708 : vector<16xf32>
          %min3A_716 = arith.minimumf %max3A_709, %min3A_708 : vector<16xf32>
          %max3A_717 = arith.maximumf %max3A_713, %min3A_712 : vector<16xf32>
          %min3A_718 = arith.minimumf %max3A_713, %min3A_712 : vector<16xf32>
          %max3A_719 = arith.maximumf %max3A_707, %max3A_711 : vector<16xf32>
          %min3A_720 = arith.minimumf %max3A_707, %max3A_711 : vector<16xf32>
          %max3A_721 = arith.maximumf %max3A_715, %max3A_717 : vector<16xf32>
          %min3A_722 = arith.minimumf %max3A_715, %max3A_717 : vector<16xf32>
          %max3A_723 = arith.maximumf %min3A_716, %min3A_718 : vector<16xf32>
          %min3A_724 = arith.minimumf %min3A_716, %min3A_718 : vector<16xf32>
          %max3A_725 = arith.maximumf %min3A_710, %min3A_714 : vector<16xf32>
          %min3A_726 = arith.minimumf %min3A_710, %min3A_714 : vector<16xf32>
          %max3A_727 = arith.maximumf %max3A_723, %min3A_720 : vector<16xf32>
          %min3A_728 = arith.minimumf %max3A_723, %min3A_720 : vector<16xf32>
          %max3A_729 = arith.maximumf %max3A_725, %min3A_722 : vector<16xf32>
          %min3A_730 = arith.minimumf %max3A_725, %min3A_722 : vector<16xf32>
          %max3A_731 = arith.maximumf %max3A_721, %max3A_727 : vector<16xf32>
          %min3A_732 = arith.minimumf %max3A_721, %max3A_727 : vector<16xf32>
          %max3A_733 = arith.maximumf %max3A_729, %min3A_728 : vector<16xf32>
          %min3A_734 = arith.minimumf %max3A_729, %min3A_728 : vector<16xf32>
          %max3A_735 = arith.maximumf %min3A_730, %min3A_724 : vector<16xf32>
          %min3A_736 = arith.minimumf %min3A_730, %min3A_724 : vector<16xf32>
          %max3A_737 = arith.maximumf %scan3A_322, %min3A_726 : vector<16xf32>
          %max3A_738 = arith.maximumf %scan3A_323, %min3A_736 : vector<16xf32>
          %max3A_739 = arith.maximumf %scan3A_324, %max3A_735 : vector<16xf32>
          %max3A_740 = arith.maximumf %scan3A_325, %min3A_734 : vector<16xf32>
          %max3A_741 = arith.maximumf %scan3A_326, %max3A_733 : vector<16xf32>
          %max3A_742 = arith.maximumf %scan3A_327, %min3A_732 : vector<16xf32>
          %max3A_743 = arith.maximumf %scan3A_328, %max3A_731 : vector<16xf32>
          %max3A_744 = arith.maximumf %scan3A_329, %max3A_719 : vector<16xf32>
          %max3A_745 = arith.maximumf %max3A_737, %max3A_741 : vector<16xf32>
          %min3A_746 = arith.minimumf %max3A_737, %max3A_741 : vector<16xf32>
          %max3A_747 = arith.maximumf %max3A_738, %max3A_742 : vector<16xf32>
          %min3A_748 = arith.minimumf %max3A_738, %max3A_742 : vector<16xf32>
          %max3A_749 = arith.maximumf %max3A_739, %max3A_743 : vector<16xf32>
          %min3A_750 = arith.minimumf %max3A_739, %max3A_743 : vector<16xf32>
          %max3A_751 = arith.maximumf %max3A_740, %max3A_744 : vector<16xf32>
          %min3A_752 = arith.minimumf %max3A_740, %max3A_744 : vector<16xf32>
          %max3A_753 = arith.maximumf %max3A_745, %max3A_749 : vector<16xf32>
          %min3A_754 = arith.minimumf %max3A_745, %max3A_749 : vector<16xf32>
          %max3A_755 = arith.maximumf %max3A_747, %max3A_751 : vector<16xf32>
          %min3A_756 = arith.minimumf %max3A_747, %max3A_751 : vector<16xf32>
          %max3A_757 = arith.maximumf %min3A_746, %min3A_750 : vector<16xf32>
          %min3A_758 = arith.minimumf %min3A_746, %min3A_750 : vector<16xf32>
          %max3A_759 = arith.maximumf %min3A_748, %min3A_752 : vector<16xf32>
          %min3A_760 = arith.minimumf %min3A_748, %min3A_752 : vector<16xf32>
          %max3A_761 = arith.maximumf %max3A_753, %max3A_755 : vector<16xf32>
          %min3A_762 = arith.minimumf %max3A_753, %max3A_755 : vector<16xf32>
          %max3A_763 = arith.maximumf %min3A_754, %min3A_756 : vector<16xf32>
          %min3A_764 = arith.minimumf %min3A_754, %min3A_756 : vector<16xf32>
          %max3A_765 = arith.maximumf %max3A_757, %max3A_759 : vector<16xf32>
          %min3A_766 = arith.minimumf %max3A_757, %max3A_759 : vector<16xf32>
          %max3A_767 = arith.maximumf %min3A_758, %min3A_760 : vector<16xf32>
          %min3A_768 = arith.minimumf %min3A_758, %min3A_760 : vector<16xf32>
          scf.yield %max3A_431, %min3A_432, %max3A_433, %min3A_434, %max3A_435, %min3A_436, %max3A_437, %min3A_438, %max3A_541, %min3A_542, %max3A_543, %min3A_544, %max3A_545, %min3A_546, %max3A_547, %min3A_548, %max3A_651, %min3A_652, %max3A_653, %min3A_654, %max3A_655, %min3A_656, %max3A_657, %min3A_658, %max3A_761, %min3A_762, %max3A_763, %min3A_764, %max3A_765, %min3A_766, %max3A_767, %min3A_768 : vector<16xf32>, vector<16xf32>, vector<16xf32>, vector<16xf32>, vector<16xf32>, vector<16xf32>, vector<16xf32>, vector<16xf32>, vector<16xf32>, vector<16xf32>, vector<16xf32>, vector<16xf32>, vector<16xf32>, vector<16xf32>, vector<16xf32>, vector<16xf32>, vector<16xf32>, vector<16xf32>, vector<16xf32>, vector<16xf32>, vector<16xf32>, vector<16xf32>, vector<16xf32>, vector<16xf32>, vector<16xf32>, vector<16xf32>, vector<16xf32>, vector<16xf32>, vector<16xf32>, vector<16xf32>, vector<16xf32>, vector<16xf32>
        }
        %scan3A_296 = arith.constant 32 : i32
        scf.yield %scan3A_295#0, %scan3A_295#1, %scan3A_295#2, %scan3A_295#3, %scan3A_295#4, %scan3A_295#5, %scan3A_295#6, %scan3A_295#7, %scan3A_295#8, %scan3A_295#9, %scan3A_295#10, %scan3A_295#11, %scan3A_295#12, %scan3A_295#13, %scan3A_295#14, %scan3A_295#15, %scan3A_295#16, %scan3A_295#17, %scan3A_295#18, %scan3A_295#19, %scan3A_295#20, %scan3A_295#21, %scan3A_295#22, %scan3A_295#23, %scan3A_295#24, %scan3A_295#25, %scan3A_295#26, %scan3A_295#27, %scan3A_295#28, %scan3A_295#29, %scan3A_295#30, %scan3A_295#31 : vector<16xf32>, vector<16xf32>, vector<16xf32>, vector<16xf32>, vector<16xf32>, vector<16xf32>, vector<16xf32>, vector<16xf32>, vector<16xf32>, vector<16xf32>, vector<16xf32>, vector<16xf32>, vector<16xf32>, vector<16xf32>, vector<16xf32>, vector<16xf32>, vector<16xf32>, vector<16xf32>, vector<16xf32>, vector<16xf32>, vector<16xf32>, vector<16xf32>, vector<16xf32>, vector<16xf32>, vector<16xf32>, vector<16xf32>, vector<16xf32>, vector<16xf32>, vector<16xf32>, vector<16xf32>, vector<16xf32>, vector<16xf32>
      }
      %scan3A_25 = arith.constant 16 : i32
      %iota3A = tpu.iota {dimensions = array<i32: 0>} : vector<16xi32>
      %mul3A_26 = arith.constant 8 : i32
      %mul3A_27 = vector.broadcast %mul3A_26 : i32 to vector<16xi32>
      %mul3A_28 = arith.muli %iota3A, %mul3A_27 : vector<16xi32>
      %add3A_29 = arith.constant 0 : i32
      %add3A_30 = vector.broadcast %add3A_29 : i32 to vector<16xi32>
      %add3A_31 = arith.addi %mul3A_28, %add3A_30 : vector<16xi32>
      tpu.vector_store_idx %arg6[%add3A_31], %scan3A_24#0 : memref<512xf32, #tpu.memory_space<vmem>>[vector<16xi32>], vector<16xf32>,
      %mul3A_32 = arith.constant 8 : i32
      %mul3A_33 = vector.broadcast %mul3A_32 : i32 to vector<16xi32>
      %mul3A_34 = arith.muli %iota3A, %mul3A_33 : vector<16xi32>
      %add3A_35 = arith.constant 1 : i32
      %add3A_36 = vector.broadcast %add3A_35 : i32 to vector<16xi32>
      %add3A_37 = arith.addi %mul3A_34, %add3A_36 : vector<16xi32>
      tpu.vector_store_idx %arg6[%add3A_37], %scan3A_24#1 : memref<512xf32, #tpu.memory_space<vmem>>[vector<16xi32>], vector<16xf32>,
      %mul3A_38 = arith.constant 8 : i32
      %mul3A_39 = vector.broadcast %mul3A_38 : i32 to vector<16xi32>
      %mul3A_40 = arith.muli %iota3A, %mul3A_39 : vector<16xi32>
      %add3A_41 = arith.constant 2 : i32
      %add3A_42 = vector.broadcast %add3A_41 : i32 to vector<16xi32>
      %add3A_43 = arith.addi %mul3A_40, %add3A_42 : vector<16xi32>
      tpu.vector_store_idx %arg6[%add3A_43], %scan3A_24#2 : memref<512xf32, #tpu.memory_space<vmem>>[vector<16xi32>], vector<16xf32>,
      %mul3A_44 = arith.constant 8 : i32
      %mul3A_45 = vector.broadcast %mul3A_44 : i32 to vector<16xi32>
      %mul3A_46 = arith.muli %iota3A, %mul3A_45 : vector<16xi32>
      %add3A_47 = arith.constant 3 : i32
      %add3A_48 = vector.broadcast %add3A_47 : i32 to vector<16xi32>
      %add3A_49 = arith.addi %mul3A_46, %add3A_48 : vector<16xi32>
      tpu.vector_store_idx %arg6[%add3A_49], %scan3A_24#3 : memref<512xf32, #tpu.memory_space<vmem>>[vector<16xi32>], vector<16xf32>,
      %mul3A_50 = arith.constant 8 : i32
      %mul3A_51 = vector.broadcast %mul3A_50 : i32 to vector<16xi32>
      %mul3A_52 = arith.muli %iota3A, %mul3A_51 : vector<16xi32>
      %add3A_53 = arith.constant 4 : i32
      %add3A_54 = vector.broadcast %add3A_53 : i32 to vector<16xi32>
      %add3A_55 = arith.addi %mul3A_52, %add3A_54 : vector<16xi32>
      tpu.vector_store_idx %arg6[%add3A_55], %scan3A_24#4 : memref<512xf32, #tpu.memory_space<vmem>>[vector<16xi32>], vector<16xf32>,
      %mul3A_56 = arith.constant 8 : i32
      %mul3A_57 = vector.broadcast %mul3A_56 : i32 to vector<16xi32>
      %mul3A_58 = arith.muli %iota3A, %mul3A_57 : vector<16xi32>
      %add3A_59 = arith.constant 5 : i32
      %add3A_60 = vector.broadcast %add3A_59 : i32 to vector<16xi32>
      %add3A_61 = arith.addi %mul3A_58, %add3A_60 : vector<16xi32>
      tpu.vector_store_idx %arg6[%add3A_61], %scan3A_24#5 : memref<512xf32, #tpu.memory_space<vmem>>[vector<16xi32>], vector<16xf32>,
      %mul3A_62 = arith.constant 8 : i32
      %mul3A_63 = vector.broadcast %mul3A_62 : i32 to vector<16xi32>
      %mul3A_64 = arith.muli %iota3A, %mul3A_63 : vector<16xi32>
      %add3A_65 = arith.constant 6 : i32
      %add3A_66 = vector.broadcast %add3A_65 : i32 to vector<16xi32>
      %add3A_67 = arith.addi %mul3A_64, %add3A_66 : vector<16xi32>
      tpu.vector_store_idx %arg6[%add3A_67], %scan3A_24#6 : memref<512xf32, #tpu.memory_space<vmem>>[vector<16xi32>], vector<16xf32>,
      %mul3A_68 = arith.constant 8 : i32
      %mul3A_69 = vector.broadcast %mul3A_68 : i32 to vector<16xi32>
      %mul3A_70 = arith.muli %iota3A, %mul3A_69 : vector<16xi32>
      %add3A_71 = arith.constant 7 : i32
      %add3A_72 = vector.broadcast %add3A_71 : i32 to vector<16xi32>
      %add3A_73 = arith.addi %mul3A_70, %add3A_72 : vector<16xi32>
      tpu.vector_store_idx %arg6[%add3A_73], %scan3A_24#7 : memref<512xf32, #tpu.memory_space<vmem>>[vector<16xi32>], vector<16xf32>,
      %mul3A_74 = arith.constant 8 : i32
      %mul3A_75 = vector.broadcast %mul3A_74 : i32 to vector<16xi32>
      %mul3A_76 = arith.muli %iota3A, %mul3A_75 : vector<16xi32>
      %add3A_77 = arith.constant 128 : i32
      %add3A_78 = vector.broadcast %add3A_77 : i32 to vector<16xi32>
      %add3A_79 = arith.addi %mul3A_76, %add3A_78 : vector<16xi32>
      tpu.vector_store_idx %arg6[%add3A_79], %scan3A_24#8 : memref<512xf32, #tpu.memory_space<vmem>>[vector<16xi32>], vector<16xf32>,
      %mul3A_80 = arith.constant 8 : i32
      %mul3A_81 = vector.broadcast %mul3A_80 : i32 to vector<16xi32>
      %mul3A_82 = arith.muli %iota3A, %mul3A_81 : vector<16xi32>
      %add3A_83 = arith.constant 129 : i32
      %add3A_84 = vector.broadcast %add3A_83 : i32 to vector<16xi32>
      %add3A_85 = arith.addi %mul3A_82, %add3A_84 : vector<16xi32>
      tpu.vector_store_idx %arg6[%add3A_85], %scan3A_24#9 : memref<512xf32, #tpu.memory_space<vmem>>[vector<16xi32>], vector<16xf32>,
      %mul3A_86 = arith.constant 8 : i32
      %mul3A_87 = vector.broadcast %mul3A_86 : i32 to vector<16xi32>
      %mul3A_88 = arith.muli %iota3A, %mul3A_87 : vector<16xi32>
      %add3A_89 = arith.constant 130 : i32
      %add3A_90 = vector.broadcast %add3A_89 : i32 to vector<16xi32>
      %add3A_91 = arith.addi %mul3A_88, %add3A_90 : vector<16xi32>
      tpu.vector_store_idx %arg6[%add3A_91], %scan3A_24#10 : memref<512xf32, #tpu.memory_space<vmem>>[vector<16xi32>], vector<16xf32>,
      %mul3A_92 = arith.constant 8 : i32
      %mul3A_93 = vector.broadcast %mul3A_92 : i32 to vector<16xi32>
      %mul3A_94 = arith.muli %iota3A, %mul3A_93 : vector<16xi32>
      %add3A_95 = arith.constant 131 : i32
      %add3A_96 = vector.broadcast %add3A_95 : i32 to vector<16xi32>
      %add3A_97 = arith.addi %mul3A_94, %add3A_96 : vector<16xi32>
      tpu.vector_store_idx %arg6[%add3A_97], %scan3A_24#11 : memref<512xf32, #tpu.memory_space<vmem>>[vector<16xi32>], vector<16xf32>,
      %mul3A_98 = arith.constant 8 : i32
      %mul3A_99 = vector.broadcast %mul3A_98 : i32 to vector<16xi32>
      %mul3A_100 = arith.muli %iota3A, %mul3A_99 : vector<16xi32>
      %add3A_101 = arith.constant 132 : i32
      %add3A_102 = vector.broadcast %add3A_101 : i32 to vector<16xi32>
      %add3A_103 = arith.addi %mul3A_100, %add3A_102 : vector<16xi32>
      tpu.vector_store_idx %arg6[%add3A_103], %scan3A_24#12 : memref<512xf32, #tpu.memory_space<vmem>>[vector<16xi32>], vector<16xf32>,
      %mul3A_104 = arith.constant 8 : i32
      %mul3A_105 = vector.broadcast %mul3A_104 : i32 to vector<16xi32>
      %mul3A_106 = arith.muli %iota3A, %mul3A_105 : vector<16xi32>
      %add3A_107 = arith.constant 133 : i32
      %add3A_108 = vector.broadcast %add3A_107 : i32 to vector<16xi32>
      %add3A_109 = arith.addi %mul3A_106, %add3A_108 : vector<16xi32>
      tpu.vector_store_idx %arg6[%add3A_109], %scan3A_24#13 : memref<512xf32, #tpu.memory_space<vmem>>[vector<16xi32>], vector<16xf32>,
      %mul3A_110 = arith.constant 8 : i32
      %mul3A_111 = vector.broadcast %mul3A_110 : i32 to vector<16xi32>
      %mul3A_112 = arith.muli %iota3A, %mul3A_111 : vector<16xi32>
      %add3A_113 = arith.constant 134 : i32
      %add3A_114 = vector.broadcast %add3A_113 : i32 to vector<16xi32>
      %add3A_115 = arith.addi %mul3A_112, %add3A_114 : vector<16xi32>
      tpu.vector_store_idx %arg6[%add3A_115], %scan3A_24#14 : memref<512xf32, #tpu.memory_space<vmem>>[vector<16xi32>], vector<16xf32>,
      %mul3A_116 = arith.constant 8 : i32
      %mul3A_117 = vector.broadcast %mul3A_116 : i32 to vector<16xi32>
      %mul3A_118 = arith.muli %iota3A, %mul3A_117 : vector<16xi32>
      %add3A_119 = arith.constant 135 : i32
      %add3A_120 = vector.broadcast %add3A_119 : i32 to vector<16xi32>
      %add3A_121 = arith.addi %mul3A_118, %add3A_120 : vector<16xi32>
      tpu.vector_store_idx %arg6[%add3A_121], %scan3A_24#15 : memref<512xf32, #tpu.memory_space<vmem>>[vector<16xi32>], vector<16xf32>,
      %mul3A_122 = arith.constant 8 : i32
      %mul3A_123 = vector.broadcast %mul3A_122 : i32 to vector<16xi32>
      %mul3A_124 = arith.muli %iota3A, %mul3A_123 : vector<16xi32>
      %add3A_125 = arith.constant 256 : i32
      %add3A_126 = vector.broadcast %add3A_125 : i32 to vector<16xi32>
      %add3A_127 = arith.addi %mul3A_124, %add3A_126 : vector<16xi32>
      tpu.vector_store_idx %arg6[%add3A_127], %scan3A_24#16 : memref<512xf32, #tpu.memory_space<vmem>>[vector<16xi32>], vector<16xf32>,
      %mul3A_128 = arith.constant 8 : i32
      %mul3A_129 = vector.broadcast %mul3A_128 : i32 to vector<16xi32>
      %mul3A_130 = arith.muli %iota3A, %mul3A_129 : vector<16xi32>
      %add3A_131 = arith.constant 257 : i32
      %add3A_132 = vector.broadcast %add3A_131 : i32 to vector<16xi32>
      %add3A_133 = arith.addi %mul3A_130, %add3A_132 : vector<16xi32>
      tpu.vector_store_idx %arg6[%add3A_133], %scan3A_24#17 : memref<512xf32, #tpu.memory_space<vmem>>[vector<16xi32>], vector<16xf32>,
      %mul3A_134 = arith.constant 8 : i32
      %mul3A_135 = vector.broadcast %mul3A_134 : i32 to vector<16xi32>
      %mul3A_136 = arith.muli %iota3A, %mul3A_135 : vector<16xi32>
      %add3A_137 = arith.constant 258 : i32
      %add3A_138 = vector.broadcast %add3A_137 : i32 to vector<16xi32>
      %add3A_139 = arith.addi %mul3A_136, %add3A_138 : vector<16xi32>
      tpu.vector_store_idx %arg6[%add3A_139], %scan3A_24#18 : memref<512xf32, #tpu.memory_space<vmem>>[vector<16xi32>], vector<16xf32>,
      %mul3A_140 = arith.constant 8 : i32
      %mul3A_141 = vector.broadcast %mul3A_140 : i32 to vector<16xi32>
      %mul3A_142 = arith.muli %iota3A, %mul3A_141 : vector<16xi32>
      %add3A_143 = arith.constant 259 : i32
      %add3A_144 = vector.broadcast %add3A_143 : i32 to vector<16xi32>
      %add3A_145 = arith.addi %mul3A_142, %add3A_144 : vector<16xi32>
      tpu.vector_store_idx %arg6[%add3A_145], %scan3A_24#19 : memref<512xf32, #tpu.memory_space<vmem>>[vector<16xi32>], vector<16xf32>,
      %mul3A_146 = arith.constant 8 : i32
      %mul3A_147 = vector.broadcast %mul3A_146 : i32 to vector<16xi32>
      %mul3A_148 = arith.muli %iota3A, %mul3A_147 : vector<16xi32>
      %add3A_149 = arith.constant 260 : i32
      %add3A_150 = vector.broadcast %add3A_149 : i32 to vector<16xi32>
      %add3A_151 = arith.addi %mul3A_148, %add3A_150 : vector<16xi32>
      tpu.vector_store_idx %arg6[%add3A_151], %scan3A_24#20 : memref<512xf32, #tpu.memory_space<vmem>>[vector<16xi32>], vector<16xf32>,
      %mul3A_152 = arith.constant 8 : i32
      %mul3A_153 = vector.broadcast %mul3A_152 : i32 to vector<16xi32>
      %mul3A_154 = arith.muli %iota3A, %mul3A_153 : vector<16xi32>
      %add3A_155 = arith.constant 261 : i32
      %add3A_156 = vector.broadcast %add3A_155 : i32 to vector<16xi32>
      %add3A_157 = arith.addi %mul3A_154, %add3A_156 : vector<16xi32>
      tpu.vector_store_idx %arg6[%add3A_157], %scan3A_24#21 : memref<512xf32, #tpu.memory_space<vmem>>[vector<16xi32>], vector<16xf32>,
      %mul3A_158 = arith.constant 8 : i32
      %mul3A_159 = vector.broadcast %mul3A_158 : i32 to vector<16xi32>
      %mul3A_160 = arith.muli %iota3A, %mul3A_159 : vector<16xi32>
      %add3A_161 = arith.constant 262 : i32
      %add3A_162 = vector.broadcast %add3A_161 : i32 to vector<16xi32>
      %add3A_163 = arith.addi %mul3A_160, %add3A_162 : vector<16xi32>
      tpu.vector_store_idx %arg6[%add3A_163], %scan3A_24#22 : memref<512xf32, #tpu.memory_space<vmem>>[vector<16xi32>], vector<16xf32>,
      %mul3A_164 = arith.constant 8 : i32
      %mul3A_165 = vector.broadcast %mul3A_164 : i32 to vector<16xi32>
      %mul3A_166 = arith.muli %iota3A, %mul3A_165 : vector<16xi32>
      %add3A_167 = arith.constant 263 : i32
      %add3A_168 = vector.broadcast %add3A_167 : i32 to vector<16xi32>
      %add3A_169 = arith.addi %mul3A_166, %add3A_168 : vector<16xi32>
      tpu.vector_store_idx %arg6[%add3A_169], %scan3A_24#23 : memref<512xf32, #tpu.memory_space<vmem>>[vector<16xi32>], vector<16xf32>,
      %mul3A_170 = arith.constant 8 : i32
      %mul3A_171 = vector.broadcast %mul3A_170 : i32 to vector<16xi32>
      %mul3A_172 = arith.muli %iota3A, %mul3A_171 : vector<16xi32>
      %add3A_173 = arith.constant 384 : i32
      %add3A_174 = vector.broadcast %add3A_173 : i32 to vector<16xi32>
      %add3A_175 = arith.addi %mul3A_172, %add3A_174 : vector<16xi32>
      tpu.vector_store_idx %arg6[%add3A_175], %scan3A_24#24 : memref<512xf32, #tpu.memory_space<vmem>>[vector<16xi32>], vector<16xf32>,
      %mul3A_176 = arith.constant 8 : i32
      %mul3A_177 = vector.broadcast %mul3A_176 : i32 to vector<16xi32>
      %mul3A_178 = arith.muli %iota3A, %mul3A_177 : vector<16xi32>
      %add3A_179 = arith.constant 385 : i32
      %add3A_180 = vector.broadcast %add3A_179 : i32 to vector<16xi32>
      %add3A_181 = arith.addi %mul3A_178, %add3A_180 : vector<16xi32>
      tpu.vector_store_idx %arg6[%add3A_181], %scan3A_24#25 : memref<512xf32, #tpu.memory_space<vmem>>[vector<16xi32>], vector<16xf32>,
      %mul3A_182 = arith.constant 8 : i32
      %mul3A_183 = vector.broadcast %mul3A_182 : i32 to vector<16xi32>
      %mul3A_184 = arith.muli %iota3A, %mul3A_183 : vector<16xi32>
      %add3A_185 = arith.constant 386 : i32
      %add3A_186 = vector.broadcast %add3A_185 : i32 to vector<16xi32>
      %add3A_187 = arith.addi %mul3A_184, %add3A_186 : vector<16xi32>
      tpu.vector_store_idx %arg6[%add3A_187], %scan3A_24#26 : memref<512xf32, #tpu.memory_space<vmem>>[vector<16xi32>], vector<16xf32>,
      %mul3A_188 = arith.constant 8 : i32
      %mul3A_189 = vector.broadcast %mul3A_188 : i32 to vector<16xi32>
      %mul3A_190 = arith.muli %iota3A, %mul3A_189 : vector<16xi32>
      %add3A_191 = arith.constant 387 : i32
      %add3A_192 = vector.broadcast %add3A_191 : i32 to vector<16xi32>
      %add3A_193 = arith.addi %mul3A_190, %add3A_192 : vector<16xi32>
      tpu.vector_store_idx %arg6[%add3A_193], %scan3A_24#27 : memref<512xf32, #tpu.memory_space<vmem>>[vector<16xi32>], vector<16xf32>,
      %mul3A_194 = arith.constant 8 : i32
      %mul3A_195 = vector.broadcast %mul3A_194 : i32 to vector<16xi32>
      %mul3A_196 = arith.muli %iota3A, %mul3A_195 : vector<16xi32>
      %add3A_197 = arith.constant 388 : i32
      %add3A_198 = vector.broadcast %add3A_197 : i32 to vector<16xi32>
      %add3A_199 = arith.addi %mul3A_196, %add3A_198 : vector<16xi32>
      tpu.vector_store_idx %arg6[%add3A_199], %scan3A_24#28 : memref<512xf32, #tpu.memory_space<vmem>>[vector<16xi32>], vector<16xf32>,
      %mul3A_200 = arith.constant 8 : i32
      %mul3A_201 = vector.broadcast %mul3A_200 : i32 to vector<16xi32>
      %mul3A_202 = arith.muli %iota3A, %mul3A_201 : vector<16xi32>
      %add3A_203 = arith.constant 389 : i32
      %add3A_204 = vector.broadcast %add3A_203 : i32 to vector<16xi32>
      %add3A_205 = arith.addi %mul3A_202, %add3A_204 : vector<16xi32>
      tpu.vector_store_idx %arg6[%add3A_205], %scan3A_24#29 : memref<512xf32, #tpu.memory_space<vmem>>[vector<16xi32>], vector<16xf32>,
      %mul3A_206 = arith.constant 8 : i32
      %mul3A_207 = vector.broadcast %mul3A_206 : i32 to vector<16xi32>
      %mul3A_208 = arith.muli %iota3A, %mul3A_207 : vector<16xi32>
      %add3A_209 = arith.constant 390 : i32
      %add3A_210 = vector.broadcast %add3A_209 : i32 to vector<16xi32>
      %add3A_211 = arith.addi %mul3A_208, %add3A_210 : vector<16xi32>
      tpu.vector_store_idx %arg6[%add3A_211], %scan3A_24#30 : memref<512xf32, #tpu.memory_space<vmem>>[vector<16xi32>], vector<16xf32>,
      %mul3A_212 = arith.constant 8 : i32
      %mul3A_213 = vector.broadcast %mul3A_212 : i32 to vector<16xi32>
      %mul3A_214 = arith.muli %iota3A, %mul3A_213 : vector<16xi32>
      %add3A_215 = arith.constant 391 : i32
      %add3A_216 = vector.broadcast %add3A_215 : i32 to vector<16xi32>
      %add3A_217 = arith.addi %mul3A_214, %add3A_216 : vector<16xi32>
      tpu.vector_store_idx %arg6[%add3A_217], %scan3A_24#31 : memref<512xf32, #tpu.memory_space<vmem>>[vector<16xi32>], vector<16xf32>,
      %mul3A_218 = arith.constant 512 : i32
      %mul3A_219 = arith.muli %add3A_12, %mul3A_218 : i32
      "tpu.region"() ({
        %run_scoped3A = tpu.sem_alloc : memref<!tpu.dma_semaphore, #tpu.memory_space<semaphore_mem>>
        %dma_start3A_221 = tpu.memref_slice %arg3[%mul3A_219] : memref<49152xf32, #tpu.memory_space<hbm>> -> memref<512xf32, #tpu.memory_space<hbm>>
        %dma_start3A_222 = tpu.memref_slice %arg3[%mul3A_219] : memref<49152xf32, #tpu.memory_space<hbm>> -> memref<512xf32, #tpu.memory_space<hbm>>
        tpu.enqueue_dma source(%arg6 : memref<512xf32, #tpu.memory_space<vmem>>) target(%dma_start3A_222 : memref<512xf32, #tpu.memory_space<hbm>>) target_semaphore(%run_scoped3A : memref<!tpu.dma_semaphore, #tpu.memory_space<semaphore_mem>>)
        %dma_wait3A = tpu.memref_slice %arg3[%mul3A_219] : memref<49152xf32, #tpu.memory_space<hbm>> -> memref<512xf32, #tpu.memory_space<hbm>>
        %dma_wait3A_223 = tpu.memref_slice %arg3[%mul3A_219] : memref<49152xf32, #tpu.memory_space<hbm>> -> memref<512xf32, #tpu.memory_space<hbm>>
        tpu.wait_dma2 semaphore(%run_scoped3A : memref<!tpu.dma_semaphore, #tpu.memory_space<semaphore_mem>>) src(%arg6 : memref<512xf32, #tpu.memory_space<vmem>>) dst(%dma_wait3A_223 : memref<512xf32, #tpu.memory_space<hbm>>)
        tpu.yield
      }) : () -> ()
      %scan3A_220 = arith.constant 0 : i32
      scf.yield %scan3A_220 : i32
    }
    %scan3A_7 = arith.constant 3 : i32
    return
  }
}

module attributes {stable_mosaic.version = 14 : i64} {
  func.func @_tc_body(%arg0: i32, %arg1: memref<1x8192x64xf32, #tpu.memory_space<vmem>>, %arg2: memref<1x64x8xf32, #tpu.memory_space<vmem>>) attributes {dimension_semantics = [#tpu.dimension_semantics<arbitrary>], iteration_bounds = array<i64: 32>, scalar_prefetch = 0 : i64, scratch_operands = 0 : i64, tpu.core_type = #tpu.core_type<tc>, window_params = [{transform_indices = @transform_0, window_bounds = array<i64: 1, 8192, 64>}, {transform_indices = @transform_1, window_bounds = array<i64: 1, 64, 8>}]} {
    %get3A = arith.constant 0 : index
    %get3A_0 = arith.constant 0 : index
    %get3A_1 = arith.constant 0 : index
    %get3A_2 = vector.load %arg1[%get3A, %get3A_0, %get3A_1] : memref<1x8192x64xf32, #tpu.memory_space<vmem>>, vector<1x8192x64xf32>
    %get3A_3 = vector.shape_cast %get3A_2 : vector<1x8192x64xf32> to vector<8192x64xf32>
    %reshape3A = vector.shape_cast %get3A_3 : vector<8192x64xf32> to vector<8x1024x64xf32>
    %slice3A = vector.extract_strided_slice %reshape3A {offsets = [0, 0, 0], sizes = [1, 1024, 64], strides = [1, 1, 1]} : vector<8x1024x64xf32> to vector<1x1024x64xf32>
    %squeeze3A = vector.shape_cast %slice3A : vector<1x1024x64xf32> to vector<1024x64xf32>
    %slice3A_4 = vector.extract_strided_slice %reshape3A {offsets = [1, 0, 0], sizes = [1, 1024, 64], strides = [1, 1, 1]} : vector<8x1024x64xf32> to vector<1x1024x64xf32>
    %squeeze3A_5 = vector.shape_cast %slice3A_4 : vector<1x1024x64xf32> to vector<1024x64xf32>
    %slice3A_6 = vector.extract_strided_slice %reshape3A {offsets = [2, 0, 0], sizes = [1, 1024, 64], strides = [1, 1, 1]} : vector<8x1024x64xf32> to vector<1x1024x64xf32>
    %squeeze3A_7 = vector.shape_cast %slice3A_6 : vector<1x1024x64xf32> to vector<1024x64xf32>
    %slice3A_8 = vector.extract_strided_slice %reshape3A {offsets = [3, 0, 0], sizes = [1, 1024, 64], strides = [1, 1, 1]} : vector<8x1024x64xf32> to vector<1x1024x64xf32>
    %squeeze3A_9 = vector.shape_cast %slice3A_8 : vector<1x1024x64xf32> to vector<1024x64xf32>
    %slice3A_10 = vector.extract_strided_slice %reshape3A {offsets = [4, 0, 0], sizes = [1, 1024, 64], strides = [1, 1, 1]} : vector<8x1024x64xf32> to vector<1x1024x64xf32>
    %squeeze3A_11 = vector.shape_cast %slice3A_10 : vector<1x1024x64xf32> to vector<1024x64xf32>
    %slice3A_12 = vector.extract_strided_slice %reshape3A {offsets = [5, 0, 0], sizes = [1, 1024, 64], strides = [1, 1, 1]} : vector<8x1024x64xf32> to vector<1x1024x64xf32>
    %squeeze3A_13 = vector.shape_cast %slice3A_12 : vector<1x1024x64xf32> to vector<1024x64xf32>
    %slice3A_14 = vector.extract_strided_slice %reshape3A {offsets = [6, 0, 0], sizes = [1, 1024, 64], strides = [1, 1, 1]} : vector<8x1024x64xf32> to vector<1x1024x64xf32>
    %squeeze3A_15 = vector.shape_cast %slice3A_14 : vector<1x1024x64xf32> to vector<1024x64xf32>
    %slice3A_16 = vector.extract_strided_slice %reshape3A {offsets = [7, 0, 0], sizes = [1, 1024, 64], strides = [1, 1, 1]} : vector<8x1024x64xf32> to vector<1x1024x64xf32>
    %squeeze3A_17 = vector.shape_cast %slice3A_16 : vector<1x1024x64xf32> to vector<1024x64xf32>
    %max3A = arith.maximumf %squeeze3A, %squeeze3A_5 : vector<1024x64xf32>
    %min3A = arith.minimumf %squeeze3A, %squeeze3A_5 : vector<1024x64xf32>
    %max3A_18 = arith.maximumf %squeeze3A_7, %squeeze3A_9 : vector<1024x64xf32>
    %min3A_19 = arith.minimumf %squeeze3A_7, %squeeze3A_9 : vector<1024x64xf32>
    %max3A_20 = arith.maximumf %squeeze3A_11, %squeeze3A_13 : vector<1024x64xf32>
    %min3A_21 = arith.minimumf %squeeze3A_11, %squeeze3A_13 : vector<1024x64xf32>
    %max3A_22 = arith.maximumf %squeeze3A_15, %squeeze3A_17 : vector<1024x64xf32>
    %min3A_23 = arith.minimumf %squeeze3A_15, %squeeze3A_17 : vector<1024x64xf32>
    %max3A_24 = arith.maximumf %max3A, %max3A_18 : vector<1024x64xf32>
    %min3A_25 = arith.minimumf %max3A, %max3A_18 : vector<1024x64xf32>
    %max3A_26 = arith.maximumf %min3A, %min3A_19 : vector<1024x64xf32>
    %min3A_27 = arith.minimumf %min3A, %min3A_19 : vector<1024x64xf32>
    %max3A_28 = arith.maximumf %max3A_20, %max3A_22 : vector<1024x64xf32>
    %min3A_29 = arith.minimumf %max3A_20, %max3A_22 : vector<1024x64xf32>
    %max3A_30 = arith.maximumf %min3A_21, %min3A_23 : vector<1024x64xf32>
    %min3A_31 = arith.minimumf %min3A_21, %min3A_23 : vector<1024x64xf32>
    %max3A_32 = arith.maximumf %max3A_26, %min3A_25 : vector<1024x64xf32>
    %min3A_33 = arith.minimumf %max3A_26, %min3A_25 : vector<1024x64xf32>
    %max3A_34 = arith.maximumf %max3A_30, %min3A_29 : vector<1024x64xf32>
    %min3A_35 = arith.minimumf %max3A_30, %min3A_29 : vector<1024x64xf32>
    %max3A_36 = arith.maximumf %max3A_24, %max3A_28 : vector<1024x64xf32>
    %min3A_37 = arith.minimumf %max3A_24, %max3A_28 : vector<1024x64xf32>
    %max3A_38 = arith.maximumf %max3A_32, %max3A_34 : vector<1024x64xf32>
    %min3A_39 = arith.minimumf %max3A_32, %max3A_34 : vector<1024x64xf32>
    %max3A_40 = arith.maximumf %min3A_33, %min3A_35 : vector<1024x64xf32>
    %min3A_41 = arith.minimumf %min3A_33, %min3A_35 : vector<1024x64xf32>
    %max3A_42 = arith.maximumf %min3A_27, %min3A_31 : vector<1024x64xf32>
    %min3A_43 = arith.minimumf %min3A_27, %min3A_31 : vector<1024x64xf32>
    %max3A_44 = arith.maximumf %max3A_40, %min3A_37 : vector<1024x64xf32>
    %min3A_45 = arith.minimumf %max3A_40, %min3A_37 : vector<1024x64xf32>
    %max3A_46 = arith.maximumf %max3A_42, %min3A_39 : vector<1024x64xf32>
    %min3A_47 = arith.minimumf %max3A_42, %min3A_39 : vector<1024x64xf32>
    %max3A_48 = arith.maximumf %max3A_38, %max3A_44 : vector<1024x64xf32>
    %min3A_49 = arith.minimumf %max3A_38, %max3A_44 : vector<1024x64xf32>
    %max3A_50 = arith.maximumf %max3A_46, %min3A_45 : vector<1024x64xf32>
    %min3A_51 = arith.minimumf %max3A_46, %min3A_45 : vector<1024x64xf32>
    %max3A_52 = arith.maximumf %min3A_47, %min3A_41 : vector<1024x64xf32>
    %min3A_53 = arith.minimumf %min3A_47, %min3A_41 : vector<1024x64xf32>
    %slice3A_54 = vector.extract_strided_slice %max3A_36 {offsets = [0, 0], sizes = [512, 64], strides = [1, 1]} : vector<1024x64xf32> to vector<512x64xf32>
    %slice3A_55 = vector.extract_strided_slice %min3A_43 {offsets = [512, 0], sizes = [512, 64], strides = [1, 1]} : vector<1024x64xf32> to vector<512x64xf32>
    %max3A_56 = arith.maximumf %slice3A_54, %slice3A_55 : vector<512x64xf32>
    %slice3A_57 = vector.extract_strided_slice %max3A_48 {offsets = [0, 0], sizes = [512, 64], strides = [1, 1]} : vector<1024x64xf32> to vector<512x64xf32>
    %slice3A_58 = vector.extract_strided_slice %min3A_53 {offsets = [512, 0], sizes = [512, 64], strides = [1, 1]} : vector<1024x64xf32> to vector<512x64xf32>
    %max3A_59 = arith.maximumf %slice3A_57, %slice3A_58 : vector<512x64xf32>
    %slice3A_60 = vector.extract_strided_slice %min3A_49 {offsets = [0, 0], sizes = [512, 64], strides = [1, 1]} : vector<1024x64xf32> to vector<512x64xf32>
    %slice3A_61 = vector.extract_strided_slice %max3A_52 {offsets = [512, 0], sizes = [512, 64], strides = [1, 1]} : vector<1024x64xf32> to vector<512x64xf32>
    %max3A_62 = arith.maximumf %slice3A_60, %slice3A_61 : vector<512x64xf32>
    %slice3A_63 = vector.extract_strided_slice %max3A_50 {offsets = [0, 0], sizes = [512, 64], strides = [1, 1]} : vector<1024x64xf32> to vector<512x64xf32>
    %slice3A_64 = vector.extract_strided_slice %min3A_51 {offsets = [512, 0], sizes = [512, 64], strides = [1, 1]} : vector<1024x64xf32> to vector<512x64xf32>
    %max3A_65 = arith.maximumf %slice3A_63, %slice3A_64 : vector<512x64xf32>
    %slice3A_66 = vector.extract_strided_slice %min3A_51 {offsets = [0, 0], sizes = [512, 64], strides = [1, 1]} : vector<1024x64xf32> to vector<512x64xf32>
    %slice3A_67 = vector.extract_strided_slice %max3A_50 {offsets = [512, 0], sizes = [512, 64], strides = [1, 1]} : vector<1024x64xf32> to vector<512x64xf32>
    %max3A_68 = arith.maximumf %slice3A_66, %slice3A_67 : vector<512x64xf32>
    %slice3A_69 = vector.extract_strided_slice %max3A_52 {offsets = [0, 0], sizes = [512, 64], strides = [1, 1]} : vector<1024x64xf32> to vector<512x64xf32>
    %slice3A_70 = vector.extract_strided_slice %min3A_49 {offsets = [512, 0], sizes = [512, 64], strides = [1, 1]} : vector<1024x64xf32> to vector<512x64xf32>
    %max3A_71 = arith.maximumf %slice3A_69, %slice3A_70 : vector<512x64xf32>
    %slice3A_72 = vector.extract_strided_slice %min3A_53 {offsets = [0, 0], sizes = [512, 64], strides = [1, 1]} : vector<1024x64xf32> to vector<512x64xf32>
    %slice3A_73 = vector.extract_strided_slice %max3A_48 {offsets = [512, 0], sizes = [512, 64], strides = [1, 1]} : vector<1024x64xf32> to vector<512x64xf32>
    %max3A_74 = arith.maximumf %slice3A_72, %slice3A_73 : vector<512x64xf32>
    %slice3A_75 = vector.extract_strided_slice %min3A_43 {offsets = [0, 0], sizes = [512, 64], strides = [1, 1]} : vector<1024x64xf32> to vector<512x64xf32>
    %slice3A_76 = vector.extract_strided_slice %max3A_36 {offsets = [512, 0], sizes = [512, 64], strides = [1, 1]} : vector<1024x64xf32> to vector<512x64xf32>
    %max3A_77 = arith.maximumf %slice3A_75, %slice3A_76 : vector<512x64xf32>
    %max3A_78 = arith.maximumf %max3A_56, %max3A_68 : vector<512x64xf32>
    %min3A_79 = arith.minimumf %max3A_56, %max3A_68 : vector<512x64xf32>
    %max3A_80 = arith.maximumf %max3A_59, %max3A_71 : vector<512x64xf32>
    %min3A_81 = arith.minimumf %max3A_59, %max3A_71 : vector<512x64xf32>
    %max3A_82 = arith.maximumf %max3A_62, %max3A_74 : vector<512x64xf32>
    %min3A_83 = arith.minimumf %max3A_62, %max3A_74 : vector<512x64xf32>
    %max3A_84 = arith.maximumf %max3A_65, %max3A_77 : vector<512x64xf32>
    %min3A_85 = arith.minimumf %max3A_65, %max3A_77 : vector<512x64xf32>
    %max3A_86 = arith.maximumf %max3A_78, %max3A_82 : vector<512x64xf32>
    %min3A_87 = arith.minimumf %max3A_78, %max3A_82 : vector<512x64xf32>
    %max3A_88 = arith.maximumf %max3A_80, %max3A_84 : vector<512x64xf32>
    %min3A_89 = arith.minimumf %max3A_80, %max3A_84 : vector<512x64xf32>
    %max3A_90 = arith.maximumf %min3A_79, %min3A_83 : vector<512x64xf32>
    %min3A_91 = arith.minimumf %min3A_79, %min3A_83 : vector<512x64xf32>
    %max3A_92 = arith.maximumf %min3A_81, %min3A_85 : vector<512x64xf32>
    %min3A_93 = arith.minimumf %min3A_81, %min3A_85 : vector<512x64xf32>
    %max3A_94 = arith.maximumf %max3A_86, %max3A_88 : vector<512x64xf32>
    %min3A_95 = arith.minimumf %max3A_86, %max3A_88 : vector<512x64xf32>
    %max3A_96 = arith.maximumf %min3A_87, %min3A_89 : vector<512x64xf32>
    %min3A_97 = arith.minimumf %min3A_87, %min3A_89 : vector<512x64xf32>
    %max3A_98 = arith.maximumf %max3A_90, %max3A_92 : vector<512x64xf32>
    %min3A_99 = arith.minimumf %max3A_90, %max3A_92 : vector<512x64xf32>
    %max3A_100 = arith.maximumf %min3A_91, %min3A_93 : vector<512x64xf32>
    %min3A_101 = arith.minimumf %min3A_91, %min3A_93 : vector<512x64xf32>
    %slice3A_102 = vector.extract_strided_slice %max3A_94 {offsets = [0, 0], sizes = [256, 64], strides = [1, 1]} : vector<512x64xf32> to vector<256x64xf32>
    %slice3A_103 = vector.extract_strided_slice %min3A_101 {offsets = [256, 0], sizes = [256, 64], strides = [1, 1]} : vector<512x64xf32> to vector<256x64xf32>
    %max3A_104 = arith.maximumf %slice3A_102, %slice3A_103 : vector<256x64xf32>
    %slice3A_105 = vector.extract_strided_slice %min3A_95 {offsets = [0, 0], sizes = [256, 64], strides = [1, 1]} : vector<512x64xf32> to vector<256x64xf32>
    %slice3A_106 = vector.extract_strided_slice %max3A_100 {offsets = [256, 0], sizes = [256, 64], strides = [1, 1]} : vector<512x64xf32> to vector<256x64xf32>
    %max3A_107 = arith.maximumf %slice3A_105, %slice3A_106 : vector<256x64xf32>
    %slice3A_108 = vector.extract_strided_slice %max3A_96 {offsets = [0, 0], sizes = [256, 64], strides = [1, 1]} : vector<512x64xf32> to vector<256x64xf32>
    %slice3A_109 = vector.extract_strided_slice %min3A_99 {offsets = [256, 0], sizes = [256, 64], strides = [1, 1]} : vector<512x64xf32> to vector<256x64xf32>
    %max3A_110 = arith.maximumf %slice3A_108, %slice3A_109 : vector<256x64xf32>
    %slice3A_111 = vector.extract_strided_slice %min3A_97 {offsets = [0, 0], sizes = [256, 64], strides = [1, 1]} : vector<512x64xf32> to vector<256x64xf32>
    %slice3A_112 = vector.extract_strided_slice %max3A_98 {offsets = [256, 0], sizes = [256, 64], strides = [1, 1]} : vector<512x64xf32> to vector<256x64xf32>
    %max3A_113 = arith.maximumf %slice3A_111, %slice3A_112 : vector<256x64xf32>
    %slice3A_114 = vector.extract_strided_slice %max3A_98 {offsets = [0, 0], sizes = [256, 64], strides = [1, 1]} : vector<512x64xf32> to vector<256x64xf32>
    %slice3A_115 = vector.extract_strided_slice %min3A_97 {offsets = [256, 0], sizes = [256, 64], strides = [1, 1]} : vector<512x64xf32> to vector<256x64xf32>
    %max3A_116 = arith.maximumf %slice3A_114, %slice3A_115 : vector<256x64xf32>
    %slice3A_117 = vector.extract_strided_slice %min3A_99 {offsets = [0, 0], sizes = [256, 64], strides = [1, 1]} : vector<512x64xf32> to vector<256x64xf32>
    %slice3A_118 = vector.extract_strided_slice %max3A_96 {offsets = [256, 0], sizes = [256, 64], strides = [1, 1]} : vector<512x64xf32> to vector<256x64xf32>
    %max3A_119 = arith.maximumf %slice3A_117, %slice3A_118 : vector<256x64xf32>
    %slice3A_120 = vector.extract_strided_slice %max3A_100 {offsets = [0, 0], sizes = [256, 64], strides = [1, 1]} : vector<512x64xf32> to vector<256x64xf32>
    %slice3A_121 = vector.extract_strided_slice %min3A_95 {offsets = [256, 0], sizes = [256, 64], strides = [1, 1]} : vector<512x64xf32> to vector<256x64xf32>
    %max3A_122 = arith.maximumf %slice3A_120, %slice3A_121 : vector<256x64xf32>
    %slice3A_123 = vector.extract_strided_slice %min3A_101 {offsets = [0, 0], sizes = [256, 64], strides = [1, 1]} : vector<512x64xf32> to vector<256x64xf32>
    %slice3A_124 = vector.extract_strided_slice %max3A_94 {offsets = [256, 0], sizes = [256, 64], strides = [1, 1]} : vector<512x64xf32> to vector<256x64xf32>
    %max3A_125 = arith.maximumf %slice3A_123, %slice3A_124 : vector<256x64xf32>
    %max3A_126 = arith.maximumf %max3A_104, %max3A_116 : vector<256x64xf32>
    %min3A_127 = arith.minimumf %max3A_104, %max3A_116 : vector<256x64xf32>
    %max3A_128 = arith.maximumf %max3A_107, %max3A_119 : vector<256x64xf32>
    %min3A_129 = arith.minimumf %max3A_107, %max3A_119 : vector<256x64xf32>
    %max3A_130 = arith.maximumf %max3A_110, %max3A_122 : vector<256x64xf32>
    %min3A_131 = arith.minimumf %max3A_110, %max3A_122 : vector<256x64xf32>
    %max3A_132 = arith.maximumf %max3A_113, %max3A_125 : vector<256x64xf32>
    %min3A_133 = arith.minimumf %max3A_113, %max3A_125 : vector<256x64xf32>
    %max3A_134 = arith.maximumf %max3A_126, %max3A_130 : vector<256x64xf32>
    %min3A_135 = arith.minimumf %max3A_126, %max3A_130 : vector<256x64xf32>
    %max3A_136 = arith.maximumf %max3A_128, %max3A_132 : vector<256x64xf32>
    %min3A_137 = arith.minimumf %max3A_128, %max3A_132 : vector<256x64xf32>
    %max3A_138 = arith.maximumf %min3A_127, %min3A_131 : vector<256x64xf32>
    %min3A_139 = arith.minimumf %min3A_127, %min3A_131 : vector<256x64xf32>
    %max3A_140 = arith.maximumf %min3A_129, %min3A_133 : vector<256x64xf32>
    %min3A_141 = arith.minimumf %min3A_129, %min3A_133 : vector<256x64xf32>
    %max3A_142 = arith.maximumf %max3A_134, %max3A_136 : vector<256x64xf32>
    %min3A_143 = arith.minimumf %max3A_134, %max3A_136 : vector<256x64xf32>
    %max3A_144 = arith.maximumf %min3A_135, %min3A_137 : vector<256x64xf32>
    %min3A_145 = arith.minimumf %min3A_135, %min3A_137 : vector<256x64xf32>
    %max3A_146 = arith.maximumf %max3A_138, %max3A_140 : vector<256x64xf32>
    %min3A_147 = arith.minimumf %max3A_138, %max3A_140 : vector<256x64xf32>
    %max3A_148 = arith.maximumf %min3A_139, %min3A_141 : vector<256x64xf32>
    %min3A_149 = arith.minimumf %min3A_139, %min3A_141 : vector<256x64xf32>
    %slice3A_150 = vector.extract_strided_slice %max3A_142 {offsets = [0, 0], sizes = [128, 64], strides = [1, 1]} : vector<256x64xf32> to vector<128x64xf32>
    %slice3A_151 = vector.extract_strided_slice %min3A_149 {offsets = [128, 0], sizes = [128, 64], strides = [1, 1]} : vector<256x64xf32> to vector<128x64xf32>
    %max3A_152 = arith.maximumf %slice3A_150, %slice3A_151 : vector<128x64xf32>
    %slice3A_153 = vector.extract_strided_slice %min3A_143 {offsets = [0, 0], sizes = [128, 64], strides = [1, 1]} : vector<256x64xf32> to vector<128x64xf32>
    %slice3A_154 = vector.extract_strided_slice %max3A_148 {offsets = [128, 0], sizes = [128, 64], strides = [1, 1]} : vector<256x64xf32> to vector<128x64xf32>
    %max3A_155 = arith.maximumf %slice3A_153, %slice3A_154 : vector<128x64xf32>
    %slice3A_156 = vector.extract_strided_slice %max3A_144 {offsets = [0, 0], sizes = [128, 64], strides = [1, 1]} : vector<256x64xf32> to vector<128x64xf32>
    %slice3A_157 = vector.extract_strided_slice %min3A_147 {offsets = [128, 0], sizes = [128, 64], strides = [1, 1]} : vector<256x64xf32> to vector<128x64xf32>
    %max3A_158 = arith.maximumf %slice3A_156, %slice3A_157 : vector<128x64xf32>
    %slice3A_159 = vector.extract_strided_slice %min3A_145 {offsets = [0, 0], sizes = [128, 64], strides = [1, 1]} : vector<256x64xf32> to vector<128x64xf32>
    %slice3A_160 = vector.extract_strided_slice %max3A_146 {offsets = [128, 0], sizes = [128, 64], strides = [1, 1]} : vector<256x64xf32> to vector<128x64xf32>
    %max3A_161 = arith.maximumf %slice3A_159, %slice3A_160 : vector<128x64xf32>
    %slice3A_162 = vector.extract_strided_slice %max3A_146 {offsets = [0, 0], sizes = [128, 64], strides = [1, 1]} : vector<256x64xf32> to vector<128x64xf32>
    %slice3A_163 = vector.extract_strided_slice %min3A_145 {offsets = [128, 0], sizes = [128, 64], strides = [1, 1]} : vector<256x64xf32> to vector<128x64xf32>
    %max3A_164 = arith.maximumf %slice3A_162, %slice3A_163 : vector<128x64xf32>
    %slice3A_165 = vector.extract_strided_slice %min3A_147 {offsets = [0, 0], sizes = [128, 64], strides = [1, 1]} : vector<256x64xf32> to vector<128x64xf32>
    %slice3A_166 = vector.extract_strided_slice %max3A_144 {offsets = [128, 0], sizes = [128, 64], strides = [1, 1]} : vector<256x64xf32> to vector<128x64xf32>
    %max3A_167 = arith.maximumf %slice3A_165, %slice3A_166 : vector<128x64xf32>
    %slice3A_168 = vector.extract_strided_slice %max3A_148 {offsets = [0, 0], sizes = [128, 64], strides = [1, 1]} : vector<256x64xf32> to vector<128x64xf32>
    %slice3A_169 = vector.extract_strided_slice %min3A_143 {offsets = [128, 0], sizes = [128, 64], strides = [1, 1]} : vector<256x64xf32> to vector<128x64xf32>
    %max3A_170 = arith.maximumf %slice3A_168, %slice3A_169 : vector<128x64xf32>
    %slice3A_171 = vector.extract_strided_slice %min3A_149 {offsets = [0, 0], sizes = [128, 64], strides = [1, 1]} : vector<256x64xf32> to vector<128x64xf32>
    %slice3A_172 = vector.extract_strided_slice %max3A_142 {offsets = [128, 0], sizes = [128, 64], strides = [1, 1]} : vector<256x64xf32> to vector<128x64xf32>
    %max3A_173 = arith.maximumf %slice3A_171, %slice3A_172 : vector<128x64xf32>
    %max3A_174 = arith.maximumf %max3A_152, %max3A_164 : vector<128x64xf32>
    %min3A_175 = arith.minimumf %max3A_152, %max3A_164 : vector<128x64xf32>
    %max3A_176 = arith.maximumf %max3A_155, %max3A_167 : vector<128x64xf32>
    %min3A_177 = arith.minimumf %max3A_155, %max3A_167 : vector<128x64xf32>
    %max3A_178 = arith.maximumf %max3A_158, %max3A_170 : vector<128x64xf32>
    %min3A_179 = arith.minimumf %max3A_158, %max3A_170 : vector<128x64xf32>
    %max3A_180 = arith.maximumf %max3A_161, %max3A_173 : vector<128x64xf32>
    %min3A_181 = arith.minimumf %max3A_161, %max3A_173 : vector<128x64xf32>
    %max3A_182 = arith.maximumf %max3A_174, %max3A_178 : vector<128x64xf32>
    %min3A_183 = arith.minimumf %max3A_174, %max3A_178 : vector<128x64xf32>
    %max3A_184 = arith.maximumf %max3A_176, %max3A_180 : vector<128x64xf32>
    %min3A_185 = arith.minimumf %max3A_176, %max3A_180 : vector<128x64xf32>
    %max3A_186 = arith.maximumf %min3A_175, %min3A_179 : vector<128x64xf32>
    %min3A_187 = arith.minimumf %min3A_175, %min3A_179 : vector<128x64xf32>
    %max3A_188 = arith.maximumf %min3A_177, %min3A_181 : vector<128x64xf32>
    %min3A_189 = arith.minimumf %min3A_177, %min3A_181 : vector<128x64xf32>
    %max3A_190 = arith.maximumf %max3A_182, %max3A_184 : vector<128x64xf32>
    %min3A_191 = arith.minimumf %max3A_182, %max3A_184 : vector<128x64xf32>
    %max3A_192 = arith.maximumf %min3A_183, %min3A_185 : vector<128x64xf32>
    %min3A_193 = arith.minimumf %min3A_183, %min3A_185 : vector<128x64xf32>
    %max3A_194 = arith.maximumf %max3A_186, %max3A_188 : vector<128x64xf32>
    %min3A_195 = arith.minimumf %max3A_186, %max3A_188 : vector<128x64xf32>
    %max3A_196 = arith.maximumf %min3A_187, %min3A_189 : vector<128x64xf32>
    %min3A_197 = arith.minimumf %min3A_187, %min3A_189 : vector<128x64xf32>
    %slice3A_198 = vector.extract_strided_slice %max3A_190 {offsets = [0, 0], sizes = [64, 64], strides = [1, 1]} : vector<128x64xf32> to vector<64x64xf32>
    %slice3A_199 = vector.extract_strided_slice %min3A_197 {offsets = [64, 0], sizes = [64, 64], strides = [1, 1]} : vector<128x64xf32> to vector<64x64xf32>
    %max3A_200 = arith.maximumf %slice3A_198, %slice3A_199 : vector<64x64xf32>
    %slice3A_201 = vector.extract_strided_slice %min3A_191 {offsets = [0, 0], sizes = [64, 64], strides = [1, 1]} : vector<128x64xf32> to vector<64x64xf32>
    %slice3A_202 = vector.extract_strided_slice %max3A_196 {offsets = [64, 0], sizes = [64, 64], strides = [1, 1]} : vector<128x64xf32> to vector<64x64xf32>
    %max3A_203 = arith.maximumf %slice3A_201, %slice3A_202 : vector<64x64xf32>
    %slice3A_204 = vector.extract_strided_slice %max3A_192 {offsets = [0, 0], sizes = [64, 64], strides = [1, 1]} : vector<128x64xf32> to vector<64x64xf32>
    %slice3A_205 = vector.extract_strided_slice %min3A_195 {offsets = [64, 0], sizes = [64, 64], strides = [1, 1]} : vector<128x64xf32> to vector<64x64xf32>
    %max3A_206 = arith.maximumf %slice3A_204, %slice3A_205 : vector<64x64xf32>
    %slice3A_207 = vector.extract_strided_slice %min3A_193 {offsets = [0, 0], sizes = [64, 64], strides = [1, 1]} : vector<128x64xf32> to vector<64x64xf32>
    %slice3A_208 = vector.extract_strided_slice %max3A_194 {offsets = [64, 0], sizes = [64, 64], strides = [1, 1]} : vector<128x64xf32> to vector<64x64xf32>
    %max3A_209 = arith.maximumf %slice3A_207, %slice3A_208 : vector<64x64xf32>
    %slice3A_210 = vector.extract_strided_slice %max3A_194 {offsets = [0, 0], sizes = [64, 64], strides = [1, 1]} : vector<128x64xf32> to vector<64x64xf32>
    %slice3A_211 = vector.extract_strided_slice %min3A_193 {offsets = [64, 0], sizes = [64, 64], strides = [1, 1]} : vector<128x64xf32> to vector<64x64xf32>
    %max3A_212 = arith.maximumf %slice3A_210, %slice3A_211 : vector<64x64xf32>
    %slice3A_213 = vector.extract_strided_slice %min3A_195 {offsets = [0, 0], sizes = [64, 64], strides = [1, 1]} : vector<128x64xf32> to vector<64x64xf32>
    %slice3A_214 = vector.extract_strided_slice %max3A_192 {offsets = [64, 0], sizes = [64, 64], strides = [1, 1]} : vector<128x64xf32> to vector<64x64xf32>
    %max3A_215 = arith.maximumf %slice3A_213, %slice3A_214 : vector<64x64xf32>
    %slice3A_216 = vector.extract_strided_slice %max3A_196 {offsets = [0, 0], sizes = [64, 64], strides = [1, 1]} : vector<128x64xf32> to vector<64x64xf32>
    %slice3A_217 = vector.extract_strided_slice %min3A_191 {offsets = [64, 0], sizes = [64, 64], strides = [1, 1]} : vector<128x64xf32> to vector<64x64xf32>
    %max3A_218 = arith.maximumf %slice3A_216, %slice3A_217 : vector<64x64xf32>
    %slice3A_219 = vector.extract_strided_slice %min3A_197 {offsets = [0, 0], sizes = [64, 64], strides = [1, 1]} : vector<128x64xf32> to vector<64x64xf32>
    %slice3A_220 = vector.extract_strided_slice %max3A_190 {offsets = [64, 0], sizes = [64, 64], strides = [1, 1]} : vector<128x64xf32> to vector<64x64xf32>
    %max3A_221 = arith.maximumf %slice3A_219, %slice3A_220 : vector<64x64xf32>
    %max3A_222 = arith.maximumf %max3A_200, %max3A_212 : vector<64x64xf32>
    %min3A_223 = arith.minimumf %max3A_200, %max3A_212 : vector<64x64xf32>
    %max3A_224 = arith.maximumf %max3A_203, %max3A_215 : vector<64x64xf32>
    %min3A_225 = arith.minimumf %max3A_203, %max3A_215 : vector<64x64xf32>
    %max3A_226 = arith.maximumf %max3A_206, %max3A_218 : vector<64x64xf32>
    %min3A_227 = arith.minimumf %max3A_206, %max3A_218 : vector<64x64xf32>
    %max3A_228 = arith.maximumf %max3A_209, %max3A_221 : vector<64x64xf32>
    %min3A_229 = arith.minimumf %max3A_209, %max3A_221 : vector<64x64xf32>
    %max3A_230 = arith.maximumf %max3A_222, %max3A_226 : vector<64x64xf32>
    %min3A_231 = arith.minimumf %max3A_222, %max3A_226 : vector<64x64xf32>
    %max3A_232 = arith.maximumf %max3A_224, %max3A_228 : vector<64x64xf32>
    %min3A_233 = arith.minimumf %max3A_224, %max3A_228 : vector<64x64xf32>
    %max3A_234 = arith.maximumf %min3A_223, %min3A_227 : vector<64x64xf32>
    %min3A_235 = arith.minimumf %min3A_223, %min3A_227 : vector<64x64xf32>
    %max3A_236 = arith.maximumf %min3A_225, %min3A_229 : vector<64x64xf32>
    %min3A_237 = arith.minimumf %min3A_225, %min3A_229 : vector<64x64xf32>
    %max3A_238 = arith.maximumf %max3A_230, %max3A_232 : vector<64x64xf32>
    %min3A_239 = arith.minimumf %max3A_230, %max3A_232 : vector<64x64xf32>
    %max3A_240 = arith.maximumf %min3A_231, %min3A_233 : vector<64x64xf32>
    %min3A_241 = arith.minimumf %min3A_231, %min3A_233 : vector<64x64xf32>
    %max3A_242 = arith.maximumf %max3A_234, %max3A_236 : vector<64x64xf32>
    %min3A_243 = arith.minimumf %max3A_234, %max3A_236 : vector<64x64xf32>
    %max3A_244 = arith.maximumf %min3A_235, %min3A_237 : vector<64x64xf32>
    %min3A_245 = arith.minimumf %min3A_235, %min3A_237 : vector<64x64xf32>
    %slice3A_246 = vector.extract_strided_slice %max3A_238 {offsets = [0, 0], sizes = [32, 64], strides = [1, 1]} : vector<64x64xf32> to vector<32x64xf32>
    %slice3A_247 = vector.extract_strided_slice %min3A_245 {offsets = [32, 0], sizes = [32, 64], strides = [1, 1]} : vector<64x64xf32> to vector<32x64xf32>
    %max3A_248 = arith.maximumf %slice3A_246, %slice3A_247 : vector<32x64xf32>
    %slice3A_249 = vector.extract_strided_slice %min3A_239 {offsets = [0, 0], sizes = [32, 64], strides = [1, 1]} : vector<64x64xf32> to vector<32x64xf32>
    %slice3A_250 = vector.extract_strided_slice %max3A_244 {offsets = [32, 0], sizes = [32, 64], strides = [1, 1]} : vector<64x64xf32> to vector<32x64xf32>
    %max3A_251 = arith.maximumf %slice3A_249, %slice3A_250 : vector<32x64xf32>
    %slice3A_252 = vector.extract_strided_slice %max3A_240 {offsets = [0, 0], sizes = [32, 64], strides = [1, 1]} : vector<64x64xf32> to vector<32x64xf32>
    %slice3A_253 = vector.extract_strided_slice %min3A_243 {offsets = [32, 0], sizes = [32, 64], strides = [1, 1]} : vector<64x64xf32> to vector<32x64xf32>
    %max3A_254 = arith.maximumf %slice3A_252, %slice3A_253 : vector<32x64xf32>
    %slice3A_255 = vector.extract_strided_slice %min3A_241 {offsets = [0, 0], sizes = [32, 64], strides = [1, 1]} : vector<64x64xf32> to vector<32x64xf32>
    %slice3A_256 = vector.extract_strided_slice %max3A_242 {offsets = [32, 0], sizes = [32, 64], strides = [1, 1]} : vector<64x64xf32> to vector<32x64xf32>
    %max3A_257 = arith.maximumf %slice3A_255, %slice3A_256 : vector<32x64xf32>
    %slice3A_258 = vector.extract_strided_slice %max3A_242 {offsets = [0, 0], sizes = [32, 64], strides = [1, 1]} : vector<64x64xf32> to vector<32x64xf32>
    %slice3A_259 = vector.extract_strided_slice %min3A_241 {offsets = [32, 0], sizes = [32, 64], strides = [1, 1]} : vector<64x64xf32> to vector<32x64xf32>
    %max3A_260 = arith.maximumf %slice3A_258, %slice3A_259 : vector<32x64xf32>
    %slice3A_261 = vector.extract_strided_slice %min3A_243 {offsets = [0, 0], sizes = [32, 64], strides = [1, 1]} : vector<64x64xf32> to vector<32x64xf32>
    %slice3A_262 = vector.extract_strided_slice %max3A_240 {offsets = [32, 0], sizes = [32, 64], strides = [1, 1]} : vector<64x64xf32> to vector<32x64xf32>
    %max3A_263 = arith.maximumf %slice3A_261, %slice3A_262 : vector<32x64xf32>
    %slice3A_264 = vector.extract_strided_slice %max3A_244 {offsets = [0, 0], sizes = [32, 64], strides = [1, 1]} : vector<64x64xf32> to vector<32x64xf32>
    %slice3A_265 = vector.extract_strided_slice %min3A_239 {offsets = [32, 0], sizes = [32, 64], strides = [1, 1]} : vector<64x64xf32> to vector<32x64xf32>
    %max3A_266 = arith.maximumf %slice3A_264, %slice3A_265 : vector<32x64xf32>
    %slice3A_267 = vector.extract_strided_slice %min3A_245 {offsets = [0, 0], sizes = [32, 64], strides = [1, 1]} : vector<64x64xf32> to vector<32x64xf32>
    %slice3A_268 = vector.extract_strided_slice %max3A_238 {offsets = [32, 0], sizes = [32, 64], strides = [1, 1]} : vector<64x64xf32> to vector<32x64xf32>
    %max3A_269 = arith.maximumf %slice3A_267, %slice3A_268 : vector<32x64xf32>
    %max3A_270 = arith.maximumf %max3A_248, %max3A_260 : vector<32x64xf32>
    %min3A_271 = arith.minimumf %max3A_248, %max3A_260 : vector<32x64xf32>
    %max3A_272 = arith.maximumf %max3A_251, %max3A_263 : vector<32x64xf32>
    %min3A_273 = arith.minimumf %max3A_251, %max3A_263 : vector<32x64xf32>
    %max3A_274 = arith.maximumf %max3A_254, %max3A_266 : vector<32x64xf32>
    %min3A_275 = arith.minimumf %max3A_254, %max3A_266 : vector<32x64xf32>
    %max3A_276 = arith.maximumf %max3A_257, %max3A_269 : vector<32x64xf32>
    %min3A_277 = arith.minimumf %max3A_257, %max3A_269 : vector<32x64xf32>
    %max3A_278 = arith.maximumf %max3A_270, %max3A_274 : vector<32x64xf32>
    %min3A_279 = arith.minimumf %max3A_270, %max3A_274 : vector<32x64xf32>
    %max3A_280 = arith.maximumf %max3A_272, %max3A_276 : vector<32x64xf32>
    %min3A_281 = arith.minimumf %max3A_272, %max3A_276 : vector<32x64xf32>
    %max3A_282 = arith.maximumf %min3A_271, %min3A_275 : vector<32x64xf32>
    %min3A_283 = arith.minimumf %min3A_271, %min3A_275 : vector<32x64xf32>
    %max3A_284 = arith.maximumf %min3A_273, %min3A_277 : vector<32x64xf32>
    %min3A_285 = arith.minimumf %min3A_273, %min3A_277 : vector<32x64xf32>
    %max3A_286 = arith.maximumf %max3A_278, %max3A_280 : vector<32x64xf32>
    %min3A_287 = arith.minimumf %max3A_278, %max3A_280 : vector<32x64xf32>
    %max3A_288 = arith.maximumf %min3A_279, %min3A_281 : vector<32x64xf32>
    %min3A_289 = arith.minimumf %min3A_279, %min3A_281 : vector<32x64xf32>
    %max3A_290 = arith.maximumf %max3A_282, %max3A_284 : vector<32x64xf32>
    %min3A_291 = arith.minimumf %max3A_282, %max3A_284 : vector<32x64xf32>
    %max3A_292 = arith.maximumf %min3A_283, %min3A_285 : vector<32x64xf32>
    %min3A_293 = arith.minimumf %min3A_283, %min3A_285 : vector<32x64xf32>
    %slice3A_294 = vector.extract_strided_slice %max3A_286 {offsets = [0, 0], sizes = [16, 64], strides = [1, 1]} : vector<32x64xf32> to vector<16x64xf32>
    %slice3A_295 = vector.extract_strided_slice %min3A_293 {offsets = [16, 0], sizes = [16, 64], strides = [1, 1]} : vector<32x64xf32> to vector<16x64xf32>
    %max3A_296 = arith.maximumf %slice3A_294, %slice3A_295 : vector<16x64xf32>
    %slice3A_297 = vector.extract_strided_slice %min3A_287 {offsets = [0, 0], sizes = [16, 64], strides = [1, 1]} : vector<32x64xf32> to vector<16x64xf32>
    %slice3A_298 = vector.extract_strided_slice %max3A_292 {offsets = [16, 0], sizes = [16, 64], strides = [1, 1]} : vector<32x64xf32> to vector<16x64xf32>
    %max3A_299 = arith.maximumf %slice3A_297, %slice3A_298 : vector<16x64xf32>
    %slice3A_300 = vector.extract_strided_slice %max3A_288 {offsets = [0, 0], sizes = [16, 64], strides = [1, 1]} : vector<32x64xf32> to vector<16x64xf32>
    %slice3A_301 = vector.extract_strided_slice %min3A_291 {offsets = [16, 0], sizes = [16, 64], strides = [1, 1]} : vector<32x64xf32> to vector<16x64xf32>
    %max3A_302 = arith.maximumf %slice3A_300, %slice3A_301 : vector<16x64xf32>
    %slice3A_303 = vector.extract_strided_slice %min3A_289 {offsets = [0, 0], sizes = [16, 64], strides = [1, 1]} : vector<32x64xf32> to vector<16x64xf32>
    %slice3A_304 = vector.extract_strided_slice %max3A_290 {offsets = [16, 0], sizes = [16, 64], strides = [1, 1]} : vector<32x64xf32> to vector<16x64xf32>
    %max3A_305 = arith.maximumf %slice3A_303, %slice3A_304 : vector<16x64xf32>
    %slice3A_306 = vector.extract_strided_slice %max3A_290 {offsets = [0, 0], sizes = [16, 64], strides = [1, 1]} : vector<32x64xf32> to vector<16x64xf32>
    %slice3A_307 = vector.extract_strided_slice %min3A_289 {offsets = [16, 0], sizes = [16, 64], strides = [1, 1]} : vector<32x64xf32> to vector<16x64xf32>
    %max3A_308 = arith.maximumf %slice3A_306, %slice3A_307 : vector<16x64xf32>
    %slice3A_309 = vector.extract_strided_slice %min3A_291 {offsets = [0, 0], sizes = [16, 64], strides = [1, 1]} : vector<32x64xf32> to vector<16x64xf32>
    %slice3A_310 = vector.extract_strided_slice %max3A_288 {offsets = [16, 0], sizes = [16, 64], strides = [1, 1]} : vector<32x64xf32> to vector<16x64xf32>
    %max3A_311 = arith.maximumf %slice3A_309, %slice3A_310 : vector<16x64xf32>
    %slice3A_312 = vector.extract_strided_slice %max3A_292 {offsets = [0, 0], sizes = [16, 64], strides = [1, 1]} : vector<32x64xf32> to vector<16x64xf32>
    %slice3A_313 = vector.extract_strided_slice %min3A_287 {offsets = [16, 0], sizes = [16, 64], strides = [1, 1]} : vector<32x64xf32> to vector<16x64xf32>
    %max3A_314 = arith.maximumf %slice3A_312, %slice3A_313 : vector<16x64xf32>
    %slice3A_315 = vector.extract_strided_slice %min3A_293 {offsets = [0, 0], sizes = [16, 64], strides = [1, 1]} : vector<32x64xf32> to vector<16x64xf32>
    %slice3A_316 = vector.extract_strided_slice %max3A_286 {offsets = [16, 0], sizes = [16, 64], strides = [1, 1]} : vector<32x64xf32> to vector<16x64xf32>
    %max3A_317 = arith.maximumf %slice3A_315, %slice3A_316 : vector<16x64xf32>
    %max3A_318 = arith.maximumf %max3A_296, %max3A_308 : vector<16x64xf32>
    %min3A_319 = arith.minimumf %max3A_296, %max3A_308 : vector<16x64xf32>
    %max3A_320 = arith.maximumf %max3A_299, %max3A_311 : vector<16x64xf32>
    %min3A_321 = arith.minimumf %max3A_299, %max3A_311 : vector<16x64xf32>
    %max3A_322 = arith.maximumf %max3A_302, %max3A_314 : vector<16x64xf32>
    %min3A_323 = arith.minimumf %max3A_302, %max3A_314 : vector<16x64xf32>
    %max3A_324 = arith.maximumf %max3A_305, %max3A_317 : vector<16x64xf32>
    %min3A_325 = arith.minimumf %max3A_305, %max3A_317 : vector<16x64xf32>
    %max3A_326 = arith.maximumf %max3A_318, %max3A_322 : vector<16x64xf32>
    %min3A_327 = arith.minimumf %max3A_318, %max3A_322 : vector<16x64xf32>
    %max3A_328 = arith.maximumf %max3A_320, %max3A_324 : vector<16x64xf32>
    %min3A_329 = arith.minimumf %max3A_320, %max3A_324 : vector<16x64xf32>
    %max3A_330 = arith.maximumf %min3A_319, %min3A_323 : vector<16x64xf32>
    %min3A_331 = arith.minimumf %min3A_319, %min3A_323 : vector<16x64xf32>
    %max3A_332 = arith.maximumf %min3A_321, %min3A_325 : vector<16x64xf32>
    %min3A_333 = arith.minimumf %min3A_321, %min3A_325 : vector<16x64xf32>
    %max3A_334 = arith.maximumf %max3A_326, %max3A_328 : vector<16x64xf32>
    %min3A_335 = arith.minimumf %max3A_326, %max3A_328 : vector<16x64xf32>
    %max3A_336 = arith.maximumf %min3A_327, %min3A_329 : vector<16x64xf32>
    %min3A_337 = arith.minimumf %min3A_327, %min3A_329 : vector<16x64xf32>
    %max3A_338 = arith.maximumf %max3A_330, %max3A_332 : vector<16x64xf32>
    %min3A_339 = arith.minimumf %max3A_330, %max3A_332 : vector<16x64xf32>
    %max3A_340 = arith.maximumf %min3A_331, %min3A_333 : vector<16x64xf32>
    %min3A_341 = arith.minimumf %min3A_331, %min3A_333 : vector<16x64xf32>
    %slice3A_342 = vector.extract_strided_slice %max3A_334 {offsets = [0, 0], sizes = [8, 64], strides = [1, 1]} : vector<16x64xf32> to vector<8x64xf32>
    %slice3A_343 = vector.extract_strided_slice %min3A_341 {offsets = [8, 0], sizes = [8, 64], strides = [1, 1]} : vector<16x64xf32> to vector<8x64xf32>
    %max3A_344 = arith.maximumf %slice3A_342, %slice3A_343 : vector<8x64xf32>
    %slice3A_345 = vector.extract_strided_slice %min3A_335 {offsets = [0, 0], sizes = [8, 64], strides = [1, 1]} : vector<16x64xf32> to vector<8x64xf32>
    %slice3A_346 = vector.extract_strided_slice %max3A_340 {offsets = [8, 0], sizes = [8, 64], strides = [1, 1]} : vector<16x64xf32> to vector<8x64xf32>
    %max3A_347 = arith.maximumf %slice3A_345, %slice3A_346 : vector<8x64xf32>
    %slice3A_348 = vector.extract_strided_slice %max3A_336 {offsets = [0, 0], sizes = [8, 64], strides = [1, 1]} : vector<16x64xf32> to vector<8x64xf32>
    %slice3A_349 = vector.extract_strided_slice %min3A_339 {offsets = [8, 0], sizes = [8, 64], strides = [1, 1]} : vector<16x64xf32> to vector<8x64xf32>
    %max3A_350 = arith.maximumf %slice3A_348, %slice3A_349 : vector<8x64xf32>
    %slice3A_351 = vector.extract_strided_slice %min3A_337 {offsets = [0, 0], sizes = [8, 64], strides = [1, 1]} : vector<16x64xf32> to vector<8x64xf32>
    %slice3A_352 = vector.extract_strided_slice %max3A_338 {offsets = [8, 0], sizes = [8, 64], strides = [1, 1]} : vector<16x64xf32> to vector<8x64xf32>
    %max3A_353 = arith.maximumf %slice3A_351, %slice3A_352 : vector<8x64xf32>
    %slice3A_354 = vector.extract_strided_slice %max3A_338 {offsets = [0, 0], sizes = [8, 64], strides = [1, 1]} : vector<16x64xf32> to vector<8x64xf32>
    %slice3A_355 = vector.extract_strided_slice %min3A_337 {offsets = [8, 0], sizes = [8, 64], strides = [1, 1]} : vector<16x64xf32> to vector<8x64xf32>
    %max3A_356 = arith.maximumf %slice3A_354, %slice3A_355 : vector<8x64xf32>
    %slice3A_357 = vector.extract_strided_slice %min3A_339 {offsets = [0, 0], sizes = [8, 64], strides = [1, 1]} : vector<16x64xf32> to vector<8x64xf32>
    %slice3A_358 = vector.extract_strided_slice %max3A_336 {offsets = [8, 0], sizes = [8, 64], strides = [1, 1]} : vector<16x64xf32> to vector<8x64xf32>
    %max3A_359 = arith.maximumf %slice3A_357, %slice3A_358 : vector<8x64xf32>
    %slice3A_360 = vector.extract_strided_slice %max3A_340 {offsets = [0, 0], sizes = [8, 64], strides = [1, 1]} : vector<16x64xf32> to vector<8x64xf32>
    %slice3A_361 = vector.extract_strided_slice %min3A_335 {offsets = [8, 0], sizes = [8, 64], strides = [1, 1]} : vector<16x64xf32> to vector<8x64xf32>
    %max3A_362 = arith.maximumf %slice3A_360, %slice3A_361 : vector<8x64xf32>
    %slice3A_363 = vector.extract_strided_slice %min3A_341 {offsets = [0, 0], sizes = [8, 64], strides = [1, 1]} : vector<16x64xf32> to vector<8x64xf32>
    %slice3A_364 = vector.extract_strided_slice %max3A_334 {offsets = [8, 0], sizes = [8, 64], strides = [1, 1]} : vector<16x64xf32> to vector<8x64xf32>
    %max3A_365 = arith.maximumf %slice3A_363, %slice3A_364 : vector<8x64xf32>
    %max3A_366 = arith.maximumf %max3A_344, %max3A_356 : vector<8x64xf32>
    %min3A_367 = arith.minimumf %max3A_344, %max3A_356 : vector<8x64xf32>
    %max3A_368 = arith.maximumf %max3A_347, %max3A_359 : vector<8x64xf32>
    %min3A_369 = arith.minimumf %max3A_347, %max3A_359 : vector<8x64xf32>
    %max3A_370 = arith.maximumf %max3A_350, %max3A_362 : vector<8x64xf32>
    %min3A_371 = arith.minimumf %max3A_350, %max3A_362 : vector<8x64xf32>
    %max3A_372 = arith.maximumf %max3A_353, %max3A_365 : vector<8x64xf32>
    %min3A_373 = arith.minimumf %max3A_353, %max3A_365 : vector<8x64xf32>
    %max3A_374 = arith.maximumf %max3A_366, %max3A_370 : vector<8x64xf32>
    %min3A_375 = arith.minimumf %max3A_366, %max3A_370 : vector<8x64xf32>
    %max3A_376 = arith.maximumf %max3A_368, %max3A_372 : vector<8x64xf32>
    %min3A_377 = arith.minimumf %max3A_368, %max3A_372 : vector<8x64xf32>
    %max3A_378 = arith.maximumf %min3A_367, %min3A_371 : vector<8x64xf32>
    %min3A_379 = arith.minimumf %min3A_367, %min3A_371 : vector<8x64xf32>
    %max3A_380 = arith.maximumf %min3A_369, %min3A_373 : vector<8x64xf32>
    %min3A_381 = arith.minimumf %min3A_369, %min3A_373 : vector<8x64xf32>
    %max3A_382 = arith.maximumf %max3A_374, %max3A_376 : vector<8x64xf32>
    %min3A_383 = arith.minimumf %max3A_374, %max3A_376 : vector<8x64xf32>
    %max3A_384 = arith.maximumf %min3A_375, %min3A_377 : vector<8x64xf32>
    %min3A_385 = arith.minimumf %min3A_375, %min3A_377 : vector<8x64xf32>
    %max3A_386 = arith.maximumf %max3A_378, %max3A_380 : vector<8x64xf32>
    %min3A_387 = arith.minimumf %max3A_378, %max3A_380 : vector<8x64xf32>
    %max3A_388 = arith.maximumf %min3A_379, %min3A_381 : vector<8x64xf32>
    %min3A_389 = arith.minimumf %min3A_379, %min3A_381 : vector<8x64xf32>
    %slice3A_390 = vector.extract_strided_slice %max3A_382 {offsets = [0, 0], sizes = [4, 64], strides = [1, 1]} : vector<8x64xf32> to vector<4x64xf32>
    %slice3A_391 = vector.extract_strided_slice %min3A_389 {offsets = [4, 0], sizes = [4, 64], strides = [1, 1]} : vector<8x64xf32> to vector<4x64xf32>
    %max3A_392 = arith.maximumf %slice3A_390, %slice3A_391 : vector<4x64xf32>
    %slice3A_393 = vector.extract_strided_slice %min3A_383 {offsets = [0, 0], sizes = [4, 64], strides = [1, 1]} : vector<8x64xf32> to vector<4x64xf32>
    %slice3A_394 = vector.extract_strided_slice %max3A_388 {offsets = [4, 0], sizes = [4, 64], strides = [1, 1]} : vector<8x64xf32> to vector<4x64xf32>
    %max3A_395 = arith.maximumf %slice3A_393, %slice3A_394 : vector<4x64xf32>
    %slice3A_396 = vector.extract_strided_slice %max3A_384 {offsets = [0, 0], sizes = [4, 64], strides = [1, 1]} : vector<8x64xf32> to vector<4x64xf32>
    %slice3A_397 = vector.extract_strided_slice %min3A_387 {offsets = [4, 0], sizes = [4, 64], strides = [1, 1]} : vector<8x64xf32> to vector<4x64xf32>
    %max3A_398 = arith.maximumf %slice3A_396, %slice3A_397 : vector<4x64xf32>
    %slice3A_399 = vector.extract_strided_slice %min3A_385 {offsets = [0, 0], sizes = [4, 64], strides = [1, 1]} : vector<8x64xf32> to vector<4x64xf32>
    %slice3A_400 = vector.extract_strided_slice %max3A_386 {offsets = [4, 0], sizes = [4, 64], strides = [1, 1]} : vector<8x64xf32> to vector<4x64xf32>
    %max3A_401 = arith.maximumf %slice3A_399, %slice3A_400 : vector<4x64xf32>
    %slice3A_402 = vector.extract_strided_slice %max3A_386 {offsets = [0, 0], sizes = [4, 64], strides = [1, 1]} : vector<8x64xf32> to vector<4x64xf32>
    %slice3A_403 = vector.extract_strided_slice %min3A_385 {offsets = [4, 0], sizes = [4, 64], strides = [1, 1]} : vector<8x64xf32> to vector<4x64xf32>
    %max3A_404 = arith.maximumf %slice3A_402, %slice3A_403 : vector<4x64xf32>
    %slice3A_405 = vector.extract_strided_slice %min3A_387 {offsets = [0, 0], sizes = [4, 64], strides = [1, 1]} : vector<8x64xf32> to vector<4x64xf32>
    %slice3A_406 = vector.extract_strided_slice %max3A_384 {offsets = [4, 0], sizes = [4, 64], strides = [1, 1]} : vector<8x64xf32> to vector<4x64xf32>
    %max3A_407 = arith.maximumf %slice3A_405, %slice3A_406 : vector<4x64xf32>
    %slice3A_408 = vector.extract_strided_slice %max3A_388 {offsets = [0, 0], sizes = [4, 64], strides = [1, 1]} : vector<8x64xf32> to vector<4x64xf32>
    %slice3A_409 = vector.extract_strided_slice %min3A_383 {offsets = [4, 0], sizes = [4, 64], strides = [1, 1]} : vector<8x64xf32> to vector<4x64xf32>
    %max3A_410 = arith.maximumf %slice3A_408, %slice3A_409 : vector<4x64xf32>
    %slice3A_411 = vector.extract_strided_slice %min3A_389 {offsets = [0, 0], sizes = [4, 64], strides = [1, 1]} : vector<8x64xf32> to vector<4x64xf32>
    %slice3A_412 = vector.extract_strided_slice %max3A_382 {offsets = [4, 0], sizes = [4, 64], strides = [1, 1]} : vector<8x64xf32> to vector<4x64xf32>
    %max3A_413 = arith.maximumf %slice3A_411, %slice3A_412 : vector<4x64xf32>
    %max3A_414 = arith.maximumf %max3A_392, %max3A_404 : vector<4x64xf32>
    %min3A_415 = arith.minimumf %max3A_392, %max3A_404 : vector<4x64xf32>
    %max3A_416 = arith.maximumf %max3A_395, %max3A_407 : vector<4x64xf32>
    %min3A_417 = arith.minimumf %max3A_395, %max3A_407 : vector<4x64xf32>
    %max3A_418 = arith.maximumf %max3A_398, %max3A_410 : vector<4x64xf32>
    %min3A_419 = arith.minimumf %max3A_398, %max3A_410 : vector<4x64xf32>
    %max3A_420 = arith.maximumf %max3A_401, %max3A_413 : vector<4x64xf32>
    %min3A_421 = arith.minimumf %max3A_401, %max3A_413 : vector<4x64xf32>
    %max3A_422 = arith.maximumf %max3A_414, %max3A_418 : vector<4x64xf32>
    %min3A_423 = arith.minimumf %max3A_414, %max3A_418 : vector<4x64xf32>
    %max3A_424 = arith.maximumf %max3A_416, %max3A_420 : vector<4x64xf32>
    %min3A_425 = arith.minimumf %max3A_416, %max3A_420 : vector<4x64xf32>
    %max3A_426 = arith.maximumf %min3A_415, %min3A_419 : vector<4x64xf32>
    %min3A_427 = arith.minimumf %min3A_415, %min3A_419 : vector<4x64xf32>
    %max3A_428 = arith.maximumf %min3A_417, %min3A_421 : vector<4x64xf32>
    %min3A_429 = arith.minimumf %min3A_417, %min3A_421 : vector<4x64xf32>
    %max3A_430 = arith.maximumf %max3A_422, %max3A_424 : vector<4x64xf32>
    %min3A_431 = arith.minimumf %max3A_422, %max3A_424 : vector<4x64xf32>
    %max3A_432 = arith.maximumf %min3A_423, %min3A_425 : vector<4x64xf32>
    %min3A_433 = arith.minimumf %min3A_423, %min3A_425 : vector<4x64xf32>
    %max3A_434 = arith.maximumf %max3A_426, %max3A_428 : vector<4x64xf32>
    %min3A_435 = arith.minimumf %max3A_426, %max3A_428 : vector<4x64xf32>
    %max3A_436 = arith.maximumf %min3A_427, %min3A_429 : vector<4x64xf32>
    %min3A_437 = arith.minimumf %min3A_427, %min3A_429 : vector<4x64xf32>
    %slice3A_438 = vector.extract_strided_slice %max3A_430 {offsets = [0, 0], sizes = [2, 64], strides = [1, 1]} : vector<4x64xf32> to vector<2x64xf32>
    %slice3A_439 = vector.extract_strided_slice %min3A_437 {offsets = [2, 0], sizes = [2, 64], strides = [1, 1]} : vector<4x64xf32> to vector<2x64xf32>
    %max3A_440 = arith.maximumf %slice3A_438, %slice3A_439 : vector<2x64xf32>
    %slice3A_441 = vector.extract_strided_slice %min3A_431 {offsets = [0, 0], sizes = [2, 64], strides = [1, 1]} : vector<4x64xf32> to vector<2x64xf32>
    %slice3A_442 = vector.extract_strided_slice %max3A_436 {offsets = [2, 0], sizes = [2, 64], strides = [1, 1]} : vector<4x64xf32> to vector<2x64xf32>
    %max3A_443 = arith.maximumf %slice3A_441, %slice3A_442 : vector<2x64xf32>
    %slice3A_444 = vector.extract_strided_slice %max3A_432 {offsets = [0, 0], sizes = [2, 64], strides = [1, 1]} : vector<4x64xf32> to vector<2x64xf32>
    %slice3A_445 = vector.extract_strided_slice %min3A_435 {offsets = [2, 0], sizes = [2, 64], strides = [1, 1]} : vector<4x64xf32> to vector<2x64xf32>
    %max3A_446 = arith.maximumf %slice3A_444, %slice3A_445 : vector<2x64xf32>
    %slice3A_447 = vector.extract_strided_slice %min3A_433 {offsets = [0, 0], sizes = [2, 64], strides = [1, 1]} : vector<4x64xf32> to vector<2x64xf32>
    %slice3A_448 = vector.extract_strided_slice %max3A_434 {offsets = [2, 0], sizes = [2, 64], strides = [1, 1]} : vector<4x64xf32> to vector<2x64xf32>
    %max3A_449 = arith.maximumf %slice3A_447, %slice3A_448 : vector<2x64xf32>
    %slice3A_450 = vector.extract_strided_slice %max3A_434 {offsets = [0, 0], sizes = [2, 64], strides = [1, 1]} : vector<4x64xf32> to vector<2x64xf32>
    %slice3A_451 = vector.extract_strided_slice %min3A_433 {offsets = [2, 0], sizes = [2, 64], strides = [1, 1]} : vector<4x64xf32> to vector<2x64xf32>
    %max3A_452 = arith.maximumf %slice3A_450, %slice3A_451 : vector<2x64xf32>
    %slice3A_453 = vector.extract_strided_slice %min3A_435 {offsets = [0, 0], sizes = [2, 64], strides = [1, 1]} : vector<4x64xf32> to vector<2x64xf32>
    %slice3A_454 = vector.extract_strided_slice %max3A_432 {offsets = [2, 0], sizes = [2, 64], strides = [1, 1]} : vector<4x64xf32> to vector<2x64xf32>
    %max3A_455 = arith.maximumf %slice3A_453, %slice3A_454 : vector<2x64xf32>
    %slice3A_456 = vector.extract_strided_slice %max3A_436 {offsets = [0, 0], sizes = [2, 64], strides = [1, 1]} : vector<4x64xf32> to vector<2x64xf32>
    %slice3A_457 = vector.extract_strided_slice %min3A_431 {offsets = [2, 0], sizes = [2, 64], strides = [1, 1]} : vector<4x64xf32> to vector<2x64xf32>
    %max3A_458 = arith.maximumf %slice3A_456, %slice3A_457 : vector<2x64xf32>
    %slice3A_459 = vector.extract_strided_slice %min3A_437 {offsets = [0, 0], sizes = [2, 64], strides = [1, 1]} : vector<4x64xf32> to vector<2x64xf32>
    %slice3A_460 = vector.extract_strided_slice %max3A_430 {offsets = [2, 0], sizes = [2, 64], strides = [1, 1]} : vector<4x64xf32> to vector<2x64xf32>
    %max3A_461 = arith.maximumf %slice3A_459, %slice3A_460 : vector<2x64xf32>
    %max3A_462 = arith.maximumf %max3A_440, %max3A_452 : vector<2x64xf32>
    %min3A_463 = arith.minimumf %max3A_440, %max3A_452 : vector<2x64xf32>
    %max3A_464 = arith.maximumf %max3A_443, %max3A_455 : vector<2x64xf32>
    %min3A_465 = arith.minimumf %max3A_443, %max3A_455 : vector<2x64xf32>
    %max3A_466 = arith.maximumf %max3A_446, %max3A_458 : vector<2x64xf32>
    %min3A_467 = arith.minimumf %max3A_446, %max3A_458 : vector<2x64xf32>
    %max3A_468 = arith.maximumf %max3A_449, %max3A_461 : vector<2x64xf32>
    %min3A_469 = arith.minimumf %max3A_449, %max3A_461 : vector<2x64xf32>
    %max3A_470 = arith.maximumf %max3A_462, %max3A_466 : vector<2x64xf32>
    %min3A_471 = arith.minimumf %max3A_462, %max3A_466 : vector<2x64xf32>
    %max3A_472 = arith.maximumf %max3A_464, %max3A_468 : vector<2x64xf32>
    %min3A_473 = arith.minimumf %max3A_464, %max3A_468 : vector<2x64xf32>
    %max3A_474 = arith.maximumf %min3A_463, %min3A_467 : vector<2x64xf32>
    %min3A_475 = arith.minimumf %min3A_463, %min3A_467 : vector<2x64xf32>
    %max3A_476 = arith.maximumf %min3A_465, %min3A_469 : vector<2x64xf32>
    %min3A_477 = arith.minimumf %min3A_465, %min3A_469 : vector<2x64xf32>
    %max3A_478 = arith.maximumf %max3A_470, %max3A_472 : vector<2x64xf32>
    %min3A_479 = arith.minimumf %max3A_470, %max3A_472 : vector<2x64xf32>
    %max3A_480 = arith.maximumf %min3A_471, %min3A_473 : vector<2x64xf32>
    %min3A_481 = arith.minimumf %min3A_471, %min3A_473 : vector<2x64xf32>
    %max3A_482 = arith.maximumf %max3A_474, %max3A_476 : vector<2x64xf32>
    %min3A_483 = arith.minimumf %max3A_474, %max3A_476 : vector<2x64xf32>
    %max3A_484 = arith.maximumf %min3A_475, %min3A_477 : vector<2x64xf32>
    %min3A_485 = arith.minimumf %min3A_475, %min3A_477 : vector<2x64xf32>
    %slice3A_486 = vector.extract_strided_slice %max3A_478 {offsets = [0, 0], sizes = [1, 64], strides = [1, 1]} : vector<2x64xf32> to vector<1x64xf32>
    %slice3A_487 = vector.extract_strided_slice %min3A_485 {offsets = [1, 0], sizes = [1, 64], strides = [1, 1]} : vector<2x64xf32> to vector<1x64xf32>
    %max3A_488 = arith.maximumf %slice3A_486, %slice3A_487 : vector<1x64xf32>
    %slice3A_489 = vector.extract_strided_slice %min3A_479 {offsets = [0, 0], sizes = [1, 64], strides = [1, 1]} : vector<2x64xf32> to vector<1x64xf32>
    %slice3A_490 = vector.extract_strided_slice %max3A_484 {offsets = [1, 0], sizes = [1, 64], strides = [1, 1]} : vector<2x64xf32> to vector<1x64xf32>
    %max3A_491 = arith.maximumf %slice3A_489, %slice3A_490 : vector<1x64xf32>
    %slice3A_492 = vector.extract_strided_slice %max3A_480 {offsets = [0, 0], sizes = [1, 64], strides = [1, 1]} : vector<2x64xf32> to vector<1x64xf32>
    %slice3A_493 = vector.extract_strided_slice %min3A_483 {offsets = [1, 0], sizes = [1, 64], strides = [1, 1]} : vector<2x64xf32> to vector<1x64xf32>
    %max3A_494 = arith.maximumf %slice3A_492, %slice3A_493 : vector<1x64xf32>
    %slice3A_495 = vector.extract_strided_slice %min3A_481 {offsets = [0, 0], sizes = [1, 64], strides = [1, 1]} : vector<2x64xf32> to vector<1x64xf32>
    %slice3A_496 = vector.extract_strided_slice %max3A_482 {offsets = [1, 0], sizes = [1, 64], strides = [1, 1]} : vector<2x64xf32> to vector<1x64xf32>
    %max3A_497 = arith.maximumf %slice3A_495, %slice3A_496 : vector<1x64xf32>
    %slice3A_498 = vector.extract_strided_slice %max3A_482 {offsets = [0, 0], sizes = [1, 64], strides = [1, 1]} : vector<2x64xf32> to vector<1x64xf32>
    %slice3A_499 = vector.extract_strided_slice %min3A_481 {offsets = [1, 0], sizes = [1, 64], strides = [1, 1]} : vector<2x64xf32> to vector<1x64xf32>
    %max3A_500 = arith.maximumf %slice3A_498, %slice3A_499 : vector<1x64xf32>
    %slice3A_501 = vector.extract_strided_slice %min3A_483 {offsets = [0, 0], sizes = [1, 64], strides = [1, 1]} : vector<2x64xf32> to vector<1x64xf32>
    %slice3A_502 = vector.extract_strided_slice %max3A_480 {offsets = [1, 0], sizes = [1, 64], strides = [1, 1]} : vector<2x64xf32> to vector<1x64xf32>
    %max3A_503 = arith.maximumf %slice3A_501, %slice3A_502 : vector<1x64xf32>
    %slice3A_504 = vector.extract_strided_slice %max3A_484 {offsets = [0, 0], sizes = [1, 64], strides = [1, 1]} : vector<2x64xf32> to vector<1x64xf32>
    %slice3A_505 = vector.extract_strided_slice %min3A_479 {offsets = [1, 0], sizes = [1, 64], strides = [1, 1]} : vector<2x64xf32> to vector<1x64xf32>
    %max3A_506 = arith.maximumf %slice3A_504, %slice3A_505 : vector<1x64xf32>
    %slice3A_507 = vector.extract_strided_slice %min3A_485 {offsets = [0, 0], sizes = [1, 64], strides = [1, 1]} : vector<2x64xf32> to vector<1x64xf32>
    %slice3A_508 = vector.extract_strided_slice %max3A_478 {offsets = [1, 0], sizes = [1, 64], strides = [1, 1]} : vector<2x64xf32> to vector<1x64xf32>
    %max3A_509 = arith.maximumf %slice3A_507, %slice3A_508 : vector<1x64xf32>
    %max3A_510 = arith.maximumf %max3A_488, %max3A_500 : vector<1x64xf32>
    %min3A_511 = arith.minimumf %max3A_488, %max3A_500 : vector<1x64xf32>
    %max3A_512 = arith.maximumf %max3A_491, %max3A_503 : vector<1x64xf32>
    %min3A_513 = arith.minimumf %max3A_491, %max3A_503 : vector<1x64xf32>
    %max3A_514 = arith.maximumf %max3A_494, %max3A_506 : vector<1x64xf32>
    %min3A_515 = arith.minimumf %max3A_494, %max3A_506 : vector<1x64xf32>
    %max3A_516 = arith.maximumf %max3A_497, %max3A_509 : vector<1x64xf32>
    %min3A_517 = arith.minimumf %max3A_497, %max3A_509 : vector<1x64xf32>
    %max3A_518 = arith.maximumf %max3A_510, %max3A_514 : vector<1x64xf32>
    %min3A_519 = arith.minimumf %max3A_510, %max3A_514 : vector<1x64xf32>
    %max3A_520 = arith.maximumf %max3A_512, %max3A_516 : vector<1x64xf32>
    %min3A_521 = arith.minimumf %max3A_512, %max3A_516 : vector<1x64xf32>
    %max3A_522 = arith.maximumf %min3A_511, %min3A_515 : vector<1x64xf32>
    %min3A_523 = arith.minimumf %min3A_511, %min3A_515 : vector<1x64xf32>
    %max3A_524 = arith.maximumf %min3A_513, %min3A_517 : vector<1x64xf32>
    %min3A_525 = arith.minimumf %min3A_513, %min3A_517 : vector<1x64xf32>
    %max3A_526 = arith.maximumf %max3A_518, %max3A_520 : vector<1x64xf32>
    %min3A_527 = arith.minimumf %max3A_518, %max3A_520 : vector<1x64xf32>
    %max3A_528 = arith.maximumf %min3A_519, %min3A_521 : vector<1x64xf32>
    %min3A_529 = arith.minimumf %min3A_519, %min3A_521 : vector<1x64xf32>
    %max3A_530 = arith.maximumf %max3A_522, %max3A_524 : vector<1x64xf32>
    %min3A_531 = arith.minimumf %max3A_522, %max3A_524 : vector<1x64xf32>
    %max3A_532 = arith.maximumf %min3A_523, %min3A_525 : vector<1x64xf32>
    %min3A_533 = arith.minimumf %min3A_523, %min3A_525 : vector<1x64xf32>
    %squeeze3A_534 = vector.shape_cast %max3A_526 : vector<1x64xf32> to vector<64xf32>
    %swap3A = arith.constant 0 : index
    %swap3A_535 = arith.constant 0 : index
    %swap3A_536 = arith.constant 0 : index
    %swap3A_537 = vector.load %arg2[%swap3A, %swap3A_535, %swap3A_536] : memref<1x64x8xf32, #tpu.memory_space<vmem>>, vector<1x64x1xf32>
    %swap3A_538 = vector.shape_cast %swap3A_537 : vector<1x64x1xf32> to vector<64xf32>
    %swap3A_539 = vector.shape_cast %squeeze3A_534 : vector<64xf32> to vector<1x64x1xf32>
    tpu.vector_store %arg2[%swap3A, %swap3A_535, %swap3A_536], %swap3A_539 {strides = array<i32>} : memref<1x64x8xf32, #tpu.memory_space<vmem>>, vector<1x64x1xf32>,
    %squeeze3A_540 = vector.shape_cast %min3A_527 : vector<1x64xf32> to vector<64xf32>
    %swap3A_541 = arith.constant 0 : index
    %swap3A_542 = arith.constant 0 : index
    %swap3A_543 = arith.constant 1 : index
    %swap3A_544 = vector.load %arg2[%swap3A_541, %swap3A_542, %swap3A_543] : memref<1x64x8xf32, #tpu.memory_space<vmem>>, vector<1x64x1xf32>
    %swap3A_545 = vector.shape_cast %swap3A_544 : vector<1x64x1xf32> to vector<64xf32>
    %swap3A_546 = vector.shape_cast %squeeze3A_540 : vector<64xf32> to vector<1x64x1xf32>
    tpu.vector_store %arg2[%swap3A_541, %swap3A_542, %swap3A_543], %swap3A_546 {strides = array<i32>} : memref<1x64x8xf32, #tpu.memory_space<vmem>>, vector<1x64x1xf32>,
    %squeeze3A_547 = vector.shape_cast %max3A_528 : vector<1x64xf32> to vector<64xf32>
    %swap3A_548 = arith.constant 0 : index
    %swap3A_549 = arith.constant 0 : index
    %swap3A_550 = arith.constant 2 : index
    %swap3A_551 = vector.load %arg2[%swap3A_548, %swap3A_549, %swap3A_550] : memref<1x64x8xf32, #tpu.memory_space<vmem>>, vector<1x64x1xf32>
    %swap3A_552 = vector.shape_cast %swap3A_551 : vector<1x64x1xf32> to vector<64xf32>
    %swap3A_553 = vector.shape_cast %squeeze3A_547 : vector<64xf32> to vector<1x64x1xf32>
    tpu.vector_store %arg2[%swap3A_548, %swap3A_549, %swap3A_550], %swap3A_553 {strides = array<i32>} : memref<1x64x8xf32, #tpu.memory_space<vmem>>, vector<1x64x1xf32>,
    %squeeze3A_554 = vector.shape_cast %min3A_529 : vector<1x64xf32> to vector<64xf32>
    %swap3A_555 = arith.constant 0 : index
    %swap3A_556 = arith.constant 0 : index
    %swap3A_557 = arith.constant 3 : index
    %swap3A_558 = vector.load %arg2[%swap3A_555, %swap3A_556, %swap3A_557] : memref<1x64x8xf32, #tpu.memory_space<vmem>>, vector<1x64x1xf32>
    %swap3A_559 = vector.shape_cast %swap3A_558 : vector<1x64x1xf32> to vector<64xf32>
    %swap3A_560 = vector.shape_cast %squeeze3A_554 : vector<64xf32> to vector<1x64x1xf32>
    tpu.vector_store %arg2[%swap3A_555, %swap3A_556, %swap3A_557], %swap3A_560 {strides = array<i32>} : memref<1x64x8xf32, #tpu.memory_space<vmem>>, vector<1x64x1xf32>,
    %squeeze3A_561 = vector.shape_cast %max3A_530 : vector<1x64xf32> to vector<64xf32>
    %swap3A_562 = arith.constant 0 : index
    %swap3A_563 = arith.constant 0 : index
    %swap3A_564 = arith.constant 4 : index
    %swap3A_565 = vector.load %arg2[%swap3A_562, %swap3A_563, %swap3A_564] : memref<1x64x8xf32, #tpu.memory_space<vmem>>, vector<1x64x1xf32>
    %swap3A_566 = vector.shape_cast %swap3A_565 : vector<1x64x1xf32> to vector<64xf32>
    %swap3A_567 = vector.shape_cast %squeeze3A_561 : vector<64xf32> to vector<1x64x1xf32>
    tpu.vector_store %arg2[%swap3A_562, %swap3A_563, %swap3A_564], %swap3A_567 {strides = array<i32>} : memref<1x64x8xf32, #tpu.memory_space<vmem>>, vector<1x64x1xf32>,
    %squeeze3A_568 = vector.shape_cast %min3A_531 : vector<1x64xf32> to vector<64xf32>
    %swap3A_569 = arith.constant 0 : index
    %swap3A_570 = arith.constant 0 : index
    %swap3A_571 = arith.constant 5 : index
    %swap3A_572 = vector.load %arg2[%swap3A_569, %swap3A_570, %swap3A_571] : memref<1x64x8xf32, #tpu.memory_space<vmem>>, vector<1x64x1xf32>
    %swap3A_573 = vector.shape_cast %swap3A_572 : vector<1x64x1xf32> to vector<64xf32>
    %swap3A_574 = vector.shape_cast %squeeze3A_568 : vector<64xf32> to vector<1x64x1xf32>
    tpu.vector_store %arg2[%swap3A_569, %swap3A_570, %swap3A_571], %swap3A_574 {strides = array<i32>} : memref<1x64x8xf32, #tpu.memory_space<vmem>>, vector<1x64x1xf32>,
    %squeeze3A_575 = vector.shape_cast %max3A_532 : vector<1x64xf32> to vector<64xf32>
    %swap3A_576 = arith.constant 0 : index
    %swap3A_577 = arith.constant 0 : index
    %swap3A_578 = arith.constant 6 : index
    %swap3A_579 = vector.load %arg2[%swap3A_576, %swap3A_577, %swap3A_578] : memref<1x64x8xf32, #tpu.memory_space<vmem>>, vector<1x64x1xf32>
    %swap3A_580 = vector.shape_cast %swap3A_579 : vector<1x64x1xf32> to vector<64xf32>
    %swap3A_581 = vector.shape_cast %squeeze3A_575 : vector<64xf32> to vector<1x64x1xf32>
    tpu.vector_store %arg2[%swap3A_576, %swap3A_577, %swap3A_578], %swap3A_581 {strides = array<i32>} : memref<1x64x8xf32, #tpu.memory_space<vmem>>, vector<1x64x1xf32>,
    %squeeze3A_582 = vector.shape_cast %min3A_533 : vector<1x64xf32> to vector<64xf32>
    %swap3A_583 = arith.constant 0 : index
    %swap3A_584 = arith.constant 0 : index
    %swap3A_585 = arith.constant 7 : index
    %swap3A_586 = vector.load %arg2[%swap3A_583, %swap3A_584, %swap3A_585] : memref<1x64x8xf32, #tpu.memory_space<vmem>>, vector<1x64x1xf32>
    %swap3A_587 = vector.shape_cast %swap3A_586 : vector<1x64x1xf32> to vector<64xf32>
    %swap3A_588 = vector.shape_cast %squeeze3A_582 : vector<64xf32> to vector<1x64x1xf32>
    tpu.vector_store %arg2[%swap3A_583, %swap3A_584, %swap3A_585], %swap3A_588 {strides = array<i32>} : memref<1x64x8xf32, #tpu.memory_space<vmem>>, vector<1x64x1xf32>,
    return
  }
  func.func @transform_0(%arg0: i32) -> (i32, i32, i32) {
    %add3A = arith.constant 96 : i32
    %add3A_0 = arith.addi %arg0, %add3A : i32
    %c0_i32 = arith.constant 0 : i32
    %c0_i32_1 = arith.constant 0 : i32
    %c0_i32_2 = arith.constant 0 : i32
    return %add3A_0, %c0_i32, %c0_i32_1 : i32, i32, i32
  }
  func.func @transform_1(%arg0: i32) -> (i32, i32, i32) {
    %c0_i32 = arith.constant 0 : i32
    %c0_i32_0 = arith.constant 0 : i32
    %c0_i32_1 = arith.constant 0 : i32
    return %arg0, %c0_i32, %c0_i32_0 : i32, i32, i32
  }
}

</mosaic_0001>

<sc_bundles>
// kernel: kernel.4.cloned.1.call-start
scs
__scs_entry_jumppad:
0x0: {  	(pc) =	sbr.rel $0x88, $3  }
0x1: {  	(tag) =	ssettag $0x0;
	lr =	simm.s32 $0x1  }
0x2: {  	[smem:$0x3FA0] =	sst lr;
	_ =	strace $0xD0000000  }
0x3: {  	_ = 	snop  }
0x4: {  	_ = 	snop  }
0x5: {  	_ = 	snop  }
0x6: {  	_ = 	snop  }
0x7: {  	_ = 	snop  }
__scs_overlays_trampoline_lowered:
0x8: {  	[smem:$0x3FAF] =	sst s0  }
0x9: {  	[smem:$0x3FB0] =	sst s1  }
0xa: {  	[smem:$0x3FB1] =	sst s2  }
0xb: {  	[smem:$0x3FB2] =	sst s3  }
0xc: {  	[smem:$0x3FB3] =	sst s4  }
0xd: {  	[smem:$0x3FB4] =	sst s5  }
0xe: {  	[smem:$0x3FB5] =	sst s6  }
0xf: {  	[smem:$0x3FB6] =	sst s7  }
0x10: {  	[smem:$0x3FB7] =	sst s8  }
0x11: {  	[smem:$0x3FB8] =	sst s9;
	s0 =	simm.s32 @!p0 $0x0  }
0x12: {  	s1 =	sld [smem:$0x3F9E];
	s0 =	simm.s32 @p0 $0x1  }
0x13: {  	[smem:$0x3FB9] =	sst s0;
	s0 =	simm.s32 @!p1 $0x0  }
0x14: {  	s2 =	sld [smem:$0x3F9D];
	s0 =	simm.s32 @p1 $0x1  }
0x15: {  	[smem:$0x3FBA] =	sst s0;
	s0 =	simm.s32 @!p2 $0x0  }
0x16: {  	s3 =	sld [smem:$0x3FDB];
	s0 =	simm.s32 @p2 $0x1  }
0x17: {  	s4 =	simm.s32 $0x1BF5;
	[smem:$0x3FBC] =	sst s0  }
0x18: {  	s0 =	sld [smem:$0x3F9F];
	_ =	swait.ge [sflag:s4], $0x0  }
0x19: {  	s7 =	sld [smem:$0x3FA0]  }
0x1a: {  	s8 =	sadd.s32 $0xFFFFE003, lr  }
0x1b: {  	s9 =	sadd.s32 $0xFFFFFEF7, lr;
	s5 =	simm.s32 $0xFFFFFFFF;
	p2 =	slt.u32 s8, $0xFFFFF086  }
0x1c: {  	p1 =	slt.u32 s9, $0xF7A;
	s5 =	simm.s32 @!p2 $0x0  }
0x1d: {  	s5 =	simm.s32 @p1 $0x1;
	p0 =	seq.s32 s7, s2  }
0x1e: {  	s7 =	smul.u32 @!p0 $0xF7A, s2;
	p2 =	seq.s32 @!p0 s5, $0x0  }
0x1f: {  	s9 =	smul.u32 $0xF7A, s1;
	s8 =	simm.s32 @!p0 $0x1BF5;
	p2 =	por !p2, p0  }
0x20: {  	[sflag:s8] =	ssyncset.s32 @!p0 $0xFFFFF086;
	s6 =	sadd.s32 @!p0 s3, s7;
	s7 =	simm.s32 @!p0 $0x108  }
0x21: {  	s3 =	sadd.s32 s3, s9;
	s6 =	sadd.s32 @!p0 $0x88, s6;
	s7 =	simm.s32 @p2 $0x1082  }
0x22: {  	[simem:s7], [sflag:s8] =	dma.local @!p0 [hbm:s6], $0xF7A  }
0x23: {  	s9 =	sor.u32 $0xD0000000, s2;
	s6 =	simm.s32 $0x108;
	_ =	swait.ge @!p0 [sflag:s8], $0x0  }
0x24: {  	s3 =	sadd.s32 $0x88, s3;
	s6 =	simm.s32 @!p1 $0x1082;
	[sflag:s4] =	ssyncset.s32 $0xFFFFF086  }
0x25: {  	[simem:s6], [sflag:s4] =	dma.local [hbm:s3], $0xF7A  }
0x26: {  	[smem:$0x3FA0] =	sst s1;
	(tag) =	ssettag s2;
	_ =	strace s9  }
0x27: {  	s1 =	sld [smem:$0x3FB0]  }
0x28: {  	s2 =	sld [smem:$0x3FB1]  }
0x29: {  	s4 =	sld [smem:$0x3FB3]  }
0x2a: {  	p0 =	seq.s32 s5, $0x0;
	s5 =	sld [smem:$0x3FB4]  }
0x2b: {  	s6 =	sld [smem:$0x3FB5]  }
0x2c: {  	s7 =	sld [smem:$0x3FB6]  }
0x2d: {  	s3 =	simm.s32 $0x108;
	s8 =	sld [smem:$0x3FB7]  }
0x2e: {  	s3 =	simm.s32 @!p0 $0x1082;
	s9 =	sld [smem:$0x3FB8]  }
0x2f: {  	lr =	sadd.s32 s0, s3;
	s0 =	sld [smem:$0x3FAF]  }
0x30: {  	s3 =	sld [smem:$0x3FB2]  }
0x31: {  	[smem:$0x3FBB] =	sst s10  }
0x32: {  	s10 =	sld [smem:$0x3FB9];
	_ =	sdelay $0x3  }
0x33: {  	p0 =	seq.s32 s10, $0x1;
	s10 =	sld [smem:$0x3FBB];
	_ =	sdelay $0x3  }
0x34: {  	[smem:$0x3FBB] =	sst s10  }
0x35: {  	s10 =	sld [smem:$0x3FBA];
	_ =	sdelay $0x3  }
0x36: {  	p1 =	seq.s32 s10, $0x1;
	s10 =	sld [smem:$0x3FBB];
	_ =	sdelay $0x3  }
0x37: {  	[smem:$0x3FBB] =	sst s10  }
0x38: {  	s10 =	sld [smem:$0x3FBC]  }
0x39: {  	_ = 	snop;
	(pc) =	sbr.ind lr, $3  }
0x3a: {  	_ = 	snop  }
0x3b: {  	_ = 	snop  }
0x3c: {  	p2 =	seq.s32 s10, $0x1;
	s10 =	sld [smem:$0x3FBB]  }
0x3d: {  	_ =	shalt  }
0x3e: {  	_ =	shalt  }
0x3f: {  	_ =	shalt  }
0x40: {  	_ =	shalt  }
0x41: {  	_ =	shalt  }
0x42: {  	_ =	shalt  }
0x43: {  	_ =	shalt  }
0x44: {  	_ =	shalt  }
0x45: {  	_ =	shalt  }
0x46: {  	_ =	shalt  }
0x47: {  	_ =	shalt  }
0x48: {  	_ =	shalt  }
0x49: {  	_ =	shalt  }
0x4a: {  	_ =	shalt  }
0x4b: {  	_ =	shalt  }
0x4c: {  	_ =	shalt  }
0x4d: {  	_ =	shalt  }
0x4e: {  	_ =	shalt  }
0x4f: {  	_ =	shalt  }
0x50: {  	_ =	shalt  }
0x51: {  	_ =	shalt  }
0x52: {  	_ =	shalt  }
0x53: {  	_ =	shalt  }
0x54: {  	_ =	shalt  }
0x55: {  	_ =	shalt  }
0x56: {  	_ =	shalt  }
0x57: {  	_ =	shalt  }
0x58: {  	_ =	shalt  }
0x59: {  	_ =	shalt  }
0x5a: {  	_ =	shalt  }
0x5b: {  	_ =	shalt  }
0x5c: {  	_ =	shalt  }
0x5d: {  	_ =	shalt  }
0x5e: {  	_ =	shalt  }
0x5f: {  	_ =	shalt  }
0x60: {  	_ =	shalt  }
0x61: {  	_ =	shalt  }
0x62: {  	_ =	shalt  }
0x63: {  	_ =	shalt  }
0x64: {  	_ =	shalt  }
0x65: {  	_ =	shalt  }
0x66: {  	_ =	shalt  }
0x67: {  	_ =	shalt  }
0x68: {  	_ =	shalt  }
0x69: {  	_ =	shalt  }
0x6a: {  	_ =	shalt  }
0x6b: {  	_ =	shalt  }
0x6c: {  	_ =	shalt  }
0x6d: {  	_ =	shalt  }
0x6e: {  	_ =	shalt  }
0x6f: {  	_ =	shalt  }
0x70: {  	_ =	shalt  }
0x71: {  	_ =	shalt  }
0x72: {  	_ =	shalt  }
0x73: {  	_ =	shalt  }
0x74: {  	_ =	shalt  }
0x75: {  	_ =	shalt  }
0x76: {  	_ =	shalt  }
0x77: {  	_ =	shalt  }
0x78: {  	_ =	shalt  }
0x79: {  	_ =	shalt  }
0x7a: {  	_ =	shalt  }
0x7b: {  	_ =	shalt  }
0x7c: {  	_ =	shalt  }
0x7d: {  	_ =	shalt  }
0x7e: {  	_ =	shalt  }
0x7f: {  	_ =	shalt  }
0x80: {  	_ =	shalt  }
0x81: {  	_ =	shalt  }
0x82: {  	_ =	shalt  }
0x83: {  	_ =	shalt  }
0x84: {  	_ =	shalt  }
0x85: {  	_ =	shalt  }
0x86: {  	_ =	shalt  }
0x87: {  	_ =	shalt  }
.Lfunc_end0:
.L_simem_size_0:
called_computation_lowered:
.L_overlay_start_0:
0x88: {  	s2 =	sld [smem:$0x3FD9]  }
0x89: {  	s3 =	sld [smem:$0x3FFE];
	_ =	sdelay $0x1  }
0x8a: {  	s1 =	srdreg.scid  }
0x8b: {  	s0 =	sand.u32 $0x1, s1  }
0x8c: {  	s17 =	sshll.u32 s0, $0xA;
	s2 =	sadd.s32 s3, s2  }
0x8d: {  	s2 =	sadd.s32 s2, s17  }
0x8e: {  	[smem:$0x3FC7] =	sst s2  }
0x8f: {  	_ = 	snop  }
0x90: {  	s2 =	sld [smem:$0x3FD0];
	(tm) =	ssettm $0x1  }
0x91: {  	s18 =	sld [smem:$0x3FFB];
	_ =	sdelay $0x3  }
0x92: {  	_ =	strace s18  }
0x93: {  	s3 =	sld [smem:$0x3FFC];
	_ =	sdelay $0x3  }
0x94: {  	_ =	strace s3  }
0x95: {  	s3 =	sld [smem:$0x3FFD];
	_ =	sdelay $0x3  }
0x96: {  	_ =	strace s3  }
0x97: {  	_ =	strace $0x8FFFFFFF  }
0x98: {  	s19 =	sld [smem:$0x3FDB];
	_ =	sdelay $0x1  }
0x99: {  	s4 =	simm.s32 $_scs_section_size  }
0x9a: {  	s5 =	simm.s32 $_size__tile_overlayer_lowered;
	s6 =	simm.s32 $_tile_overlayer_lowered  }
0x9b: {  	s22 =	simm.s32 $0x1BFF;
	s21 =	sshll.u32 s6, $0x1;
	s3 =	sadd.s32 s4, s19  }
0x9c: {  	s7 =	simm.s32 $0x0;
	s20 =	sshll.u32 s5, $0x1;
	s5 =	sadd.s32 s21, s3  }
0x9d: {  	[timem:s7], [sflag:s22] =	dma.local [hbm:s5], s20  }
0x9e: {  	_ =	swait.ge [sflag:s22], s20  }
0x9f: {  	s4 =	ssub.s32 $0x0, s20;
	[sflag:s22] =	ssyncset.done $0x0  }
0xa0: {  	[sflag:s22] =	ssyncadd.s32 s4;
	_ =	sdelay $0x1  }
0xa1: {  	s23 =	simm.s32 $0x1B8B  }
0xa2: {  	_ =	swait.ge [sflag:s23], $0x1  }
0xa3: {  	[sflag:s23] =	ssyncset.done $0x0  }
0xa4: {  	s25 =	simm.s32 $0x1B8E;
	s24 =	sld [smem:$0x3FFE];
	[sflag:s23] =	ssyncadd.s32 $0xFFFFFFFF  }
0xa5: {  	s26 =	simm.s32 $execute0_lowered;
	[smem:$0x3FD2] =	sst s25  }
0xa6: {  	s5 =	sshll.u32 s26, $0x1;
	_ =	strace $0x80000046;
	[dreg:$0x1] =	wrdreg $0xFFFFFFFF  }
0xa7: {  	s28 =	simm.s32 $_size_execute0_lowered;
	s3 =	sadd.s32 s3, s5;
	[dreg:$0x0] =	wrdreg $0x0  }
0xa8: {  	s5 =	sshll.u32 s28, $0x1;
	[dreg:$0x2] =	wrdreg s3  }
0xa9: {  	[dreg:$0x3] =	wrdreg s5  }
0xaa: {  	[dreg:$0x4] =	wrdreg $0xC0  }
0xab: {  	_ =	task [dreg:s7], $0x5FFFF  }
0xac: {  	[dreg:$0x1] =	wrdreg $0xFFFFFFFF  }
0xad: {  	[dreg:$0x0] =	wrdreg $0x60  }
0xae: {  	[dreg:$0x2] =	wrdreg s24  }
0xaf: {  	[dreg:$0x3] =	wrdreg s2  }
0xb0: {  	[dreg:$0x4] =	wrdreg $0x9  }
0xb1: {  	_ =	task.clear_ibuf [dreg:s7], $0x5FFFF;
	_ =	strace $0x90000046  }
0xb2: {  	s29 =	simm.s32 $0x9;
	_ =	strace $0x80000048  }
0xb3: {  	_ =	swait.ge [sflag:s29], $0x1  }
0xb4: {  	[sflag:s29] =	ssyncadd.s32 $0xFFFFFFFF  }
0xb5: {  	_ =	strace $0x90000048  }
0xb6: {  	_ =	sfence  }
0xb7: {  	s30 =	sld [smem:$0x0];
	_ =	sdelay $0x2  }
0xb8: {  	s31 =	sshll.u32 s1, $0xD;
	s1 =	sshrl.u32 s1, $0x2  }
0xb9: {  	s3 =	sand.u32 $0x4000, s31;
	s1 =	sadd.s32 s1, s30  }
0xba: {  	s0 =	sor.u32 s3, s0;
	s1 =	sshll.u32 s1, $0x11  }
0xbb: {  	s0 =	sor.u32 s1, s0  }
0xbc: {  	s0 =	sadd.s32 $0x8F2B, s0  }
0xbd: {  	[sflag:s0] =	ssyncadd.remote.s32 $0x1  }
0xbe: {  	_ =	sfence.sel $0xFFFF  }
0xbf: {  	[dreg:$0x0] =	wrdreg $0xFFFFFFFF;
	(pc) =	sbr.abs _section_cstart, $3  }
0xc0: {  	[dreg:$0x1] =	wrdreg $0xFFFFFFFF  }
0xc1: {  	_ =	task.clear_ibuf [dreg:s7], $0x2FFFF;
	_ =	strace $0x9FFFFFFF  }
0xc2: {  	(tm) =	ssettm $0x7FFFFFFF  }
0xc3: {  	_ =	shalt  }
tec
execute0_lowered:
.L_overlay_start_1:
0x0: {  	(tag) =	ssettag $0x1  }
0x1: {  	s4 =	rddreg [dreg:$0x0]  }
0x2: {  	s1 =	rddreg [dreg:$0x1]  }
0x3: {  	s2 =	srdreg.scid;
	s0 =	rddreg [dreg:$0x2];
	s3 =	simm.s32 $0x0  }
0x4: {  	s9 =	simm.s32 $0x2;
	s10 =	simm.s32 $0x10000;
	s11 =	simm.s32 $0x3  }
0x5: {  	s12 =	simm.s32 $0x0;
	s5 =	sand.u32 $0x1, s2;
	s2 =	stileid.u32  }
0x6: {  	v0 =	vlaneseq.u32;
	[smem:$0x7FF] =	sst s3;
	s4 =	sadd.s32 $0x400, s4;
	s6 =	ssub.s32 $0x2, s5  }
0x7: {  	v0 =	vmul.u32 $0x8, v0;
	s8 =	sshll.u32 s2, $0x1;
	_ =	strace $0x80000047;
	s7 =	sshrl.u32 s6, $0x1  }
0x8: {  	s5 =	sor.u32 s5, s8;
	s8 =	simm.s32 $0x8000;
	s6 =	ssub.s32 s6, s7  }
0x9: {  	[tilespmem:$0x1FFF0] =	vst v0;
	s5 =	smul.u32 $0x3, s5;
	s7 =	simm.s32 $0x1;
	s6 =	smax.u32 s6, $0x1  }
.LBB2_1:
0xa: {  	s13 =	simm.s32 $0x0  }
.LBB2_2:
0xb: {  	v39 =	vimm.f32 $-Inf;
	v0 =	vimm.f32 $-Inf  }
0xc: {  	v19 =	vimm.f32 $-Inf;
	v20 =	vimm.f32 $-Inf;
	v36 =	vimm.f32 $-Inf  }
0xd: {  	v40 =	vimm.f32 $-Inf;
	v42 =	vimm.f32 $-Inf;
	v43 =	vimm.f32 $-Inf  }
0xe: {  	v46 =	vimm.f32 $-Inf;
	v12 =	vimm.f32 $-Inf;
	v11 =	vimm.f32 $-Inf  }
0xf: {  	v15 =	vimm.f32 $-Inf;
	v37 =	vimm.f32 $-Inf;
	v18 =	vimm.f32 $-Inf  }
0x10: {  	s14 =	sadd.s32 s5, s13;
	v26 =	vimm.f32 $-Inf;
	v17 =	vimm.f32 $-Inf;
	v63 =	vimm.f32 $-Inf  }
0x11: {  	v13 =	vimm.f32 $-Inf;
	v14 =	vimm.f32 $-Inf;
	v7 =	vimm.f32 $-Inf;
	s15 =	sshll.u32 s14, $0x11  }
0x12: {  	v10 =	vimm.f32 $-Inf;
	v29 =	vimm.f32 $-Inf;
	v9 =	vimm.f32 $-Inf;
	s16 =	sadd.s32 s4, s15;
	s15 =	simm.s32 $0x0  }
0x13: {  	v16 =	vimm.f32 $-Inf;
	v6 =	vimm.f32 $-Inf;
	v21 =	vimm.f32 $-Inf;
	[tilespmem:s15], [sflag:$0x1] =	stream.linear.gather [hbm4b:s16+s15], $0x8000, $0x38;
	[tilespmem:$0x10200] =	vst v63  }
0x14: {  	v22 =	vimm.f32 $-Inf;
	v24 =	vimm.f32 $-Inf;
	v8 =	vimm.f32 $-Inf;
	[tilespmem:$0x1FFD0] =	vst v0;
	s16 =	sshll.u32 s14, $0x14  }
0x15: {  	v25 =	vimm.f32 $-Inf;
	v27 =	vimm.f32 $-Inf;
	v28 =	vimm.f32 $-Inf;
	s18 =	simm.s32 $0x0;
	[tilespmem:$0x1FFE0] =	vst v63;
	s17 =	sor.u32 $0x10000, s16  }
.LBB2_3:
0x16: {  	[tilespmem:$0x1FF80] =	vst v16  }
0x17: {  	[tilespmem:$0x1FF90] =	vst v9  }
0x18: {  	[tilespmem:$0x1FFC0] =	vst v37  }
0x19: {  	[tilespmem:$0x1FFB0] =	vst v15  }
0x1a: {  	[tilespmem:$0x1FF50] =	vst v22  }
0x1b: {  	[tilespmem:$0x1FF60] =	vst v21  }
0x1c: {  	[tilespmem:$0x1FFA0] =	vst v7  }
0x1d: {  	[tilespmem:$0x1FEF0] =	vst v40  }
0x1e: {  	[tilespmem:$0x1FF00] =	vst v20  }
0x1f: {  	[tilespmem:$0x1FF10] =	vst v36  }
0x20: {  	[tilespmem:$0x1FF20] =	vst v39  }
0x21: {  	[tilespmem:$0x1FF30] =	vst v43;
	s19 =	sshll.u32 s18, $0x10  }
0x22: {  	[tilespmem:$0x1FF40] =	vst v19;
	s20 =	sor.u32 s19, s16  }
0x23: {  	_ =	swait.ge [sflag:s7], $0x8000;
	s20 =	sshrl.u32 s20, $0x3  }
0x24: {  	[sflag:s7] =	ssyncset.done $0x0;
	s20 =	sadd.s32 s20, s4  }
0x25: {  	s31 =	simm.s32 $0x0;
	[sflag:s7] =	ssyncadd.s32 $0xFFFF8000;
	s20 =	sadd.s32 $0x1000, s20  }
0x26: {  	[tilespmem:s8], [sflag:$0x2] =	stream.linear.gather [hbm4b:s20+s15], $0x8000, $0x38;
	[tilespmem:$0x10200] =	vst v63  }
0x27: {  	v19 =	vld [tilespmem:s31+$0x0]  }
0x28: {  	v21 =	vld [tilespmem:s31+$0x80]  }
0x29: {  	v22 =	vld [tilespmem:s31+$0x100]  }
0x2a: {  	v23 =	vld [tilespmem:s31+$0x180]  }
0x2b: {  	v30 =	vld [tilespmem:s31+$0x200]  }
0x2c: {  	v31 =	vld [tilespmem:s31+$0x280]  }
0x2d: {  	v32 =	vld [tilespmem:s31+$0x300]  }
0x2e: {  	v35 =	vld [tilespmem:s31+$0x380]  }
0x2f: {  	v41 =	vld [tilespmem:s31+$0x10]  }
0x30: {  	v39 =	vld [tilespmem:s31+$0x90]  }
0x31: {  	v36 =	vld [tilespmem:s31+$0x110]  }
0x32: {  	v44 =	vld [tilespmem:s31+$0x190]  }
0x33: {  	v45 =	vld [tilespmem:s31+$0x210]  }
0x34: {  	v37 =	vld [tilespmem:s31+$0x290]  }
0x35: {  	v47 =	vld [tilespmem:s31+$0x310]  }
0x36: {  	v48 =	vld [tilespmem:s31+$0x390]  }
0x37: {  	v49 =	vld [tilespmem:s31+$0x20]  }
0x38: {  	v50 =	vld [tilespmem:s31+$0xA0]  }
0x39: {  	v51 =	vld [tilespmem:s31+$0x120]  }
0x3a: {  	v52 =	vld [tilespmem:s31+$0x1A0]  }
0x3b: {  	v53 =	vld [tilespmem:s31+$0x220]  }
0x3c: {  	v54 =	vld [tilespmem:s31+$0x2A0]  }
0x3d: {  	v55 =	vld [tilespmem:s31+$0x320]  }
0x3e: {  	v56 =	vld [tilespmem:s31+$0x3A0]  }
0x3f: {  	v57 =	vld [tilespmem:s31+$0x30];
	v59 =	vmax.f32 v19, v21;
	v0 =	vmin.f32 v19, v21;
	v60 =	vmax.f32 v22, v23  }
0x40: {  	v58 =	vld [tilespmem:s31+$0xB0];
	v22 =	vmin.f32 v22, v23;
	v23 =	vmax.f32 v30, v31;
	v30 =	vmin.f32 v30, v31  }
0x41: {  	v38 =	vld [tilespmem:s31+$0x230];
	v31 =	vmax.f32 v32, v35;
	v32 =	vmin.f32 v32, v35;
	v62 =	vmax.f32 v41, v39  }
0x42: {  	v7 =	vmovc v42;
	v63 =	vld [tilespmem:s31+$0x2B0];
	v41 =	vmin.f32 v41, v39;
	v42 =	vmax.f32 v36, v44;
	v43 =	vmin.f32 v36, v44  }
0x43: {  	v44 =	vmax.f32 v45, v37;
	v45 =	vmin.f32 v45, v37;
	v19 =	vmax.f32 v47, v48  }
0x44: {  	v47 =	vmin.f32 v47, v48;
	v48 =	vmax.f32 v49, v50;
	v49 =	vmin.f32 v49, v50  }
0x45: {  	v50 =	vmax.f32 v51, v52;
	v51 =	vmin.f32 v51, v52;
	v52 =	vmax.f32 v53, v54  }
0x46: {  	v3 =	vmovc v46;
	v53 =	vmin.f32 v53, v54;
	v54 =	vmax.f32 v55, v56;
	v55 =	vmin.f32 v55, v56  }
0x47: {  	v4 =	vmovc v18;
	v56 =	vmax.f32 v57, v58;
	v57 =	vmin.f32 v57, v58;
	v35 =	vmin.f32 v38, v63  }
0x48: {  	v16 =	vmovc v14;
	v61 =	vld [tilespmem:s31+$0x1B0];
	v46 =	vmax.f32 v59, v60;
	v33 =	vmin.f32 v0, v22;
	v34 =	vmax.f32 v23, v31  }
0x49: {  	v14 =	vmovc v25;
	v40 =	vld [tilespmem:s31+$0x330];
	v36 =	vmin.f32 v30, v32;
	v37 =	vmax.f32 v62, v42;
	v39 =	vmax.f32 v44, v19  }
0x4a: {  	v2 =	vmovc v26;
	v21 =	vld [tilespmem:s31+$0x130];
	v20 =	vmax.f32 v48, v50;
	v25 =	vmin.f32 v49, v51;
	v26 =	vmax.f32 v52, v54  }
0x4b: {  	v5 =	vmovc v27;
	v18 =	vld [tilespmem:s31+$0x3B0];
	v27 =	vmin.f32 v53, v55;
	v59 =	vmin.f32 v59, v60;
	v60 =	vmax.f32 v0, v22  }
0x4c: {  	v23 =	vmin.f32 v23, v31;
	v30 =	vmax.f32 v30, v32;
	v32 =	vmin.f32 v62, v42  }
0x4d: {  	v42 =	vmin.f32 v44, v19;
	v44 =	vmin.f32 v48, v50;
	v48 =	vmax.f32 v53, v55  }
0x4e: {  	v55 =	vmax.f32 v46, v34;
	v31 =	vmax.f32 v20, v26;
	v34 =	vmin.f32 v46, v34  }
0x4f: {  	v20 =	vmin.f32 v20, v26;
	v58 =	vmax.f32 v21, v61;
	v21 =	vmin.f32 v21, v61  }
0x50: {  	v1 =	vmovc v28;
	v61 =	vmax.f32 v38, v63;
	v63 =	vmax.f32 v40, v18;
	v18 =	vmin.f32 v40, v18  }
0x51: {  	v15 =	vmovc v13;
	v38 =	vmin.f32 v41, v43;
	v40 =	vmin.f32 v45, v47;
	v41 =	vmax.f32 v41, v43  }
0x52: {  	v13 =	vmovc v24;
	v43 =	vmax.f32 v45, v47;
	v45 =	vmax.f32 v49, v51;
	v47 =	vmin.f32 v52, v54  }
0x53: {  	v9 =	vmovc v29;
	v28 =	vmax.f32 v56, v58;
	v24 =	vmin.f32 v57, v21;
	v29 =	vmax.f32 v61, v63  }
0x54: {  	v0 =	vmin.f32 v35, v18;
	v62 =	vmin.f32 v56, v58;
	v21 =	vmax.f32 v57, v21  }
0x55: {  	v63 =	vmin.f32 v61, v63;
	v18 =	vmax.f32 v35, v18;
	v56 =	vmin.f32 v33, v36  }
0x56: {  	v57 =	vmax.f32 v37, v39;
	v58 =	vmin.f32 v38, v40;
	v35 =	vmin.f32 v25, v27  }
0x57: {  	v33 =	vmax.f32 v33, v36;
	v36 =	vmin.f32 v37, v39;
	v37 =	vmax.f32 v38, v40  }
0x58: {  	v25 =	vmax.f32 v25, v27;
	v27 =	vmin.f32 v60, v59;
	v38 =	vmin.f32 v43, v42  }
0x59: {  	v39 =	vmax.f32 v45, v44;
	v40 =	vmin.f32 v45, v44;
	v19 =	vmax.f32 v28, v29  }
0x5a: {  	v22 =	vmin.f32 v24, v0;
	v26 =	vmin.f32 v28, v29;
	v0 =	vmax.f32 v24, v0  }
0x5b: {  	v24 =	vmax.f32 v60, v59;
	v28 =	vmax.f32 v30, v23;
	v23 =	vmin.f32 v30, v23  }
0x5c: {  	v29 =	vmax.f32 v41, v32;
	v30 =	vmin.f32 v41, v32;
	v32 =	vmax.f32 v43, v42  }
0x5d: {  	v41 =	vmax.f32 v48, v47;
	v42 =	vmin.f32 v48, v47;
	v43 =	vmax.f32 v21, v62  }
0x5e: {  	v21 =	vmin.f32 v21, v62;
	v44 =	vmax.f32 v18, v63;
	v18 =	vmin.f32 v18, v63  }
0x5f: {  	v45 =	vmax.f32 v24, v28;
	v46 =	vmin.f32 v27, v23;
	v47 =	vmax.f32 v29, v32  }
0x60: {  	v48 =	vmin.f32 v30, v38;
	v54 =	vmin.f32 v40, v42;
	v60 =	vmin.f32 v21, v18  }
0x61: {  	v24 =	vmin.f32 v24, v28;
	v23 =	vmax.f32 v27, v23;
	v27 =	vmin.f32 v29, v32  }
0x62: {  	v28 =	vmax.f32 v30, v38;
	v29 =	vmin.f32 v39, v41;
	v30 =	vmax.f32 v40, v42  }
0x63: {  	v50 =	vmin.f32 v43, v44;
	v18 =	vmax.f32 v21, v18;
	v42 =	vmax.f32 v23, v34  }
0x64: {  	v21 =	vmin.f32 v23, v34;
	v23 =	vmax.f32 v33, v24;
	v24 =	vmin.f32 v33, v24  }
0x65: {  	v51 =	vmax.f32 v28, v36;
	v53 =	vmax.f32 v30, v20;
	v20 =	vmin.f32 v30, v20  }
0x66: {  	v30 =	vmax.f32 v25, v29;
	v25 =	vmin.f32 v25, v29;
	v29 =	vmax.f32 v18, v26  }
0x67: {  	v18 =	vmin.f32 v18, v26;
	v26 =	vmax.f32 v0, v50;
	v0 =	vmin.f32 v0, v50  }
0x68: {  	v38 =	vmax.f32 v23, v21;
	v21 =	vmin.f32 v23, v21;
	v23 =	vmax.f32 v24, v46  }
0x69: {  	v24 =	vmin.f32 v24, v46;
	v61 =	vmax.f32 v47, v51;
	v33 =	vmin.f32 v47, v51  }
0x6a: {  	v46 =	vmax.f32 v0, v60;
	v47 =	vmin.f32 v0, v60;
	v0 =	vmax.f32 v1, v56;
	v1 =	vld [tilespmem:$0x1FF50]  }
0x6b: {  	v49 =	vmax.f32 v39, v41;
	v59 =	vmax.f32 v43, v44  }
0x6c: {  	v28 =	vmin.f32 v28, v36;
	v52 =	vmax.f32 v37, v27;
	v27 =	vmin.f32 v37, v27  }
0x6d: {  	v37 =	vmax.f32 v45, v42;
	v32 =	vmin.f32 v45, v42;
	v40 =	vmax.f32 v52, v28  }
0x6e: {  	v34 =	vmin.f32 v52, v28;
	v41 =	vmax.f32 v27, v48;
	v62 =	vmin.f32 v27, v48  }
0x6f: {  	v51 =	vmax.f32 v30, v20;
	v52 =	vmin.f32 v30, v20;
	v30 =	vmax.f32 v1, v32;
	v1 =	vld [tilespmem:$0x1FF60]  }
0x70: {  	v48 =	vmax.f32 v49, v53;
	v50 =	vmin.f32 v49, v53;
	v53 =	vmax.f32 v25, v54  }
0x71: {  	v54 =	vmin.f32 v25, v54;
	v42 =	vmax.f32 v59, v29;
	v43 =	vmin.f32 v59, v29  }
0x72: {  	v44 =	vmax.f32 v26, v18;
	v45 =	vmin.f32 v26, v18;
	v18 =	vmax.f32 v5, v24  }
0x73: {  	v24 =	vmax.f32 v6, v55;
	v5 =	vmovc v10;
	v10 =	vmax.f32 v14, v23;
	v20 =	vmax.f32 v13, v38  }
0x74: {  	v27 =	vmax.f32 v8, v21;
	v25 =	vmin.f32 v0, v20;
	v63 =	vmax.f32 v1, v37  }
0x75: {  	v26 =	vmin.f32 v27, v24;
	v23 =	vmin.f32 v18, v30;
	v28 =	vmin.f32 v10, v63  }
0x76: {  	v29 =	vmax.f32 v0, v20;
	v21 =	vmin.f32 v23, v26;
	v20 =	vmin.f32 v25, v28  }
0x77: {  	v0 =	vmin.f32 v20, v21  }
0x78: {  	[tilespmem:$0x1FF70] =	vst v0;
	v0 =	vld [tilespmem:$0x1FF80];
	_ =	sdelay $0x4  }
0x79: {  	v49 =	vmax.f32 v0, v58;
	v0 =	vld [tilespmem:$0x1FF90];
	_ =	sdelay $0x4  }
0x7a: {  	v55 =	vmax.f32 v0, v62;
	v0 =	vld [tilespmem:$0x1FFE0];
	_ =	sdelay $0x4  }
0x7b: {  	v39 =	vmax.f32 v0, v57;
	v0 =	vld [tilespmem:$0x1FFA0];
	_ =	sdelay $0x3  }
0x7c: {  	v30 =	vmax.f32 v18, v30;
	v18 =	vmax.f32 v9, v41;
	v41 =	vmax.f32 v5, v34;
	v5 =	vld [tilespmem:$0x1FFB0]  }
0x7d: {  	v34 =	vmax.f32 v15, v61;
	v15 =	vld [tilespmem:$0x1FFC0];
	v40 =	vmax.f32 v0, v40  }
0x7e: {  	s20 =	simm.s32 $0x1000;
	v36 =	vmax.f32 v16, v33;
	v32 =	vmax.f32 v10, v63;
	v57 =	vld [tilespmem:$0x1FFD0];
	v33 =	vmin.f32 v49, v40  }
.LBB2_4:
0x7f: {  	v0 =	vmin.f32 v55, v36  }
0x80: {  	v37 =	vmin.f32 v18, v34;
	v56 =	vmin.f32 v41, v39;
	v40 =	vmax.f32 v49, v40  }
0x81: {  	v17 =	vmax.f32 v17, v35;
	v38 =	vmin.f32 v33, v37;
	v49 =	vmin.f32 v0, v56  }
0x82: {  	v12 =	vmax.f32 v12, v48;
	v1 =	vmin.f32 v38, v49;
	v16 =	vmax.f32 v2, v54  }
0x83: {  	v35 =	vmax.f32 v3, v31;
	v2 =	vmax.f32 v4, v53;
	v13 =	vmax.f32 v5, v51  }
0x84: {  	v14 =	vmax.f32 v15, v52;
	v11 =	vmax.f32 v11, v50;
	v15 =	vmin.f32 v17, v13  }
0x85: {  	v48 =	vmin.f32 v16, v11;
	v50 =	vmin.f32 v2, v12;
	v51 =	vmin.f32 v14, v35  }
0x86: {  	v12 =	vmax.f32 v2, v12;
	v2 =	vld [tilespmem:$0x1FF10];
	v52 =	vmin.f32 v15, v50;
	v53 =	vmin.f32 v48, v51  }
0x87: {  	[tilespmem:$0x1FED0] =	vst v1;
	v1 =	vmin.f32 v52, v53  }
0x88: {  	[tilespmem:$0x1FEA0] =	vst v1;
	v1 =	vld [tilespmem:$0x1FF30];
	_ =	sdelay $0x2  }
0x89: {  	s21 =	sshra.s32 s20, $0x2;
	v6 =	vmax.f32 v2, v45;
	v2 =	vld [tilespmem:$0x1FF00]  }
0x8a: {  	v36 =	vmax.f32 v55, v36;
	v34 =	vmax.f32 v18, v34;
	v24 =	vmax.f32 v27, v24;
	v31 =	vld [tilespmem:s21+$0x0]  }
0x8b: {  	v27 =	vmax.f32 v29, v32;
	v29 =	vmin.f32 v29, v32;
	v9 =	vmax.f32 v1, v22;
	v1 =	vld [tilespmem:$0x1FF20]  }
0x8c: {  	v20 =	vmax.f32 v20, v21;
	v37 =	vmax.f32 v33, v37;
	v0 =	vmax.f32 v0, v56;
	v54 =	vld [tilespmem:s21+$0x80]  }
0x8d: {  	v56 =	vmax.f32 v25, v28;
	v38 =	vmax.f32 v38, v49;
	v3 =	vmax.f32 v57, v42;
	v42 =	vld [tilespmem:s21+$0x200]  }
0x8e: {  	v49 =	vmax.f32 v30, v24;
	v30 =	vmin.f32 v30, v24;
	v4 =	vmax.f32 v2, v44;
	v2 =	vld [tilespmem:$0x1FF40]  }
0x8f: {  	v24 =	vmin.f32 v27, v49;
	v25 =	vmax.f32 v29, v30;
	v8 =	vmax.f32 v7, v47;
	v22 =	vld [tilespmem:s21+$0x180]  }
0x90: {  	v13 =	vmax.f32 v17, v13;
	v11 =	vmax.f32 v16, v11;
	v16 =	vmax.f32 v1, v19;
	v19 =	vld [tilespmem:s21+$0x100]  }
0x91: {  	v14 =	vmax.f32 v14, v35;
	v48 =	vmax.f32 v48, v51;
	v18 =	vmax.f32 v52, v53;
	v1 =	vld [tilespmem:$0x1FEF0]  }
0x92: {  	v21 =	vmax.f32 v31, v54;
	v31 =	vmin.f32 v31, v54;
	v45 =	vld [tilespmem:s21+$0x280];
	v7 =	vmin.f32 v9, v4  }
0x93: {  	v4 =	vmax.f32 v9, v4;
	v60 =	vmin.f32 v6, v16;
	v5 =	vmax.f32 v2, v43  }
0x94: {  	v55 =	vld [tilespmem:s21+$0x300];
	v6 =	vmax.f32 v6, v16;
	v17 =	vmin.f32 v8, v5;
	v5 =	vmax.f32 v8, v5  }
0x95: {  	v57 =	vld [tilespmem:s21+$0x380];
	v62 =	vmin.f32 v17, v60;
	v17 =	vmax.f32 v17, v60;
	v60 =	vmax.f32 v41, v39  }
0x96: {  	v58 =	vld [tilespmem:s21+$0x10];
	v1 =	vmax.f32 v1, v46;
	v54 =	vmax.f32 v19, v22;
	v19 =	vmin.f32 v19, v22  }
0x97: {  	v59 =	vld [tilespmem:s21+$0x190];
	v22 =	vmax.f32 v42, v45;
	v63 =	vmin.f32 v1, v3;
	v3 =	vmax.f32 v1, v3  }
0x98: {  	v32 =	vld [tilespmem:s21+$0x320];
	v42 =	vmin.f32 v42, v45;
	v61 =	vmin.f32 v7, v63;
	v8 =	vmax.f32 v4, v3  }
0x99: {  	v47 =	vld [tilespmem:s21+$0x20];
	v3 =	vmin.f32 v4, v3;
	v4 =	vmax.f32 v5, v6;
	v1 =	vmin.f32 v61, v62  }
0x9a: {  	v35 =	vld [tilespmem:s21+$0x210];
	v45 =	vmax.f32 v55, v57;
	v55 =	vmin.f32 v55, v57;
	[tilespmem:$0x1FF20] =	vst v1;
	v1 =	vmax.f32 v8, v4  }
0x9b: {  	v51 =	vld [tilespmem:s21+$0x390];
	v2 =	vmin.f32 v31, v19;
	v5 =	vmin.f32 v5, v6;
	[tilespmem:$0x1FF30] =	vst v1;
	v1 =	vmin.f32 v8, v4  }
0x9c: {  	v52 =	vld [tilespmem:s21+$0x120];
	v16 =	vmax.f32 v7, v63;
	v63 =	vmax.f32 v15, v50;
	[tilespmem:$0x1FEC0] =	vst v1;
	v1 =	vmax.f32 v3, v5  }
0x9d: {  	v53 =	vld [tilespmem:s21+$0x1A0];
	v4 =	vmin.f32 v42, v55;
	v42 =	vmax.f32 v42, v55;
	[tilespmem:$0x1FEF0] =	vst v1;
	v1 =	vmin.f32 v3, v5  }
0x9e: {  	v44 =	vld [tilespmem:s21+$0x110];
	v3 =	vmax.f32 v22, v45;
	v45 =	vmin.f32 v22, v45;
	[tilespmem:$0x1FF10] =	vst v1;
	v1 =	vmax.f32 v16, v17  }
0x9f: {  	v43 =	vld [tilespmem:s21+$0x90];
	[tilespmem:$0x1FF00] =	vst v1;
	v1 =	vmin.f32 v16, v17;
	v16 =	vmax.f32 v13, v12;
	v12 =	vmin.f32 v13, v12  }
0xa0: {  	v41 =	vld [tilespmem:s21+$0x220];
	v13 =	vmax.f32 v11, v14;
	v11 =	vmin.f32 v11, v14;
	[tilespmem:$0x1FF40] =	vst v1;
	v1 =	vmax.f32 v61, v62  }
0xa1: {  	v46 =	vld [tilespmem:s21+$0x290];
	v17 =	vmax.f32 v16, v13;
	v61 =	vmax.f32 v40, v34;
	v40 =	vmin.f32 v40, v34  }
0xa2: {  	v57 =	vld [tilespmem:s21+$0x230];
	v62 =	vmax.f32 v36, v60;
	v36 =	vmin.f32 v36, v60;
	[tilespmem:$0x1FFD0] =	vst v1;
	v1 =	vmin.f32 v16, v13  }
0xa3: {  	v50 =	vld [tilespmem:s21+$0x310];
	v33 =	vmax.f32 v61, v62;
	v39 =	vmin.f32 v61, v62;
	v34 =	vmax.f32 v40, v36  }
0xa4: {  	v60 =	vld [tilespmem:s21+$0x3A0];
	v36 =	vmin.f32 v40, v36;
	v40 =	vmax.f32 v37, v0;
	v37 =	vmin.f32 v37, v0  }
0xa5: {  	v0 =	vld [tilespmem:s21+$0x2A0];
	v61 =	vmax.f32 v23, v26;
	v23 =	vmax.f32 v27, v49;
	[tilespmem:$0x1FEB0] =	vst v1;
	v1 =	vmax.f32 v12, v11  }
0xa6: {  	v27 =	vld [tilespmem:s21+$0x30];
	v26 =	vmin.f32 v29, v30;
	v28 =	vmax.f32 v56, v61;
	[tilespmem:$0x1FEE0] =	vst v1;
	v1 =	vmin.f32 v12, v11  }
0xa7: {  	v30 =	vld [tilespmem:s21+$0xB0];
	v29 =	vmin.f32 v56, v61;
	v61 =	vmax.f32 v58, v43;
	[tilespmem:$0x1FFC0] =	vst v1;
	v1 =	vmax.f32 v63, v48  }
0xa8: {  	v43 =	vmin.f32 v58, v43;
	v58 =	vmax.f32 v44, v59;
	[tilespmem:$0x1FFB0] =	vst v1;
	v1 =	vmin.f32 v63, v48;
	v48 =	vld [tilespmem:s21+$0xA0]  }
0xa9: {  	v49 =	vld [tilespmem:s21+$0x130];
	v44 =	vmin.f32 v44, v59;
	v59 =	vmax.f32 v35, v46;
	v35 =	vmin.f32 v35, v46  }
0xaa: {  	v62 =	vld [tilespmem:s21+$0x2B0];
	v5 =	vmax.f32 v61, v58;
	v6 =	vmin.f32 v43, v44;
	v55 =	vmin.f32 v61, v58  }
0xab: {  	v56 =	vld [tilespmem:s21+$0x1B0];
	v43 =	vmax.f32 v43, v44;
	v63 =	vmax.f32 v50, v51;
	v50 =	vmin.f32 v50, v51  }
0xac: {  	v46 =	vld [tilespmem:s21+$0x330];
	v7 =	vmax.f32 v59, v63;
	v8 =	vmin.f32 v35, v50;
	v44 =	vmin.f32 v59, v63  }
0xad: {  	[tilespmem:$0x1FE90] =	vst v1;
	v1 =	vld [tilespmem:s21+$0x3B0];
	v50 =	vmax.f32 v35, v50;
	v51 =	vmax.f32 v47, v48;
	v47 =	vmin.f32 v47, v48  }
0xae: {  	v48 =	vmax.f32 v52, v53;
	v52 =	vmin.f32 v52, v53;
	v53 =	vmax.f32 v41, v0  }
0xaf: {  	v0 =	vmin.f32 v41, v0;
	v41 =	vmax.f32 v32, v60;
	v32 =	vmin.f32 v32, v60  }
0xb0: {  	v60 =	vmax.f32 v27, v30;
	v27 =	vmin.f32 v27, v30;
	v30 =	vmax.f32 v49, v56  }
0xb1: {  	v49 =	vmin.f32 v49, v56;
	v56 =	vmax.f32 v57, v62;
	v57 =	vmin.f32 v57, v62  }
0xb2: {  	v62 =	vmax.f32 v46, v1;
	v1 =	vmin.f32 v46, v1;
	v46 =	vmax.f32 v21, v54  }
0xb3: {  	v9 =	vmax.f32 v51, v48;
	v10 =	vmin.f32 v47, v52;
	v11 =	vmax.f32 v53, v41  }
0xb4: {  	v12 =	vmin.f32 v0, v32;
	v13 =	vmax.f32 v60, v30;
	v14 =	vmin.f32 v27, v49  }
0xb5: {  	v21 =	vmin.f32 v21, v54;
	v54 =	vmax.f32 v31, v19;
	v48 =	vmin.f32 v51, v48  }
0xb6: {  	v47 =	vmax.f32 v47, v52;
	v63 =	vmin.f32 v53, v41;
	v0 =	vmax.f32 v0, v32  }
0xb7: {  	v30 =	vmin.f32 v60, v30;
	v27 =	vmax.f32 v27, v49;
	v41 =	vmax.f32 v5, v7  }
0xb8: {  	v49 =	vmin.f32 v6, v8;
	v15 =	vmax.f32 v56, v62;
	v16 =	vmin.f32 v57, v1  }
0xb9: {  	v32 =	vmax.f32 v46, v3;
	v61 =	vmin.f32 v56, v62;
	v1 =	vmax.f32 v57, v1  }
0xba: {  	v56 =	vmin.f32 v2, v4;
	v31 =	vmax.f32 v9, v11;
	v35 =	vmin.f32 v10, v12  }
0xbb: {  	v3 =	vmin.f32 v46, v3;
	v2 =	vmax.f32 v2, v4;
	v4 =	vmin.f32 v5, v7  }
0xbc: {  	v5 =	vmax.f32 v6, v8;
	v6 =	vmin.f32 v9, v11;
	v7 =	vmax.f32 v10, v12  }
0xbd: {  	v10 =	vmax.f32 v54, v21;
	v11 =	vmin.f32 v54, v21;
	v12 =	vmax.f32 v42, v45  }
0xbe: {  	v21 =	vmin.f32 v50, v44;
	v19 =	vmax.f32 v13, v15;
	v22 =	vmin.f32 v14, v16  }
0xbf: {  	v8 =	vmin.f32 v13, v15;
	v9 =	vmax.f32 v14, v16;
	v13 =	vmin.f32 v42, v45  }
0xc0: {  	v14 =	vmax.f32 v43, v55;
	v15 =	vmin.f32 v43, v55;
	v16 =	vmax.f32 v50, v44  }
0xc1: {  	v42 =	vmax.f32 v47, v48;
	v43 =	vmin.f32 v47, v48;
	v44 =	vmax.f32 v0, v63  }
0xc2: {  	v0 =	vmin.f32 v0, v63;
	v45 =	vmax.f32 v27, v30;
	v27 =	vmin.f32 v27, v30  }
0xc3: {  	v30 =	vmax.f32 v1, v61;
	v46 =	vmax.f32 v10, v12;
	v1 =	vmin.f32 v1, v61  }
0xc4: {  	v10 =	vmin.f32 v10, v12;
	v62 =	vmin.f32 v11, v13;
	v63 =	vmax.f32 v14, v16  }
0xc5: {  	v50 =	vmin.f32 v15, v21;
	v51 =	vmax.f32 v42, v44;
	v54 =	vmin.f32 v43, v0  }
0xc6: {  	v60 =	vmax.f32 v45, v30;
	v61 =	vmin.f32 v27, v1;
	v11 =	vmax.f32 v11, v13  }
0xc7: {  	v12 =	vmin.f32 v14, v16;
	v13 =	vmax.f32 v15, v21;
	v14 =	vmin.f32 v42, v44  }
0xc8: {  	v0 =	vmax.f32 v43, v0;
	v16 =	vmin.f32 v45, v30;
	v1 =	vmax.f32 v27, v1  }
0xc9: {  	v15 =	vmax.f32 v11, v3;
	v3 =	vmin.f32 v11, v3;
	v11 =	vmax.f32 v2, v10  }
0xca: {  	v2 =	vmin.f32 v2, v10;
	v10 =	vmax.f32 v13, v4;
	v4 =	vmin.f32 v13, v4  }
0xcb: {  	v13 =	vmax.f32 v5, v12;
	v5 =	vmin.f32 v5, v12;
	v12 =	vmax.f32 v0, v6  }
0xcc: {  	v0 =	vmin.f32 v0, v6;
	v6 =	vmax.f32 v7, v14;
	v7 =	vmin.f32 v7, v14  }
0xcd: {  	v14 =	vmax.f32 v1, v8;
	v1 =	vmin.f32 v1, v8;
	v8 =	vmax.f32 v9, v16  }
0xce: {  	v9 =	vmin.f32 v9, v16;
	v16 =	vmax.f32 v46, v15;
	v15 =	vmin.f32 v46, v15  }
0xcf: {  	v21 =	vmax.f32 v11, v3;
	v3 =	vmin.f32 v11, v3;
	v11 =	vmax.f32 v2, v62  }
0xd0: {  	v2 =	vmin.f32 v2, v62;
	v62 =	vmax.f32 v63, v10;
	v10 =	vmin.f32 v63, v10  }
0xd1: {  	v63 =	vmax.f32 v13, v4;
	v4 =	vmin.f32 v13, v4;
	v13 =	vmax.f32 v5, v50  }
0xd2: {  	v44 =	vmax.f32 v8, v1;
	v45 =	vmin.f32 v8, v1;
	v1 =	vmax.f32 v24, v2;
	v2 =	vld [tilespmem:$0x1FF70]  }
0xd3: {  	v5 =	vmin.f32 v5, v50;
	v48 =	vmax.f32 v51, v12;
	v50 =	vmin.f32 v51, v12  }
0xd4: {  	v51 =	vmax.f32 v6, v0;
	v52 =	vmin.f32 v6, v0;
	v53 =	vmax.f32 v7, v54  }
0xd5: {  	v54 =	vmin.f32 v7, v54;
	v0 =	vmax.f32 v23, v56;
	v27 =	vmax.f32 v26, v3  }
0xd6: {  	v3 =	vmax.f32 v28, v21;
	v6 =	vmax.f32 v29, v15;
	v7 =	vmax.f32 v20, v16  }
0xd7: {  	v23 =	vmin.f32 v1, v6;
	v24 =	vmax.f32 v2, v32;
	v2 =	vmax.f32 v25, v11  }
0xd8: {  	v57 =	vld [tilespmem:$0x1FFD0];
	v25 =	vmin.f32 v0, v3;
	v28 =	vmin.f32 v2, v7;
	v26 =	vmin.f32 v27, v24  }
0xd9: {  	v15 =	vld [tilespmem:$0x1FFC0];
	v20 =	vmin.f32 v25, v28;
	v21 =	vmin.f32 v23, v26  }
0xda: {  	v55 =	vmax.f32 v39, v5;
	v5 =	vld [tilespmem:$0x1FFB0];
	v29 =	vmax.f32 v0, v3;
	v0 =	vmin.f32 v20, v21  }
0xdb: {  	p0 =	sne.s32 s20, $0x1F000;
	[tilespmem:$0x1FF70] =	vst v0;
	v0 =	vld [tilespmem:$0x1FED0]  }
.Ltmp0:
0xdc: {  	v49 =	vmax.f32 v33, v49;
	v42 =	vmax.f32 v60, v14;
	v11 =	vld [tilespmem:$0x1FE90];
	(pc) =	sbr.rel @p0 .LBB2_4-.Ltmp0, $4  }
0xdd: {  	v43 =	vmin.f32 v60, v14;
	v46 =	vmax.f32 v9, v61;
	v47 =	vmin.f32 v9, v61;
	v3 =	vld [tilespmem:$0x1FEA0]  }
0xde: {  	v40 =	vmax.f32 v40, v63;
	v30 =	vmax.f32 v1, v6;
	v32 =	vmax.f32 v2, v7;
	v2 =	vld [tilespmem:$0x1FEB0]  }
0xdf: {  	v12 =	vmovc v18;
	v18 =	vmax.f32 v34, v13;
	v34 =	vmax.f32 v38, v62;
	v33 =	vmin.f32 v49, v40;
	v7 =	vld [tilespmem:$0x1FEC0]  }
0xe0: {  	s20 =	sadd.s32 $0x1000, s20;
	v39 =	vmax.f32 v0, v41;
	v41 =	vmax.f32 v36, v4;
	v4 =	vld [tilespmem:$0x1FEE0];
	v36 =	vmax.f32 v37, v10  }
0xe1: {  	v0 =	vmin.f32 v55, v36;
	p0 =	seq.s32 s18, $0xF;
	v10 =	vmin.f32 v18, v34;
	v37 =	vmin.f32 v41, v39  }
0xe2: {  	v38 =	vmax.f32 v49, v40;
	s19 =	sadd.s32 @!p0 s19, s17;
	v40 =	vmin.f32 v33, v10;
	v49 =	vmin.f32 v0, v37  }
0xe3: {  	s19 =	sshrl.u32 @!p0 s19, $0x3;
	v1 =	vmin.f32 v40, v49  }
0xe4: {  	s20 =	simm.s32 @!p0 $0x0;
	[tilespmem:$0x1FE80] =	vst v1;
	s19 =	sadd.s32 @!p0 s4, s19  }
0xe5: {  	[tilespmem:s20], [sflag:$0x1] =	stream.linear.gather @!p0 [hbm4b:s19+s20], $0x8000, $0x38;
	[tilespmem:$0x10200] =	vst v63  }
0xe6: {  	_ =	swait.ge [sflag:s9], $0x8000  }
0xe7: {  	v2 =	vmax.f32 v2, v54;
	v54 =	vld [tilespmem:$0x1FF30]  }
0xe8: {  	v36 =	vmax.f32 v55, v36;
	v34 =	vmax.f32 v18, v34;
	v55 =	vld [tilespmem:$0x1FF20]  }
0xe9: {  	v63 =	vmax.f32 v17, v35;
	v9 =	vmax.f32 v15, v52;
	v51 =	vmax.f32 v5, v51;
	v56 =	vld [tilespmem:$0x1FEF0]  }
0xea: {  	v52 =	vmax.f32 v11, v50;
	v6 =	vmax.f32 v12, v48;
	v42 =	vmax.f32 v57, v42;
	v58 =	vld [tilespmem:$0x1FF10]  }
0xeb: {  	v26 =	vmax.f32 v23, v26;
	v8 =	vmax.f32 v3, v31;
	v11 =	vmin.f32 v63, v51;
	[sflag:s9] =	ssyncset.done $0x0;
	v59 =	vld [tilespmem:$0x1FF00]  }
0xec: {  	s31 =	simm.s32 $0x0;
	v15 =	vmax.f32 v63, v51;
	v10 =	vmax.f32 v33, v10;
	v0 =	vmax.f32 v0, v37;
	v60 =	vld [tilespmem:$0x1FF40];
	[sflag:s9] =	ssyncadd.s32 $0xFFFF8000  }
0xed: {  	v14 =	vmin.f32 v9, v8;
	v12 =	vmin.f32 v2, v52;
	v35 =	vmax.f32 v4, v53;
	v48 =	vld [tilespmem:s31+$0x8000]  }
0xee: {  	v16 =	vmax.f32 v2, v52;
	v3 =	vmax.f32 v7, v47;
	v13 =	vmin.f32 v35, v6;
	v50 =	vld [tilespmem:s31+$0x8080]  }
0xef: {  	v2 =	vmax.f32 v40, v49;
	v31 =	vmin.f32 v12, v14;
	v17 =	vmin.f32 v11, v13;
	v52 =	vld [tilespmem:s31+$0x8280]  }
0xf0: {  	v14 =	vmax.f32 v12, v14;
	v35 =	vmax.f32 v35, v6;
	v53 =	vmin.f32 v17, v31;
	v47 =	vld [tilespmem:s31+$0x8090]  }
0xf1: {  	v17 =	vmax.f32 v17, v31;
	v31 =	vmin.f32 v38, v34;
	v51 =	vld [tilespmem:s31+$0x8110];
	v1 =	vmax.f32 v54, v22  }
0xf2: {  	v49 =	vld [tilespmem:s31+$0x81B0];
	v4 =	vmax.f32 v55, v19;
	v5 =	vmax.f32 v56, v46;
	v7 =	vmax.f32 v59, v44  }
0xf3: {  	v19 =	vld [tilespmem:s31+$0x8100];
	v6 =	vmax.f32 v58, v45;
	v22 =	vmax.f32 v60, v43;
	v44 =	vmin.f32 v1, v7  }
0xf4: {  	v43 =	vld [tilespmem:s31+$0x8180];
	v61 =	vmin.f32 v3, v22;
	v62 =	vmin.f32 v5, v42;
	v63 =	vmin.f32 v6, v4  }
0xf5: {  	v46 =	vld [tilespmem:s31+$0x8200];
	v7 =	vmax.f32 v1, v7;
	v3 =	vmax.f32 v3, v22;
	v5 =	vmax.f32 v5, v42  }
0xf6: {  	[tilespmem:$0x1FDF0] =	vst v53;
	v55 =	vld [tilespmem:s31+$0x8300];
	v4 =	vmax.f32 v6, v4;
	v53 =	vmin.f32 v44, v62;
	v54 =	vmin.f32 v61, v63  }
0xf7: {  	v56 =	vld [tilespmem:s31+$0x8010];
	v22 =	vmax.f32 v7, v5;
	v5 =	vmin.f32 v7, v5;
	v7 =	vmax.f32 v3, v4  }
0xf8: {  	v42 =	vld [tilespmem:s31+$0x8380];
	v4 =	vmin.f32 v3, v4;
	v44 =	vmax.f32 v44, v62;
	v45 =	vmax.f32 v61, v63  }
0xf9: {  	v3 =	vmax.f32 v10, v0;
	v57 =	vmax.f32 v44, v45;
	v58 =	vmin.f32 v44, v45;
	v45 =	vld [tilespmem:s31+$0x8210]  }
0xfa: {  	v60 =	vmin.f32 v53, v54;
	v61 =	vmax.f32 v22, v7;
	v59 =	vmax.f32 v53, v54;
	v53 =	vld [tilespmem:s31+$0x8290]  }
0xfb: {  	v62 =	vmin.f32 v22, v7;
	v63 =	vmax.f32 v5, v4;
	v5 =	vmin.f32 v5, v4;
	v54 =	vld [tilespmem:s31+$0x8310];
	[tilespmem:$0x1FE00] =	vst v60  }
0xfc: {  	v22 =	vmax.f32 v9, v8;
	v44 =	vld [tilespmem:s31+$0x8390];
	v4 =	vmin.f32 v10, v0;
	[tilespmem:$0x1FE10] =	vst v61;
	v60 =	vmax.f32 v15, v35  }
0xfd: {  	v10 =	vld [tilespmem:s31+$0x82A0];
	[tilespmem:$0x1FE30] =	vst v63;
	v35 =	vmin.f32 v15, v35;
	v15 =	vmax.f32 v16, v22;
	v16 =	vmin.f32 v16, v22  }
0xfe: {  	[tilespmem:$0x1FE50] =	vst v57;
	v57 =	vld [tilespmem:s31+$0x8190];
	v22 =	vmax.f32 v11, v13;
	v61 =	vmax.f32 v38, v34;
	v63 =	vmax.f32 v27, v24  }
0xff: {  	[tilespmem:$0x1FE60] =	vst v58;
	v58 =	vld [tilespmem:s31+$0x80A0];
	v24 =	vmax.f32 v29, v32;
	v27 =	vmin.f32 v29, v32;
	v8 =	vmax.f32 v60, v15  }
0x100: {  	[tilespmem:$0x1FE70] =	vst v59;
	v59 =	vld [tilespmem:s31+$0x8120];
	v9 =	vmin.f32 v60, v15;
	v11 =	vmax.f32 v35, v16;
	v13 =	vmin.f32 v35, v16  }
0x101: {  	v32 =	vld [tilespmem:s31+$0x8320];
	v16 =	vmax.f32 v22, v14;
	v14 =	vmin.f32 v22, v14;
	v22 =	vmax.f32 v41, v39  }
0x102: {  	v41 =	vld [tilespmem:s31+$0x8020];
	v29 =	vmax.f32 v30, v63;
	v0 =	vmin.f32 v30, v63;
	v30 =	vmax.f32 v25, v28  }
0x103: {  	[tilespmem:$0x1FE20] =	vst v62;
	v60 =	vld [tilespmem:s31+$0x81A0];
	v62 =	vmax.f32 v36, v22;
	v22 =	vmin.f32 v36, v22;
	v36 =	vmax.f32 v24, v29  }
0x104: {  	v35 =	vld [tilespmem:s31+$0x83A0];
	v37 =	vmin.f32 v24, v29;
	v39 =	vmax.f32 v27, v0;
	v25 =	vmin.f32 v27, v0  }
0x105: {  	v63 =	vld [tilespmem:s31+$0x83B0];
	v28 =	vmax.f32 v30, v26;
	v38 =	vmin.f32 v30, v26;
	v24 =	vmax.f32 v20, v21  }
0x106: {  	v29 =	vld [tilespmem:s31+$0x8030];
	v20 =	vmax.f32 v48, v50;
	v26 =	vmin.f32 v48, v50;
	v48 =	vmax.f32 v19, v43  }
0x107: {  	v0 =	vld [tilespmem:s31+$0x80B0];
	v19 =	vmin.f32 v19, v43;
	v43 =	vmax.f32 v46, v52;
	v46 =	vmin.f32 v46, v52  }
0x108: {  	v27 =	vld [tilespmem:s31+$0x8130];
	v50 =	vmax.f32 v55, v42;
	v42 =	vmin.f32 v55, v42;
	v55 =	vmax.f32 v56, v47  }
0x109: {  	v52 =	vld [tilespmem:s31+$0x8230];
	v47 =	vmin.f32 v56, v47;
	v6 =	vmax.f32 v61, v62;
	v7 =	vmin.f32 v61, v62  }
0x10a: {  	[tilespmem:$0x1FE40] =	vst v5;
	v12 =	vmax.f32 v31, v22;
	v5 =	vmin.f32 v31, v22;
	v31 =	vld [tilespmem:s31+$0x8220];
	v18 =	vmax.f32 v26, v19  }
0x10b: {  	v61 =	vld [tilespmem:s31+$0x82B0];
	v62 =	vmax.f32 v54, v44;
	v44 =	vmin.f32 v54, v44;
	v56 =	vmax.f32 v51, v57  }
0x10c: {  	v51 =	vmin.f32 v51, v57;
	v57 =	vmax.f32 v45, v53;
	v45 =	vmin.f32 v45, v53;
	v53 =	vld [tilespmem:s31+$0x8330]  }
0x10d: {  	v54 =	vmax.f32 v41, v58;
	v41 =	vmin.f32 v41, v58;
	v58 =	vmax.f32 v59, v60  }
0x10e: {  	v59 =	vmin.f32 v59, v60;
	v40 =	vmax.f32 v29, v0;
	v0 =	vmin.f32 v29, v0  }
0x10f: {  	v29 =	vmax.f32 v27, v49;
	v27 =	vmin.f32 v27, v49;
	v60 =	vmax.f32 v31, v10  }
0x110: {  	v10 =	vmin.f32 v31, v10;
	v31 =	vmax.f32 v32, v35;
	v32 =	vmin.f32 v32, v35  }
0x111: {  	v49 =	vmax.f32 v52, v61;
	v52 =	vmin.f32 v52, v61;
	v61 =	vmax.f32 v53, v63  }
0x112: {  	v53 =	vmin.f32 v53, v63;
	v63 =	vmax.f32 v20, v48;
	v48 =	vmin.f32 v20, v48  }
0x113: {  	v20 =	vmin.f32 v26, v19;
	v19 =	vmax.f32 v43, v50;
	v43 =	vmin.f32 v43, v50  }
0x114: {  	v26 =	vmin.f32 v46, v42;
	v42 =	vmax.f32 v46, v42;
	v46 =	vmax.f32 v55, v56  }
0x115: {  	v50 =	vmin.f32 v55, v56;
	v55 =	vmin.f32 v47, v51;
	v47 =	vmax.f32 v47, v51  }
0x116: {  	v51 =	vmax.f32 v57, v62;
	v56 =	vmin.f32 v57, v62;
	v57 =	vmin.f32 v45, v44  }
0x117: {  	v44 =	vmax.f32 v45, v44;
	v45 =	vmax.f32 v54, v58;
	v54 =	vmin.f32 v54, v58  }
0x118: {  	v58 =	vmin.f32 v41, v59;
	v41 =	vmax.f32 v41, v59;
	v59 =	vmax.f32 v60, v31  }
0x119: {  	v31 =	vmin.f32 v60, v31;
	v60 =	vmin.f32 v10, v32;
	v10 =	vmax.f32 v10, v32  }
0x11a: {  	v32 =	vmax.f32 v40, v29;
	v40 =	vmin.f32 v40, v29;
	v62 =	vmin.f32 v0, v27  }
0x11b: {  	v0 =	vmax.f32 v0, v27;
	v27 =	vmax.f32 v49, v61;
	v49 =	vmin.f32 v49, v61  }
0x11c: {  	v1 =	vmin.f32 v52, v53;
	v52 =	vmax.f32 v52, v53;
	v22 =	vmax.f32 v63, v19  }
0x11d: {  	v53 =	vmin.f32 v63, v19;
	v63 =	vmin.f32 v20, v26;
	v21 =	vmax.f32 v20, v26  }
0x11e: {  	v35 =	vmax.f32 v46, v51;
	v46 =	vmin.f32 v46, v51;
	v33 =	vmin.f32 v55, v57  }
0x11f: {  	v51 =	vmax.f32 v55, v57;
	v26 =	vmax.f32 v45, v59;
	v45 =	vmin.f32 v45, v59  }
0x120: {  	v29 =	vmin.f32 v58, v60;
	v55 =	vmax.f32 v58, v60;
	v57 =	vmax.f32 v18, v48  }
0x121: {  	v18 =	vmin.f32 v18, v48;
	v48 =	vmax.f32 v42, v43;
	v42 =	vmin.f32 v42, v43  }
0x122: {  	v43 =	vmax.f32 v47, v50;
	v47 =	vmin.f32 v47, v50;
	v50 =	vmax.f32 v44, v56  }
0x123: {  	v44 =	vmin.f32 v44, v56;
	v34 =	vmax.f32 v10, v31;
	v10 =	vmin.f32 v10, v31  }
0x124: {  	v31 =	vmax.f32 v0, v40;
	v0 =	vmin.f32 v0, v40;
	v19 =	vmax.f32 v32, v27  }
0x125: {  	v27 =	vmin.f32 v32, v27;
	v20 =	vmin.f32 v62, v1;
	v32 =	vmax.f32 v62, v1  }
0x126: {  	v62 =	vmax.f32 v41, v54;
	v41 =	vmin.f32 v41, v54;
	v60 =	vmax.f32 v52, v49  }
0x127: {  	v49 =	vmin.f32 v52, v49;
	v61 =	vmax.f32 v57, v48;
	v48 =	vmin.f32 v57, v48  }
0x128: {  	v57 =	vmin.f32 v18, v42;
	v18 =	vmax.f32 v18, v42;
	v42 =	vmax.f32 v43, v50  }
0x129: {  	v43 =	vmin.f32 v43, v50;
	v50 =	vmin.f32 v47, v44;
	v44 =	vmax.f32 v47, v44  }
0x12a: {  	v47 =	vmax.f32 v62, v34;
	v54 =	vmin.f32 v62, v34;
	v56 =	vmin.f32 v41, v10  }
0x12b: {  	v10 =	vmax.f32 v41, v10;
	v41 =	vmax.f32 v31, v60;
	v31 =	vmin.f32 v31, v60  }
0x12c: {  	v58 =	vmin.f32 v0, v49;
	v0 =	vmax.f32 v0, v49;
	v62 =	vmax.f32 v18, v53  }
0x12d: {  	v18 =	vmin.f32 v18, v53;
	v49 =	vmax.f32 v21, v48;
	v21 =	vmin.f32 v21, v48  }
0x12e: {  	v48 =	vmax.f32 v44, v46;
	v44 =	vmin.f32 v44, v46;
	v46 =	vmax.f32 v51, v43  }
0x12f: {  	v43 =	vmin.f32 v51, v43;
	v51 =	vmax.f32 v10, v45;
	v10 =	vmin.f32 v10, v45  }
0x130: {  	v45 =	vmax.f32 v55, v54;
	v54 =	vmin.f32 v55, v54;
	v55 =	vmax.f32 v0, v27  }
0x131: {  	v0 =	vmin.f32 v0, v27;
	v27 =	vmax.f32 v32, v31;
	v31 =	vmin.f32 v32, v31  }
0x132: {  	v32 =	vmax.f32 v61, v62;
	v59 =	vmin.f32 v61, v62;
	v60 =	vmax.f32 v49, v18  }
0x133: {  	v18 =	vmin.f32 v49, v18;
	v61 =	vmax.f32 v21, v57;
	v21 =	vmin.f32 v21, v57  }
0x134: {  	v57 =	vmax.f32 v42, v48;
	v62 =	vmin.f32 v42, v48;
	v34 =	vmax.f32 v46, v44  }
0x135: {  	v46 =	vmin.f32 v46, v44;
	v30 =	vmax.f32 v43, v50;
	v23 =	vmin.f32 v43, v50  }
0x136: {  	v48 =	vmax.f32 v6, v33;
	v49 =	vmax.f32 v47, v51;
	v50 =	vmin.f32 v47, v51  }
0x137: {  	v51 =	vmax.f32 v45, v10;
	v52 =	vmin.f32 v45, v10;
	v53 =	vmax.f32 v54, v56  }
0x138: {  	v54 =	vmin.f32 v54, v56;
	v40 =	vmax.f32 v41, v55;
	v42 =	vmin.f32 v41, v55  }
0x139: {  	v43 =	vmax.f32 v27, v0;
	v44 =	vmin.f32 v27, v0;
	v45 =	vmax.f32 v31, v58  }
0x13a: {  	v47 =	vmin.f32 v31, v58;
	v56 =	vmax.f32 v36, v63;
	v10 =	vmax.f32 v37, v21;
	v58 =	vld [tilespmem:$0x1FF70]  }
0x13b: {  	v21 =	vmax.f32 v39, v61;
	v27 =	vmax.f32 v25, v18;
	v18 =	vmax.f32 v28, v60;
	v63 =	vld [tilespmem:$0x1FE80]  }
0x13c: {  	v28 =	vmax.f32 v38, v59;
	v61 =	vmax.f32 v24, v32;
	v38 =	vmax.f32 v7, v23  }
0x13d: {  	v36 =	vmax.f32 v4, v62;
	v24 =	vmin.f32 v56, v18;
	v31 =	vmax.f32 v56, v18  }
0x13e: {  	v25 =	vmin.f32 v10, v28;
	v32 =	vmax.f32 v10, v28;
	v28 =	vmin.f32 v21, v61  }
0x13f: {  	v41 =	vmax.f32 v21, v61;
	v18 =	vmax.f32 v12, v30;
	v22 =	vmax.f32 v58, v22  }
0x140: {  	v21 =	vmin.f32 v24, v28;
	v33 =	vmax.f32 v63, v35;
	v30 =	vmin.f32 v27, v22  }
0x141: {  	v35 =	vmax.f32 v5, v46;
	v46 =	vmax.f32 v3, v34;
	v23 =	vmin.f32 v25, v30  }
0x142: {  	s19 =	simm.s32 $0x1000;
	v39 =	vmax.f32 v2, v57;
	v34 =	vmin.f32 v48, v46;
	v55 =	vmin.f32 v21, v23  }
.LBB2_6:
0x143: {  	v0 =	vmin.f32 v38, v36;
	v62 =	vld [tilespmem:$0x1FDF0]  }
0x144: {  	[tilespmem:$0x1FD90] =	vst v55;
	v55 =	vmin.f32 v18, v39;
	v56 =	vmin.f32 v35, v33;
	v48 =	vmax.f32 v48, v46;
	v4 =	vld [tilespmem:$0x1FE10]  }
0x145: {  	v36 =	vmax.f32 v38, v36;
	v38 =	vmax.f32 v18, v39;
	v14 =	vmax.f32 v14, v50;
	v5 =	vld [tilespmem:$0x1FE20]  }
0x146: {  	v57 =	vld [tilespmem:$0x1FE30];
	v22 =	vmax.f32 v27, v22;
	v27 =	vmax.f32 v31, v41;
	v31 =	vmin.f32 v31, v41  }
0x147: {  	v58 =	vld [tilespmem:$0x1FE40];
	v30 =	vmax.f32 v25, v30;
	v37 =	vmin.f32 v34, v55;
	v46 =	vmin.f32 v0, v56  }
0x148: {  	v59 =	vld [tilespmem:$0x1FE50];
	v21 =	vmax.f32 v21, v23;
	v0 =	vmax.f32 v0, v56;
	v1 =	vmin.f32 v37, v46  }
0x149: {  	v60 =	vld [tilespmem:$0x1FE60];
	v37 =	vmax.f32 v37, v46;
	v12 =	vmax.f32 v8, v29;
	v15 =	vmax.f32 v9, v54  }
0x14a: {  	v61 =	vld [tilespmem:$0x1FE70];
	v2 =	vmax.f32 v11, v53;
	v11 =	vmax.f32 v13, v52;
	v13 =	vmax.f32 v16, v51  }
0x14b: {  	v16 =	vmax.f32 v17, v49;
	v29 =	vmax.f32 v62, v26;
	v17 =	vmin.f32 v12, v13  }
0x14c: {  	v39 =	vmin.f32 v15, v14;
	v49 =	vmin.f32 v2, v16;
	v12 =	vmax.f32 v12, v13  }
0x14d: {  	s20 =	sshra.s32 s19, $0x2;
	v13 =	vmax.f32 v15, v14;
	v14 =	vmax.f32 v2, v16;
	v6 =	vmax.f32 v4, v20  }
0x14e: {  	v56 =	vld [tilespmem:s20+$0x8220];
	[tilespmem:$0x1FDC0] =	vst v1;
	v7 =	vmax.f32 v5, v47;
	v1 =	vmax.f32 v57, v45;
	v3 =	vmax.f32 v58, v44  }
0x14f: {  	v41 =	vld [tilespmem:s20+$0x8320];
	v4 =	vmax.f32 v59, v43;
	v5 =	vmax.f32 v60, v42;
	v8 =	vmax.f32 v61, v40  }
0x150: {  	v10 =	vld [tilespmem:s20+$0x83B0];
	v2 =	vmin.f32 v32, v22;
	v50 =	vmin.f32 v11, v29;
	v51 =	vmin.f32 v17, v49  }
0x151: {  	v54 =	vld [tilespmem:$0x1FE00];
	v9 =	vmin.f32 v6, v4;
	v16 =	vmin.f32 v7, v5;
	v62 =	vmin.f32 v1, v8  }
0x152: {  	v53 =	vld [tilespmem:s20+$0x8080];
	v4 =	vmax.f32 v6, v4;
	v5 =	vmax.f32 v7, v5;
	v6 =	vmax.f32 v1, v8  }
0x153: {  	v26 =	vld [tilespmem:s20+$0x8000];
	v11 =	vmax.f32 v11, v29;
	v17 =	vmax.f32 v17, v49;
	v1 =	vmax.f32 v32, v22  }
0x154: {  	v46 =	vld [tilespmem:s20+$0x8030];
	v25 =	vmax.f32 v31, v2;
	v52 =	vmin.f32 v39, v50;
	v45 =	vmin.f32 v9, v62  }
0x155: {  	v20 =	vld [tilespmem:s20+$0x8180];
	v7 =	vmax.f32 v4, v6;
	v4 =	vmin.f32 v4, v6;
	v9 =	vmax.f32 v9, v62  }
0x156: {  	v40 =	vld [tilespmem:s20+$0x8200];
	v39 =	vmax.f32 v39, v50;
	v63 =	vmin.f32 v51, v52;
	v15 =	vmax.f32 v54, v19  }
0x157: {  	v44 =	vld [tilespmem:s20+$0x8280];
	v22 =	vmax.f32 v27, v1;
	[tilespmem:$0x1FDF0] =	vst v63;
	v63 =	vmin.f32 v3, v15;
	v3 =	vmax.f32 v3, v15  }
0x158: {  	v57 =	vld [tilespmem:s20+$0x8380];
	v18 =	vmin.f32 v17, v39;
	v23 =	vmax.f32 v26, v53;
	v8 =	vmax.f32 v5, v3  }
0x159: {  	v58 =	vld [tilespmem:s20+$0x8010];
	v26 =	vmin.f32 v26, v53;
	v47 =	vmin.f32 v16, v63;
	v60 =	vmax.f32 v7, v8  }
0x15a: {  	v42 =	vld [tilespmem:s20+$0x8090];
	v5 =	vmin.f32 v5, v3;
	v15 =	vmax.f32 v16, v63;
	v61 =	vmin.f32 v7, v8;
	[tilespmem:$0x1FE10] =	vst v60  }
0x15b: {  	v43 =	vld [tilespmem:s20+$0x8110];
	v16 =	vmax.f32 v13, v11;
	v13 =	vmin.f32 v13, v11;
	v62 =	vmax.f32 v4, v5;
	[tilespmem:$0x1FE20] =	vst v61  }
0x15c: {  	v29 =	vld [tilespmem:s20+$0x8210];
	v3 =	vmax.f32 v24, v28;
	v24 =	vmin.f32 v27, v1;
	v63 =	vmin.f32 v4, v5;
	[tilespmem:$0x1FE30] =	vst v62  }
0x15d: {  	v49 =	vld [tilespmem:s20+$0x8390];
	v27 =	vmin.f32 v31, v2;
	v59 =	vmin.f32 v45, v47;
	v4 =	vmax.f32 v9, v15;
	[tilespmem:$0x1FE40] =	vst v63  }
0x15e: {  	v32 =	vld [tilespmem:s20+$0x8130];
	v5 =	vmin.f32 v9, v15;
	v47 =	vmax.f32 v45, v47;
	v15 =	vmax.f32 v12, v14;
	[tilespmem:$0x1FE50] =	vst v4  }
0x15f: {  	v19 =	vld [tilespmem:s20+$0x8100];
	v14 =	vmin.f32 v12, v14;
	v28 =	vmax.f32 v3, v30;
	[tilespmem:$0x1FE60] =	vst v5;
	v60 =	vmax.f32 v15, v16  }
0x160: {  	v54 =	vld [tilespmem:s20+$0x8300];
	v30 =	vmin.f32 v3, v30;
	v61 =	vmin.f32 v15, v16;
	v62 =	vmax.f32 v14, v13;
	[tilespmem:$0x1FD80] =	vst v60  }
0x161: {  	v50 =	vld [tilespmem:s20+$0x8020];
	v63 =	vmin.f32 v14, v13;
	v4 =	vmax.f32 v17, v39;
	v5 =	vmax.f32 v35, v33;
	[tilespmem:$0x1FDE0] =	vst v61  }
0x162: {  	v53 =	vld [tilespmem:s20+$0x81B0];
	v17 =	vmax.f32 v51, v52;
	[tilespmem:$0x1FDA0] =	vst v62;
	v60 =	vmax.f32 v48, v38;
	v61 =	vmin.f32 v48, v38  }
0x163: {  	v31 =	vld [tilespmem:s20+$0x80B0];
	[tilespmem:$0x1FDD0] =	vst v63;
	v62 =	vmax.f32 v36, v5;
	v36 =	vmin.f32 v36, v5;
	v63 =	vmax.f32 v34, v55  }
0x164: {  	v45 =	vld [tilespmem:s20+$0x8290];
	v52 =	vmax.f32 v19, v20;
	v19 =	vmin.f32 v19, v20;
	v20 =	vmax.f32 v40, v44  }
0x165: {  	[tilespmem:$0x1FE00] =	vst v59;
	v59 =	vld [tilespmem:s20+$0x8190];
	v40 =	vmin.f32 v40, v44;
	v44 =	vmax.f32 v54, v57;
	v54 =	vmin.f32 v54, v57  }
0x166: {  	[tilespmem:$0x1FE70] =	vst v47;
	v47 =	vld [tilespmem:s20+$0x8310];
	v33 =	vmax.f32 v60, v62;
	v38 =	vmin.f32 v60, v62;
	v34 =	vmax.f32 v61, v36  }
0x167: {  	v51 =	vld [tilespmem:s20+$0x80A0];
	v35 =	vmin.f32 v61, v36;
	v39 =	vmax.f32 v63, v0;
	v36 =	vmin.f32 v63, v0  }
0x168: {  	v48 =	vld [tilespmem:s20+$0x8120];
	v61 =	vmax.f32 v58, v42;
	v42 =	vmin.f32 v58, v42;
	v2 =	vmin.f32 v26, v19  }
0x169: {  	v55 =	vld [tilespmem:s20+$0x81A0];
	v1 =	vmax.f32 v20, v44;
	v3 =	vmin.f32 v40, v54;
	v44 =	vmin.f32 v20, v44  }
0x16a: {  	v0 =	vld [tilespmem:s20+$0x82A0];
	v40 =	vmax.f32 v40, v54;
	v58 =	vmax.f32 v43, v59;
	v43 =	vmin.f32 v43, v59  }
0x16b: {  	v60 =	vld [tilespmem:s20+$0x83A0];
	v59 =	vmax.f32 v29, v45;
	v29 =	vmin.f32 v29, v45;
	v63 =	vmax.f32 v47, v49  }
0x16c: {  	[tilespmem:$0x1FDB0] =	vst v4;
	v4 =	vld [tilespmem:s20+$0x8230];
	v47 =	vmin.f32 v47, v49;
	v49 =	vmax.f32 v50, v51;
	v50 =	vmin.f32 v50, v51  }
0x16d: {  	v62 =	vld [tilespmem:s20+$0x82B0];
	v45 =	vmax.f32 v23, v52;
	v23 =	vmin.f32 v23, v52;
	v52 =	vmax.f32 v26, v19  }
0x16e: {  	v5 =	vld [tilespmem:s20+$0x8330];
	v51 =	vmax.f32 v48, v55;
	v48 =	vmin.f32 v48, v55;
	v6 =	vmax.f32 v59, v63  }
0x16f: {  	v7 =	vmin.f32 v29, v47;
	v63 =	vmin.f32 v59, v63;
	v47 =	vmax.f32 v29, v47  }
0x170: {  	v55 =	vmax.f32 v56, v0;
	v0 =	vmin.f32 v56, v0;
	v56 =	vmax.f32 v41, v60  }
0x171: {  	v41 =	vmin.f32 v41, v60;
	v60 =	vmax.f32 v46, v31;
	v31 =	vmin.f32 v46, v31  }
0x172: {  	v46 =	vmax.f32 v32, v53;
	v32 =	vmin.f32 v32, v53;
	v53 =	vmax.f32 v4, v62  }
0x173: {  	v57 =	vmin.f32 v4, v62;
	v62 =	vmax.f32 v5, v10;
	v10 =	vmin.f32 v5, v10  }
0x174: {  	v4 =	vmax.f32 v61, v58;
	v5 =	vmin.f32 v42, v43;
	v8 =	vmax.f32 v49, v51  }
0x175: {  	v9 =	vmin.f32 v50, v48;
	v61 =	vmin.f32 v61, v58;
	v42 =	vmax.f32 v42, v43  }
0x176: {  	v49 =	vmin.f32 v49, v51;
	v50 =	vmax.f32 v50, v48;
	v11 =	vmax.f32 v55, v56  }
0x177: {  	v12 =	vmin.f32 v0, v41;
	v13 =	vmax.f32 v60, v46;
	v14 =	vmin.f32 v31, v32  }
0x178: {  	v15 =	vmax.f32 v53, v62;
	v16 =	vmin.f32 v57, v10;
	v58 =	vmin.f32 v55, v56  }
0x179: {  	v0 =	vmax.f32 v0, v41;
	v59 =	vmin.f32 v60, v46;
	v31 =	vmax.f32 v31, v32  }
0x17a: {  	v32 =	vmax.f32 v45, v1;
	v53 =	vmin.f32 v53, v62;
	v10 =	vmax.f32 v57, v10  }
0x17b: {  	v55 =	vmin.f32 v2, v3;
	v46 =	vmax.f32 v4, v6;
	v48 =	vmin.f32 v5, v7  }
0x17c: {  	v1 =	vmin.f32 v45, v1;
	v2 =	vmax.f32 v2, v3;
	v3 =	vmin.f32 v4, v6  }
0x17d: {  	v4 =	vmax.f32 v5, v7;
	v26 =	vmax.f32 v8, v11;
	v29 =	vmin.f32 v9, v12  }
0x17e: {  	v19 =	vmax.f32 v13, v15;
	v20 =	vmin.f32 v14, v16;
	v5 =	vmin.f32 v8, v11  }
0x17f: {  	v6 =	vmax.f32 v9, v12;
	v7 =	vmin.f32 v13, v15;
	v8 =	vmax.f32 v14, v16  }
0x180: {  	v9 =	vmax.f32 v52, v23;
	v11 =	vmin.f32 v52, v23;
	v12 =	vmax.f32 v40, v44  }
0x181: {  	v13 =	vmin.f32 v40, v44;
	v14 =	vmax.f32 v42, v61;
	v15 =	vmin.f32 v42, v61  }
0x182: {  	v16 =	vmax.f32 v47, v63;
	v23 =	vmin.f32 v47, v63;
	v40 =	vmax.f32 v50, v49  }
0x183: {  	v42 =	vmin.f32 v50, v49;
	v43 =	vmax.f32 v0, v58;
	v0 =	vmin.f32 v0, v58  }
0x184: {  	v44 =	vmax.f32 v31, v59;
	v31 =	vmin.f32 v31, v59;
	v41 =	vmax.f32 v10, v53  }
0x185: {  	v10 =	vmin.f32 v10, v53;
	v57 =	vmax.f32 v22, v55;
	v48 =	vmax.f32 v33, v48  }
0x186: {  	v45 =	vmax.f32 v9, v12;
	v47 =	vmin.f32 v11, v13;
	v49 =	vmax.f32 v14, v16  }
0x187: {  	v50 =	vmin.f32 v15, v23;
	v60 =	vmax.f32 v40, v43;
	v61 =	vmin.f32 v42, v0  }
0x188: {  	v62 =	vmax.f32 v44, v41;
	v63 =	vmin.f32 v31, v10;
	v9 =	vmin.f32 v9, v12  }
0x189: {  	v11 =	vmax.f32 v11, v13;
	v12 =	vmin.f32 v14, v16;
	v13 =	vmax.f32 v15, v23  }
0x18a: {  	v14 =	vmin.f32 v40, v43;
	v0 =	vmax.f32 v42, v0;
	v16 =	vmin.f32 v44, v41  }
0x18b: {  	v10 =	vmax.f32 v31, v10;
	v15 =	vmax.f32 v11, v1;
	v1 =	vmin.f32 v11, v1  }
0x18c: {  	v11 =	vmax.f32 v2, v9;
	v2 =	vmin.f32 v2, v9;
	v9 =	vmax.f32 v13, v3  }
0x18d: {  	v3 =	vmin.f32 v13, v3;
	v13 =	vmax.f32 v4, v12;
	v4 =	vmin.f32 v4, v12  }
0x18e: {  	v12 =	vmax.f32 v0, v5;
	v0 =	vmin.f32 v0, v5;
	v44 =	vmax.f32 v6, v14  }
0x18f: {  	v6 =	vmin.f32 v6, v14;
	v14 =	vmax.f32 v10, v7;
	v7 =	vmin.f32 v10, v7  }
0x190: {  	v10 =	vmax.f32 v8, v16;
	v8 =	vmin.f32 v8, v16;
	v16 =	vmax.f32 v45, v15  }
0x191: {  	v15 =	vmin.f32 v45, v15;
	v23 =	vmax.f32 v11, v1;
	v1 =	vmin.f32 v11, v1  }
0x192: {  	v11 =	vmax.f32 v2, v47;
	v2 =	vmin.f32 v2, v47;
	v58 =	vmax.f32 v49, v9  }
0x193: {  	v9 =	vmin.f32 v49, v9;
	v59 =	vmax.f32 v13, v3;
	v3 =	vmin.f32 v13, v3  }
0x194: {  	v13 =	vmax.f32 v4, v50;
	v4 =	vmin.f32 v4, v50;
	v49 =	vmax.f32 v60, v12  }
0x195: {  	v50 =	vmin.f32 v60, v12;
	v51 =	vmax.f32 v44, v0;
	v52 =	vmin.f32 v44, v0  }
0x196: {  	v53 =	vmax.f32 v6, v61;
	v54 =	vmin.f32 v6, v61;
	v40 =	vmax.f32 v62, v14  }
0x197: {  	v42 =	vmin.f32 v62, v14;
	v43 =	vmax.f32 v10, v7;
	v44 =	vmin.f32 v10, v7  }
0x198: {  	v45 =	vmax.f32 v8, v63;
	v47 =	vmin.f32 v8, v63;
	v60 =	vld [tilespmem:$0x1FD90];
	v2 =	vmax.f32 v24, v2  }
0x199: {  	v61 =	vmax.f32 v25, v11;
	v27 =	vmax.f32 v27, v1;
	v62 =	vmax.f32 v28, v23  }
0x19a: {  	v63 =	vld [tilespmem:$0x1FDC0];
	v6 =	vmax.f32 v30, v15;
	v7 =	vmax.f32 v21, v16;
	v38 =	vmax.f32 v38, v4  }
0x19b: {  	p0 =	sne.s32 s19, $0x1F000;
	v35 =	vmax.f32 v35, v3;
	v36 =	vmax.f32 v36, v9;
	v24 =	vmin.f32 v57, v62  }
.Ltmp1:
0x19c: {  	v8 =	vld [tilespmem:$0x1FD80];
	v25 =	vmin.f32 v2, v6;
	v28 =	vmin.f32 v61, v7;
	v31 =	vmax.f32 v57, v62;
	(pc) =	sbr.rel @p0 .LBB2_6-.Ltmp1, $4  }
0x19d: {  	v11 =	vld [tilespmem:$0x1FDA0];
	v14 =	vmovc v18;
	v41 =	vmax.f32 v61, v7;
	v18 =	vmax.f32 v34, v13;
	v22 =	vmax.f32 v60, v32  }
0x19e: {  	v16 =	vld [tilespmem:$0x1FDB0];
	v21 =	vmin.f32 v24, v28;
	v32 =	vmax.f32 v2, v6;
	v30 =	vmin.f32 v27, v22  }
0x19f: {  	v9 =	vld [tilespmem:$0x1FDE0];
	v33 =	vmax.f32 v63, v46;
	v46 =	vmax.f32 v39, v59;
	v23 =	vmin.f32 v25, v30  }
0x1a0: {  	s19 =	sadd.s32 $0x1000, s19;
	v13 =	vld [tilespmem:$0x1FDD0];
	v39 =	vmax.f32 v37, v58;
	v34 =	vmin.f32 v48, v46;
	v55 =	vmin.f32 v21, v23  }
0x1a1: {  	_ =	sdelay $0x2  }
0x1a2: {  	v0 =	vmin.f32 v38, v36;
	v14 =	vmax.f32 v14, v50;
	v9 =	vmax.f32 v9, v54  }
0x1a3: {  	v15 =	vmax.f32 v17, v49;
	v17 =	vmin.f32 v9, v14;
	v9 =	vmax.f32 v9, v14;
	v14 =	vld [tilespmem:$0x1FE10]  }
0x1a4: {  	v1 =	vmin.f32 v18, v39;
	v2 =	vmin.f32 v35, v33;
	v7 =	vmax.f32 v18, v39;
	v50 =	vld [tilespmem:$0x1FE40]  }
0x1a5: {  	v37 =	vld [tilespmem:$0x1FE50];
	v4 =	vmin.f32 v34, v1;
	v5 =	vmin.f32 v0, v2;
	v11 =	vmax.f32 v11, v53  }
0x1a6: {  	v10 =	vmin.f32 v4, v5;
	v18 =	vmin.f32 v11, v15;
	v11 =	vmax.f32 v11, v15;
	v15 =	vld [tilespmem:$0x1FE20]  }
0x1a7: {  	v3 =	vmax.f32 v48, v46;
	v6 =	vmax.f32 v38, v36;
	[tilespmem:$0x1FFE0] =	vst v10;
	v10 =	vld [tilespmem:$0x1FDF0]  }
0x1a8: {  	v8 =	vmax.f32 v8, v29;
	v60 =	vmax.f32 v27, v22;
	v14 =	vmax.f32 v14, v20;
	v20 =	vld [tilespmem:$0x1FE00]  }
0x1a9: {  	v61 =	vmax.f32 v31, v41;
	v12 =	vmax.f32 v13, v52;
	v13 =	vmax.f32 v16, v51;
	v51 =	vld [tilespmem:$0x1FE60]  }
0x1aa: {  	v62 =	vmin.f32 v31, v41;
	v21 =	vmax.f32 v21, v23;
	v63 =	vmax.f32 v32, v60;
	v52 =	vld [tilespmem:$0x1FE70]  }
0x1ab: {  	v1 =	vmax.f32 v34, v1;
	v0 =	vmax.f32 v0, v2;
	v27 =	vmin.f32 v61, v63  }
0x1ac: {  	v16 =	vmin.f32 v8, v13;
	v8 =	vmax.f32 v8, v13;
	v36 =	vmax.f32 v50, v44  }
0x1ad: {  	v37 =	vmax.f32 v37, v43;
	v10 =	vmax.f32 v10, v26;
	v19 =	vmax.f32 v20, v19;
	v20 =	vld [tilespmem:$0x1FE30]  }
0x1ae: {  	v13 =	vmin.f32 v16, v18;
	v15 =	vmax.f32 v15, v47;
	v26 =	vmin.f32 v12, v10  }
0x1af: {  	v38 =	vmax.f32 v51, v42;
	v39 =	vmax.f32 v52, v40;
	v10 =	vmax.f32 v12, v10  }
0x1b0: {  	v29 =	vmin.f32 v17, v26;
	v53 =	vmin.f32 v14, v37;
	v42 =	vmin.f32 v15, v38  }
0x1b1: {  	v14 =	vmax.f32 v14, v37;
	v15 =	vmax.f32 v15, v38;
	v46 =	vmin.f32 v13, v29  }
0x1b2: {  	v44 =	vmin.f32 v36, v19;
	v19 =	vmax.f32 v36, v19;
	v20 =	vmax.f32 v20, v45  }
0x1b3: {  	v57 =	vmin.f32 v42, v44;
	v54 =	vmin.f32 v20, v39;
	v20 =	vmax.f32 v20, v39  }
0x1b4: {  	v59 =	vmax.f32 v42, v44;
	v56 =	vmin.f32 v53, v54;
	v58 =	vmax.f32 v14, v20  }
0x1b5: {  	v14 =	vmin.f32 v14, v20;
	v20 =	vmax.f32 v15, v19;
	v15 =	vmin.f32 v15, v19  }
0x1b6: {  	v19 =	vmax.f32 v53, v54;
	v39 =	vmin.f32 v56, v57;
	v43 =	vmax.f32 v58, v20  }
0x1b7: {  	v42 =	vmin.f32 v58, v20;
	v40 =	vmax.f32 v14, v15;
	v36 =	vmin.f32 v14, v15  }
0x1b8: {  	v20 =	vmax.f32 v19, v59;
	v19 =	vmin.f32 v19, v59;
	v12 =	vmax.f32 v56, v57  }
0x1b9: {  	v14 =	vmax.f32 v17, v26;
	[tilespmem:$0x1FFD0] =	vst v12;
	v12 =	vmax.f32 v8, v11;
	v8 =	vmin.f32 v8, v11  }
0x1ba: {  	v11 =	vmax.f32 v9, v10;
	v9 =	vmin.f32 v9, v10;
	v10 =	vmax.f32 v16, v18  }
0x1bb: {  	v17 =	vmax.f32 v12, v11;
	v26 =	vmin.f32 v12, v11;
	v18 =	vmax.f32 v8, v9  }
0x1bc: {  	v37 =	vmin.f32 v8, v9;
	v15 =	vmax.f32 v10, v14;
	v11 =	vmin.f32 v10, v14  }
0x1bd: {  	s18 =	sadd.s32 $0x1, s18;
	v8 =	vmax.f32 v35, v33;
	v9 =	vmax.f32 v3, v7;
	v12 =	vmax.f32 v13, v29  }
0x1be: {  	p0 =	sne.s32 s18, $0x10;
	v3 =	vmin.f32 v3, v7;
	v14 =	vmin.f32 v1, v0;
	v13 =	vmax.f32 v4, v5  }
.Ltmp2:
0x1bf: {  	v4 =	vmax.f32 v24, v28;
	v5 =	vmax.f32 v25, v30;
	v28 =	vmax.f32 v61, v63;
	(pc) =	sbr.rel @p0 .LBB2_3-.Ltmp2, $4  }
0x1c0: {  	v7 =	vmax.f32 v6, v8;
	v6 =	vmin.f32 v6, v8;
	v24 =	vmax.f32 v4, v5  }
0x1c1: {  	v22 =	vmin.f32 v4, v5;
	v16 =	vmax.f32 v9, v7;
	v9 =	vmin.f32 v9, v7  }
0x1c2: {  	v29 =	vmax.f32 v3, v6;
	v7 =	vmax.f32 v1, v0;
	v0 =	vmin.f32 v32, v60  }
0x1c3: {  	v10 =	vmin.f32 v3, v6;
	v25 =	vmax.f32 v62, v0;
	v8 =	vmin.f32 v62, v0;
	v6 =	vmovc v55  }
0x1c4: {  	v5 =	vld [tilespmem:$0x1FFF0];
	_ =	sdelay $0x4  }
0x1c5: {  	v0 =	vor.u32 $0x1, v5  }
0x1c6: {  	v1 =	vor.u32 $0x2, v5  }
0x1c7: {  	v2 =	vor.u32 $0x3, v5  }
0x1c8: {  	v3 =	vor.u32 $0x4, v5  }
0x1c9: {  	v4 =	vor.u32 $0x5, v5;
	[tilespmem:v5+s10+$0x0] =	vst.idx.msk $0xffff, v28  }
0x1ca: {  	v28 =	vor.u32 $0x6, v5;
	[tilespmem:v0+s10+$0x0] =	vst.idx.msk $0xffff, v27  }
0x1cb: {  	v30 =	vor.u32 $0x7, v5;
	[tilespmem:v1+s10+$0x0] =	vst.idx.msk $0xffff, v25  }
0x1cc: {  	v31 =	vor.u32 $0x80, v5;
	[tilespmem:v2+s10+$0x0] =	vst.idx.msk $0xffff, v8  }
0x1cd: {  	v32 =	vor.u32 $0x81, v5;
	[tilespmem:v3+s10+$0x0] =	vst.idx.msk $0xffff, v24  }
0x1ce: {  	v33 =	vor.u32 $0x82, v5;
	[tilespmem:v4+s10+$0x0] =	vst.idx.msk $0xffff, v22  }
0x1cf: {  	v34 =	vor.u32 $0x83, v5;
	[tilespmem:v28+s10+$0x0] =	vst.idx.msk $0xffff, v21  }
0x1d0: {  	v35 =	vor.u32 $0x84, v5;
	[tilespmem:v30+s10+$0x0] =	vst.idx.msk $0xffff, v6  }
0x1d1: {  	v38 =	vor.u32 $0x85, v5;
	[tilespmem:v31+s10+$0x0] =	vst.idx.msk $0xffff, v16  }
0x1d2: {  	v41 =	vor.u32 $0x86, v5;
	[tilespmem:v32+s10+$0x0] =	vst.idx.msk $0xffff, v9  }
0x1d3: {  	v50 =	vld [tilespmem:$0x1FFE0];
	v44 =	vor.u32 $0x87, v5;
	[tilespmem:v33+s10+$0x0] =	vst.idx.msk $0xffff, v29  }
0x1d4: {  	v45 =	vor.u32 $0x100, v5;
	[tilespmem:v34+s10+$0x0] =	vst.idx.msk $0xffff, v10  }
0x1d5: {  	v47 =	vor.u32 $0x101, v5;
	[tilespmem:v35+s10+$0x0] =	vst.idx.msk $0xffff, v7  }
0x1d6: {  	v48 =	vor.u32 $0x102, v5;
	[tilespmem:v38+s10+$0x0] =	vst.idx.msk $0xffff, v14  }
0x1d7: {  	v49 =	vor.u32 $0x103, v5;
	[tilespmem:v41+s10+$0x0] =	vst.idx.msk $0xffff, v13  }
0x1d8: {  	v51 =	vor.u32 $0x104, v5;
	[tilespmem:v44+s10+$0x0] =	vst.idx.msk $0xffff, v50  }
0x1d9: {  	v52 =	vor.u32 $0x105, v5;
	[tilespmem:v45+s10+$0x0] =	vst.idx.msk $0xffff, v17  }
0x1da: {  	v53 =	vor.u32 $0x106, v5;
	[tilespmem:v47+s10+$0x0] =	vst.idx.msk $0xffff, v26  }
0x1db: {  	v54 =	vor.u32 $0x107, v5;
	[tilespmem:v48+s10+$0x0] =	vst.idx.msk $0xffff, v18  }
0x1dc: {  	v55 =	vor.u32 $0x180, v5;
	[tilespmem:v49+s10+$0x0] =	vst.idx.msk $0xffff, v37  }
0x1dd: {  	v56 =	vor.u32 $0x181, v5;
	[tilespmem:v51+s10+$0x0] =	vst.idx.msk $0xffff, v15  }
0x1de: {  	v57 =	vor.u32 $0x182, v5;
	[tilespmem:v52+s10+$0x0] =	vst.idx.msk $0xffff, v11  }
0x1df: {  	v58 =	vor.u32 $0x183, v5;
	[tilespmem:v53+s10+$0x0] =	vst.idx.msk $0xffff, v12  }
0x1e0: {  	v59 =	vor.u32 $0x184, v5;
	[tilespmem:v54+s10+$0x0] =	vst.idx.msk $0xffff, v46  }
0x1e1: {  	v60 =	vor.u32 $0x185, v5;
	[tilespmem:v55+s10+$0x0] =	vst.idx.msk $0xffff, v43  }
0x1e2: {  	v63 =	vld [tilespmem:$0x1FFD0];
	v61 =	vor.u32 $0x186, v5;
	[tilespmem:v56+s10+$0x0] =	vst.idx.msk $0xffff, v42  }
0x1e3: {  	v62 =	vor.u32 $0x187, v5;
	[tilespmem:v57+s10+$0x0] =	vst.idx.msk $0xffff, v40  }
0x1e4: {  	[tilespmem:v58+s10+$0x0] =	vst.idx.msk $0xffff, v36  }
0x1e5: {  	[tilespmem:v59+s10+$0x0] =	vst.idx.msk $0xffff, v20  }
0x1e6: {  	s13 =	sadd.s32 $0x1, s13;
	[tilespmem:v60+s10+$0x0] =	vst.idx.msk $0xffff, v19  }
0x1e7: {  	s14 =	sshll.u32 s14, $0x6;
	p0 =	sne.s32 s13, $0x3;
	[tilespmem:v61+s10+$0x0] =	vst.idx.msk $0xffff, v63  }
.Ltmp3:
0x1e8: {  	s14 =	sadd.s32 s1, s14;
	[tilespmem:v62+s10+$0x0] =	vst.idx.msk $0xffff, v39;
	(pc) =	sbr.rel @p0 .LBB2_2-.Ltmp3, $4  }
0x1e9: {  	[hbm4b:s14+s3] =	stream.linear.scatter [tilespmem:s10], [sflag:$0x3], $0x200, $0x38;
	[tilespmem:$0x10200] =	vst v63  }
0x1ea: {  	_ =	swait.ge [sflag:s11], $0x200  }
0x1eb: {  	[sflag:s11] =	ssyncset.done $0x0  }
0x1ec: {  	[sflag:s11] =	ssyncadd.s32 $0xFFFFFE00  }
0x1ed: {  	s12 =	sadd.s32 $0x1, s12  }
0x1ee: {  	p0 =	sne.s32 s12, s6  }
.Ltmp4:
0x1ef: {  	_ = 	snop;
	(pc) =	sbr.rel @p0 .LBB2_1-.Ltmp4, $1  }
0x1f0: {  	_ =	sdelay $0x3  }
0x1f1: {  	_ =	sfence.sel $0x180000  }
0x1f2: {  	[bflag:$0x0] =	sbarrier.arrive $0xFFFF  }
0x1f3: {  	p0 =	sne.s32 s2, $0x0;
	_ =	strace $0x90000047  }
0x1f4: {  	s0 =	sadd.s32 @!p0 $0x100000, s0;
	[bflag:$0x2] =	sbarrier.arrive $0xFFFF  }
0x1f5: {  	[sflag:s0] =	ssyncadd.tile.s32 @!p0 $0x1;
	_ =	shalt  }
.Lfunc_end2:
_tile_overlayer_lowered:
.L_overlay_start_2:
0x1f6: {  	(tag) =	ssettag $0x2  }
0x1f7: {  	s0 =	rddreg [dreg:$0x0];
	s2 =	stileid.u32  }
0x1f8: {  	s1 =	rddreg [dreg:$0x1];
	p0 =	sne.s32 s2, $0x0  }
0x1f9: {  	s3 =	rddreg [dreg:$0x2];
	[bflag:$0x3] =	sbarrier.arrive $0xFFFF;
	s2 =	simm.s32 @!p0 $0x1C03  }
0x1fa: {  	[timem:s3], [sflag:s2] =	dma.local @!p0 [hbm:s0], s1  }
0x1fb: {  	s0 =	simm.s32 @!p0 $0x3  }
0x1fc: {  	_ =	swait.ge @!p0 [sflag:s0], s1  }
0x1fd: {  	s1 =	ssub.s32 @!p0 $0x0, s1;
	[sflag:s0] =	ssyncset.done @!p0 $0x0  }
0x1fe: {  	[sflag:s0] =	ssyncadd.s32 @!p0 s1  }
0x1ff: {  	[bflag:$0x3] =	sbarrier.arrive $0xFFFF  }
0x200: {  	_ =	shalt  }

</sc_bundles>
